<compile_context>
chip_gen: v7x
topology: tpu7x:2x2x1
jax: 0.10.2.dev20260603
libtpu: 0.0.44.dev20260713+nightly
codegen_flags: <defaults>
</compile_context>

<pallas_src>
import functools

import jax
import jax.numpy as jnp
from jax import lax
from jax.experimental import pallas as pl
from jax.experimental.pallas import tpu as pltpu
from jax.experimental.pallas import tpu_sc as plsc

N = 10000
D = 128
H = 64
C = 40

NC = 2
NS = 16
NW = NC * NS

NPAD = 10240
ROWS_PER_TILE = NPAD // NS
CHUNK = 128

BN = 1024
GRID = NPAD // BN


def _mesh():
    return plsc.VectorSubcoreMesh(core_axis_name="c", subcore_axis_name="s")


_SC_PARAMS = pltpu.CompilerParams(use_tc_tiling_on_sc=False)


def _make_deg_kernel(n_chunks):
    @functools.partial(
        pl.kernel,
        out_type=jax.ShapeDtypeStruct((NC, NPAD), jnp.float32),
        mesh=_mesh(),
        compiler_params=_SC_PARAMS,
        scratch_types=dict(
            dst_v=pltpu.VMEM((n_chunks, CHUNK), jnp.int32),
            ones_v=pltpu.VMEM((CHUNK,), jnp.float32),
            zbuf=pltpu.VMEM((ROWS_PER_TILE,), jnp.float32),
            acc=pltpu.VMEM_SHARED((NPAD,), jnp.float32),
            sem=pltpu.SemaphoreType.DMA,
        ),
    )
    def deg_kernel(dst_hbm, deg_out, dst_v, ones_v, zbuf, acc, sem):
        cid = lax.axis_index("c")
        sid = lax.axis_index("s")
        wid = sid * NC + cid

        def fill_ones(i, _):
            ones_v[pl.ds(i * 16, 16)] = jnp.ones((16,), jnp.float32)
            zbuf[pl.ds(i * 16, 16)] = jnp.zeros((16,), jnp.float32)
            return 0

        lax.fori_loop(0, CHUNK // 16, fill_ones, 0)

        def fill_z(i, _):
            zbuf[pl.ds(i * 16, 16)] = jnp.zeros((16,), jnp.float32)
            return 0

        lax.fori_loop(CHUNK // 16, ROWS_PER_TILE // 16, fill_z, 0)

        copy_idx = pltpu.async_copy(dst_hbm.at[wid], dst_v, sem)
        pltpu.sync_copy(zbuf, acc.at[pl.ds(sid * ROWS_PER_TILE, ROWS_PER_TILE)])
        copy_idx.wait()
        plsc.subcore_barrier()

        def body(j, _):
            pltpu.sync_copy(ones_v, acc.at[dst_v.at[j]], add=True)
            return 0

        lax.fori_loop(0, n_chunks, body, 0)
        plsc.subcore_barrier()

        pltpu.sync_copy(
            acc.at[pl.ds(sid * ROWS_PER_TILE, ROWS_PER_TILE)],
            deg_out.at[cid, pl.ds(sid * ROWS_PER_TILE, ROWS_PER_TILE)],
        )

    return deg_kernel


def _make_agg_kernel(n_chunks):
    @functools.partial(
        pl.kernel,
        out_type=jax.ShapeDtypeStruct((NC, NPAD, H), jnp.bfloat16),
        mesh=_mesh(),
        compiler_params=_SC_PARAMS,
        scratch_types=dict(
            src_v=pltpu.VMEM((n_chunks, CHUNK), jnp.int32),
            dst_v=pltpu.VMEM((n_chunks, CHUNK), jnp.int32),
            rows_v=pltpu.VMEM((3, CHUNK, H), jnp.bfloat16),
            hs_s=pltpu.VMEM_SHARED((NPAD, H), jnp.bfloat16),
            acc=pltpu.VMEM_SHARED((NPAD, H), jnp.bfloat16),
            sem_g=pltpu.SemaphoreType.DMA,
            sem_s=pltpu.SemaphoreType.DMA,
            sem_i=pltpu.SemaphoreType.DMA,
        ),
    )
    def agg_kernel(hs_hbm, src_hbm, dst_hbm, p_out,
                   src_v, dst_v, rows_v, hs_s, acc, sem_g, sem_s, sem_i):
        cid = lax.axis_index("c")
        sid = lax.axis_index("s")
        wid = sid * NC + cid
        sl = pl.ds(sid * ROWS_PER_TILE, ROWS_PER_TILE)

        c_src = pltpu.async_copy(src_hbm.at[wid], src_v, sem_i)
        c_dst = pltpu.async_copy(dst_hbm.at[wid], dst_v, sem_i)
        c_hs = pltpu.async_copy(hs_hbm.at[sl], hs_s.at[sl], sem_i)

        def fill_z(r, _):
            for c4 in range(H // 32):
                rows_v[0, r, pl.ds(c4 * 32, 32)] = jnp.zeros((32,),
                                                             jnp.bfloat16)
            return 0

        lax.fori_loop(0, CHUNK, fill_z, 0)
        for k in range(ROWS_PER_TILE // CHUNK):
            pltpu.sync_copy(
                rows_v.at[0],
                acc.at[pl.ds(sid * ROWS_PER_TILE + k * CHUNK, CHUNK)])
        c_src.wait()
        c_dst.wait()
        c_hs.wait()
        plsc.subcore_barrier()

        def gather(j):
            pltpu.async_copy(hs_s.at[src_v.at[j]],
                             rows_v.at[lax.rem(j, 3)], sem_g)

        def scatter(j):
            pltpu.async_copy(rows_v.at[lax.rem(j, 3)],
                             acc.at[dst_v.at[j]], sem_s, add=True)

        def drain(sem):
            pltpu.make_async_copy(hs_hbm.at[src_v.at[0]], rows_v.at[0],
                                  sem).wait()

        for j0 in range(2):
            gather(j0)

        def body(j, _):
            drain(sem_g)
            scatter(j)

            @pl.when(j >= 1)
            def _():
                drain(sem_s)

            @pl.when(j + 2 < n_chunks)
            def _():
                gather(j + 2)
            return 0

        lax.fori_loop(0, n_chunks, body, 0)
        drain(sem_s)
        plsc.subcore_barrier()

        pltpu.sync_copy(
            acc.at[pl.ds(sid * ROWS_PER_TILE, ROWS_PER_TILE)],
            p_out.at[cid, pl.ds(sid * ROWS_PER_TILE, ROWS_PER_TILE)],
        )

    return agg_kernel


BN2 = BN // 2


def _halves(v):
    return v[:, :H], v[:, H:]


def _node_scalar(dlane, par):
    n = 2 * lax.broadcasted_iota(jnp.int32, (BN2, 1), 0) + par
    rowm = (lax.broadcasted_iota(jnp.int32, (BN2, BN // 128), 1)
            == (n >> 7)).astype(jnp.float32)
    t = jnp.dot(rowm, dlane, preferred_element_type=jnp.float32)
    lanem = lax.broadcasted_iota(jnp.int32, (BN2, 128), 1) == (n & 127)
    return jnp.sum(jnp.where(lanem, t, 0.0), axis=1, keepdims=True)


def _tc1_body(deg_ref, x_ref, w_ref, dinv_ref, hs_ref):
    d = deg_ref[0] + deg_ref[1] + 1.0
    da = jnp.broadcast_to(lax.rsqrt(_node_scalar(d, 0)), (BN2, H))
    db = jnp.broadcast_to(lax.rsqrt(_node_scalar(d, 1)), (BN2, H))
    dinv_ref[...] = jnp.concatenate([da, db], axis=1)
    xa, xb = x_ref[...][:, :D], x_ref[...][:, D:]
    w = w_ref[...]
    ha = jnp.dot(xa, w, preferred_element_type=jnp.float32) * da
    hb = jnp.dot(xb, w, preferred_element_type=jnp.float32) * db
    hs_ref[...] = jnp.concatenate([ha, hb], axis=1).astype(jnp.bfloat16)


def _agg_f32(p_ref, hs_ref):
    return (p_ref[0].astype(jnp.float32) + p_ref[1].astype(jnp.float32)
            + hs_ref[...].astype(jnp.float32))


def _tc2_body(p_ref, hs_ref, dinv_ref, b1_ref, w2_ref, out_ref):
    dinv = dinv_ref[...]
    agg = _agg_f32(p_ref, hs_ref) * dinv + b1_ref[...]
    h1 = jnp.maximum(agg, 0.0)
    h1a, h1b = _halves(h1)
    w = w2_ref[...]
    oa = jnp.dot(h1a, w, preferred_element_type=jnp.float32)
    ob = jnp.dot(h1b, w, preferred_element_type=jnp.float32)
    out_ref[...] = (jnp.concatenate([oa, ob], axis=1)
                    * dinv).astype(jnp.bfloat16)


def _head_half(o, g, bt, y, nbase):
    mu = jnp.mean(o, axis=1, keepdims=True)
    ctr = o - mu
    var = jnp.mean(ctr * ctr, axis=1, keepdims=True)
    o = ctr * lax.rsqrt(var + 1e-5) * g + bt
    m = jnp.max(o, axis=1, keepdims=True)
    lse = m + jnp.log(jnp.sum(jnp.exp(o - m), axis=1, keepdims=True))
    cls = lax.broadcasted_iota(jnp.int32, (BN2, C), 1).astype(jnp.float32)
    tgt = jnp.sum(jnp.where(cls == y, o, 0.0), axis=1, keepdims=True)
    rows = nbase + 2 * lax.broadcasted_iota(jnp.int32, (BN2, 1), 0)
    return jnp.sum(jnp.where(rows < N, tgt - lse, 0.0))


def _tc3_body(p_ref, hs_ref, dinv_ref, b2_ref, wc1_ref, bc1_ref, wc2_ref,
              bc2_ref, g_ref, bt_ref, y_ref, loss_ref, acc_ref):
    i = pl.program_id(0)
    h2 = _agg_f32(p_ref, hs_ref) * dinv_ref[...] + b2_ref[...]
    h2a, h2b = _halves(h2)
    wc1 = wc1_ref[...]
    wc2 = wc2_ref[...]
    g = g_ref[...]
    bt = bt_ref[...]
    yf = y_ref[...].astype(jnp.float32)
    part = 0.0
    for k, hh in enumerate((h2a, h2b)):
        t = jnp.maximum(jnp.dot(hh, wc1, preferred_element_type=jnp.float32)
                        + bc1_ref[...], 0.0)
        o = jnp.dot(t, wc2, preferred_element_type=jnp.float32) + bc2_ref[...]
        part += _head_half(o, g, bt, _node_scalar(yf, k), i * BN + k)
    tot = jnp.where(i == 0, 0.0, acc_ref[0, 0]) + part
    acc_ref[0, 0] = tot

    @pl.when(i == GRID - 1)
    def _():
        loss_ref[0, 0] = -tot / N


def kernel(x, edge_index, y, W1, b1, W2, b2, Wc1, bc1, Wc2, bc2, gamma, beta):
    e = edge_index.shape[1]
    e_per_tile = -(-e // (NW * CHUNK)) * CHUNK
    n_chunks = e_per_tile // CHUNK
    epad = e_per_tile * NW

    NP2 = NPAD // 2
    xv = jnp.pad(x.reshape(N // 2, 2 * D).astype(jnp.float32),
                 ((0, NP2 - N // 2), (0, 0)))
    er = jnp.pad(edge_index.astype(jnp.int32), ((0, 0), (0, epad - e)),
                 constant_values=NPAD - 1)
    src_r = er[0].reshape(NW, n_chunks, CHUNK)
    dst_r = er[1].reshape(NW, n_chunks, CHUNK)
    yv = jnp.pad(y.astype(jnp.int32).reshape(N), (0, NPAD - N)
                 ).reshape(NPAD // 128, 128)

    deg_p = _make_deg_kernel(n_chunks)(dst_r)
    deg_v = deg_p.reshape(NC, NPAD // 128, 128)

    dinvv, hs1v = pl.pallas_call(
        _tc1_body,
        grid=(GRID,),
        in_specs=[
            pl.BlockSpec((NC, BN // 128, 128), lambda i: (0, i, 0)),
            pl.BlockSpec((BN2, 2 * D), lambda i: (i, 0)),
            pl.BlockSpec((D, H), lambda i: (0, 0)),
        ],
        out_specs=[
            pl.BlockSpec((BN2, 2 * H), lambda i: (i, 0)),
            pl.BlockSpec((BN2, 2 * H), lambda i: (i, 0)),
        ],
        out_shape=[
            jax.ShapeDtypeStruct((NP2, 2 * H), jnp.float32),
            jax.ShapeDtypeStruct((NP2, 2 * H), jnp.bfloat16),
        ],
    )(deg_v, xv, W1)

    agg = _make_agg_kernel(n_chunks)

    def paired_specs():
        return [
            pl.BlockSpec((NC, BN2, 2 * H), lambda i: (0, i, 0)),
            pl.BlockSpec((BN2, 2 * H), lambda i: (i, 0)),
            pl.BlockSpec((BN2, 2 * H), lambda i: (i, 0)),
        ]

    p1 = agg(hs1v.reshape(NPAD, H), src_r, dst_r)

    hs2v = pl.pallas_call(
        _tc2_body,
        grid=(GRID,),
        in_specs=paired_specs() + [
            pl.BlockSpec((1, 2 * H), lambda i: (0, 0)),
            pl.BlockSpec((H, H), lambda i: (0, 0)),
        ],
        out_specs=pl.BlockSpec((BN2, 2 * H), lambda i: (i, 0)),
        out_shape=jax.ShapeDtypeStruct((NP2, 2 * H), jnp.bfloat16),
    )(p1.reshape(NC, NP2, 2 * H), hs1v, dinvv,
      jnp.tile(b1.reshape(1, H), (1, 2)), W2)

    p2 = agg(hs2v.reshape(NPAD, H), src_r, dst_r)

    loss = pl.pallas_call(
        _tc3_body,
        grid=(GRID,),
        in_specs=paired_specs() + [
            pl.BlockSpec((1, 2 * H), lambda i: (0, 0)),
            pl.BlockSpec((H, H), lambda i: (0, 0)),
            pl.BlockSpec((1, H), lambda i: (0, 0)),
            pl.BlockSpec((H, C), lambda i: (0, 0)),
            pl.BlockSpec((1, C), lambda i: (0, 0)),
            pl.BlockSpec((1, C), lambda i: (0, 0)),
            pl.BlockSpec((1, C), lambda i: (0, 0)),
            pl.BlockSpec((BN // 128, 128), lambda i: (i, 0)),
        ],
        out_specs=pl.BlockSpec((1, 1), lambda i: (0, 0),
                               memory_space=pltpu.SMEM),
        out_shape=jax.ShapeDtypeStruct((1, 1), jnp.float32),
        scratch_shapes=[pltpu.SMEM((1, 1), jnp.float32)],
    )(p2.reshape(NC, NP2, 2 * H), hs2v, dinvv,
      jnp.tile(b2.reshape(1, H), (1, 2)), Wc1, bc1.reshape(1, H), Wc2,
      bc2.reshape(1, C), gamma.reshape(1, C), beta.reshape(1, C), yv)

    return loss[0, 0]

# --- scband reference (transcript-rebuilt; emitter-appended) ---
"""Pipeline reference for scband-base-22419729285695 (READ-ONLY COPY).

The authoritative reference and input builder live on the scoring server;
editing this copy changes nothing except your own understanding.
"""

import jax, jax.numpy as jnp
import numpy as np

N = 10000
E = 320000
D = 128
H = 64
C = 40


def setup_inputs(seed: int = 0) -> dict:
    key = jax.random.key(seed)
    ks = jax.random.split(key, 12)
    x = jax.random.normal(ks[0], (N, D), dtype=jnp.float32)
    edge_index = jax.random.randint(ks[1], (2, E), 0, N, dtype=jnp.int64)
    y = jax.random.randint(ks[2], (N, 1), 0, C, dtype=jnp.int64)
    # GCN conv params (num_layers=2, in=D, hidden=H, out=H)
    W1 = jax.random.normal(ks[3], (D, H), dtype=jnp.float32) * 0.05
    b1 = jnp.zeros((H,), dtype=jnp.float32)
    W2 = jax.random.normal(ks[4], (H, H), dtype=jnp.float32) * 0.05
    b2 = jnp.zeros((H,), dtype=jnp.float32)
    # Node_Cls params: Linear(H,H) -> ReLU -> Linear(H,C) -> LayerNorm(C)
    Wc1 = jax.random.normal(ks[5], (H, H), dtype=jnp.float32) * 0.05
    bc1 = jnp.zeros((H,), dtype=jnp.float32)
    Wc2 = jax.random.normal(ks[6], (H, C), dtype=jnp.float32) * 0.05
    bc2 = jnp.zeros((C,), dtype=jnp.float32)
    gamma = jnp.ones((C,), dtype=jnp.float32)
    beta = jnp.zeros((C,), dtype=jnp.float32)
    return {"x": x, "edge_index": edge_index, "y": y, "W1": W1, "b1": b1,
            "W2": W2, "b2": b2, "Wc1": Wc1, "bc1": bc1, "Wc2": Wc2,
            "bc2": bc2, "gamma": gamma, "beta": beta}


def _gcn_norm(edge_index, n):
    # add self loops + symmetric normalization (PyG GCNConv default)
    loop = jnp.arange(n, dtype=edge_index.dtype)
    src = jnp.concatenate([edge_index[0], loop])
    dst = jnp.concatenate([edge_index[1], loop])
    ones = jnp.ones(src.shape[0], dtype=jnp.float32)
    deg = jnp.zeros((n,), dtype=jnp.float32).at[dst].add(ones)
    dinv = jnp.where(deg > 0, deg ** -0.5, 0.0)
    norm = dinv[src] * dinv[dst]
    return src, dst, norm


def _gcn_conv(x, W, b, src, dst, norm, n):
    h = x @ W
    msg = h[src] * norm[:, None]
    out = jnp.zeros((n, h.shape[1]), dtype=h.dtype).at[dst].add(msg)
    return out + b


def reference(x, edge_index, y, W1, b1, W2, b2, Wc1, bc1, Wc2, bc2, gamma, beta):
    n = x.shape[0]
    src, dst, norm = _gcn_norm(edge_index, n)
    # GCN (no_bn=True, dropout=0.0, eval): conv -> relu -> conv
    h = _gcn_conv(x, W1, b1, src, dst, norm, n)
    h = jax.nn.relu(h)
    h = _gcn_conv(h, W2, b2, src, dst, norm, n)
    # Node_Cls head
    o = h @ Wc1 + bc1
    o = jax.nn.relu(o)
    o = o @ Wc2 + bc2
    mu = jnp.mean(o, axis=-1, keepdims=True)
    var = jnp.var(o, axis=-1, keepdims=True)
    o = (o - mu) / jnp.sqrt(var + 1e-5) * gamma + beta
    # sup_loss: log_softmax + NLL (dataset='cora', rocauc=False)
    logp = jax.nn.log_softmax(o, axis=1)
    tgt = y.squeeze(1)
    loss = -jnp.mean(logp[jnp.arange(n), tgt])
    return loss

if __name__ == "__main__":
    import jax
    _d = setup_inputs()
    print(jax.jit(kernel)(*tuple(_d.values())))

</pallas_src>

<mosaic_0001>
#map = affine_map<(d0, d1) -> (0, 0)>
#map1 = affine_map<(d0, d1) -> (0, 0, 0)>
module attributes {stable_mosaic.version = 14 : i64} {
  func.func @agg_kernel(%arg0: i32, %arg1: i32, %arg2: memref<10240x64xbf16, #tpu.memory_space<hbm>>, %arg3: memref<32x79x128xi32, #tpu.memory_space<hbm>>, %arg4: memref<32x79x128xi32, #tpu.memory_space<hbm>>, %arg5: memref<2x10240x64xbf16, #tpu.memory_space<hbm>>, %arg6: memref<10240x64xbf16, #tpu.memory_space<vmem_shared>>, %arg7: memref<79x128xi32, #tpu.memory_space<vmem>>, %arg8: memref<10240x64xbf16, #tpu.memory_space<vmem_shared>>, %arg9: memref<3x128x64xbf16, #tpu.memory_space<vmem>>, %arg10: memref<!tpu.dma_semaphore, #tpu.memory_space<semaphore_mem>>, %arg11: memref<!tpu.dma_semaphore, #tpu.memory_space<semaphore_mem>>, %arg12: memref<!tpu.dma_semaphore, #tpu.memory_space<semaphore_mem>>, %arg13: memref<79x128xi32, #tpu.memory_space<vmem>>) attributes {dimension_semantics = [#tpu.dimension_semantics<core_parallel>, #tpu.dimension_semantics<subcore_parallel>], iteration_bounds = array<i64: 2, 16>, scalar_prefetch = 0 : i64, scratch_operands = 8 : i64, tpu.core_type = #tpu.core_type<sc_vector_subcore>, window_params = [{transform_indices = #map}, {transform_indices = #map1}, {transform_indices = #map1}, {transform_indices = #map1}]} {
    %mul3A = arith.constant 2 : i32
    %mul3A_0 = arith.muli %arg1, %mul3A : i32
    %add3A = arith.addi %mul3A_0, %arg0 : i32
    %mul3A_1 = arith.constant 640 : i32
    %mul3A_2 = arith.muli %arg1, %mul3A_1 : i32
    %dma_start3A = arith.constant 0 : i32
    %dma_start3A_3 = arith.constant 0 : i32
    %dma_start3A_4 = tpu.memref_slice %arg3[%add3A, %dma_start3A, %dma_start3A_3] : memref<32x79x128xi32, #tpu.memory_space<hbm>> -> memref<1x79x128xi32, #tpu.memory_space<hbm>>
    %dma_start3A_5 = tpu.memref_squeeze %dma_start3A_4 : memref<1x79x128xi32, #tpu.memory_space<hbm>> -> memref<79x128xi32, #tpu.memory_space<hbm>>
    %dma_start3A_6 = arith.constant 0 : i32
    %dma_start3A_7 = arith.constant 0 : i32
    %dma_start3A_8 = tpu.memref_slice %arg3[%add3A, %dma_start3A_6, %dma_start3A_7] : memref<32x79x128xi32, #tpu.memory_space<hbm>> -> memref<1x79x128xi32, #tpu.memory_space<hbm>>
    %dma_start3A_9 = tpu.memref_squeeze %dma_start3A_8 : memref<1x79x128xi32, #tpu.memory_space<hbm>> -> memref<79x128xi32, #tpu.memory_space<hbm>>
    tpu.enqueue_dma source(%dma_start3A_9 : memref<79x128xi32, #tpu.memory_space<hbm>>) target(%arg13 : memref<79x128xi32, #tpu.memory_space<vmem>>) target_semaphore(%arg11 : memref<!tpu.dma_semaphore, #tpu.memory_space<semaphore_mem>>)
    %dma_start3A_10 = arith.constant 0 : i32
    %dma_start3A_11 = arith.constant 0 : i32
    %dma_start3A_12 = tpu.memref_slice %arg4[%add3A, %dma_start3A_10, %dma_start3A_11] : memref<32x79x128xi32, #tpu.memory_space<hbm>> -> memref<1x79x128xi32, #tpu.memory_space<hbm>>
    %dma_start3A_13 = tpu.memref_squeeze %dma_start3A_12 : memref<1x79x128xi32, #tpu.memory_space<hbm>> -> memref<79x128xi32, #tpu.memory_space<hbm>>
    %dma_start3A_14 = arith.constant 0 : i32
    %dma_start3A_15 = arith.constant 0 : i32
    %dma_start3A_16 = tpu.memref_slice %arg4[%add3A, %dma_start3A_14, %dma_start3A_15] : memref<32x79x128xi32, #tpu.memory_space<hbm>> -> memref<1x79x128xi32, #tpu.memory_space<hbm>>
    %dma_start3A_17 = tpu.memref_squeeze %dma_start3A_16 : memref<1x79x128xi32, #tpu.memory_space<hbm>> -> memref<79x128xi32, #tpu.memory_space<hbm>>
    tpu.enqueue_dma source(%dma_start3A_17 : memref<79x128xi32, #tpu.memory_space<hbm>>) target(%arg7 : memref<79x128xi32, #tpu.memory_space<vmem>>) target_semaphore(%arg11 : memref<!tpu.dma_semaphore, #tpu.memory_space<semaphore_mem>>)
    %dma_start3A_18 = arith.constant 0 : i32
    %dma_start3A_19 = tpu.memref_slice %arg8[%mul3A_2, %dma_start3A_18] : memref<10240x64xbf16, #tpu.memory_space<vmem_shared>> -> memref<640x64xbf16, #tpu.memory_space<vmem_shared>>
    %dma_start3A_20 = arith.constant 0 : i32
    %dma_start3A_21 = tpu.memref_slice %arg2[%mul3A_2, %dma_start3A_20] : memref<10240x64xbf16, #tpu.memory_space<hbm>> -> memref<640x64xbf16, #tpu.memory_space<hbm>>
    tpu.enqueue_dma source(%dma_start3A_21 : memref<640x64xbf16, #tpu.memory_space<hbm>>) target(%dma_start3A_19 : memref<640x64xbf16, #tpu.memory_space<vmem_shared>>) target_semaphore(%arg11 : memref<!tpu.dma_semaphore, #tpu.memory_space<semaphore_mem>>)
    %scan3A = arith.constant 0 : i32
    %scan3A_22 = arith.constant 0 : i32
    %scan3A_23 = arith.constant 128 : i32
    %scan3A_24 = arith.addi %scan3A_22, %scan3A_23 : i32
    %scan3A_25 = arith.constant 1 : i32
    %scan3A_26 = scf.for %scan3A_122 = %scan3A_22 to %scan3A_24 step %scan3A_25 iter_args(%scan3A_123 = %scan3A) -> (i32)  : i32 {
      %broadcast_in_dim3A = arith.constant 0.000000e+00 : bf16
      %broadcast_in_dim3A_124 = vector.broadcast %broadcast_in_dim3A : bf16 to vector<32xbf16>
      %swap3A = arith.constant 0 : i32
      %swap3A_125 = arith.index_cast %swap3A : i32 to index
      %swap3A_126 = arith.index_cast %scan3A_122 : i32 to index
      %swap3A_127 = arith.constant 0 : index
      %swap3A_128 = tpu.vector_load %arg9[%swap3A_125, %swap3A_126, %swap3A_127] {strides = array<i32>} : memref<3x128x64xbf16, #tpu.memory_space<vmem>>, vector<1x1x32xbf16>,
      %swap3A_129 = vector.shape_cast %swap3A_128 : vector<1x1x32xbf16> to vector<32xbf16>
      %swap3A_130 = vector.shape_cast %broadcast_in_dim3A_124 : vector<32xbf16> to vector<1x1x32xbf16>
      tpu.vector_store %arg9[%swap3A_125, %swap3A_126, %swap3A_127], %swap3A_130 {strides = array<i32>} : memref<3x128x64xbf16, #tpu.memory_space<vmem>>, vector<1x1x32xbf16>,
      %broadcast_in_dim3A_131 = arith.constant 0.000000e+00 : bf16
      %broadcast_in_dim3A_132 = vector.broadcast %broadcast_in_dim3A_131 : bf16 to vector<32xbf16>
      %swap3A_133 = arith.constant 0 : i32
      %swap3A_134 = arith.index_cast %swap3A_133 : i32 to index
      %swap3A_135 = arith.index_cast %scan3A_122 : i32 to index
      %swap3A_136 = arith.constant 32 : index
      %swap3A_137 = tpu.vector_load %arg9[%swap3A_134, %swap3A_135, %swap3A_136] {strides = array<i32>} : memref<3x128x64xbf16, #tpu.memory_space<vmem>>, vector<1x1x32xbf16>,
      %swap3A_138 = vector.shape_cast %swap3A_137 : vector<1x1x32xbf16> to vector<32xbf16>
      %swap3A_139 = vector.shape_cast %broadcast_in_dim3A_132 : vector<32xbf16> to vector<1x1x32xbf16>
      tpu.vector_store %arg9[%swap3A_134, %swap3A_135, %swap3A_136], %swap3A_139 {strides = array<i32>} : memref<3x128x64xbf16, #tpu.memory_space<vmem>>, vector<1x1x32xbf16>,
      %scan3A_140 = arith.constant 0 : i32
      scf.yield %scan3A_140 : i32
    }
    %scan3A_27 = arith.constant 128 : i32
    %mul3A_28 = arith.constant 640 : i32
    %mul3A_29 = arith.muli %arg1, %mul3A_28 : i32
    %add3A_30 = arith.constant 0 : i32
    %add3A_31 = arith.addi %mul3A_29, %add3A_30 : i32
    %run_scoped3A = arith.constant 0 : i32
    "tpu.region"() ({
      %run_scoped3A_122 = tpu.sem_alloc : memref<!tpu.dma_semaphore, #tpu.memory_space<semaphore_mem>>
      %dma_start3A_123 = arith.constant 0 : i32
      %dma_start3A_124 = arith.constant 0 : i32
      %dma_start3A_125 = tpu.memref_slice %arg9[%run_scoped3A, %dma_start3A_123, %dma_start3A_124] : memref<3x128x64xbf16, #tpu.memory_space<vmem>> -> memref<1x128x64xbf16, #tpu.memory_space<vmem>>
      %dma_start3A_126 = tpu.memref_squeeze %dma_start3A_125 : memref<1x128x64xbf16, #tpu.memory_space<vmem>> -> memref<128x64xbf16, #tpu.memory_space<vmem>>
      %dma_start3A_127 = arith.constant 0 : i32
      %dma_start3A_128 = tpu.memref_slice %arg6[%add3A_31, %dma_start3A_127] : memref<10240x64xbf16, #tpu.memory_space<vmem_shared>> -> memref<128x64xbf16, #tpu.memory_space<vmem_shared>>
      %dma_start3A_129 = arith.constant 0 : i32
      %dma_start3A_130 = tpu.memref_slice %arg6[%add3A_31, %dma_start3A_129] : memref<10240x64xbf16, #tpu.memory_space<vmem_shared>> -> memref<128x64xbf16, #tpu.memory_space<vmem_shared>>
      %dma_start3A_131 = arith.constant 0 : i32
      %dma_start3A_132 = arith.constant 0 : i32
      %dma_start3A_133 = tpu.memref_slice %arg9[%run_scoped3A, %dma_start3A_131, %dma_start3A_132] : memref<3x128x64xbf16, #tpu.memory_space<vmem>> -> memref<1x128x64xbf16, #tpu.memory_space<vmem>>
      %dma_start3A_134 = tpu.memref_squeeze %dma_start3A_133 : memref<1x128x64xbf16, #tpu.memory_space<vmem>> -> memref<128x64xbf16, #tpu.memory_space<vmem>>
      tpu.enqueue_dma source(%dma_start3A_134 : memref<128x64xbf16, #tpu.memory_space<vmem>>) target(%dma_start3A_130 : memref<128x64xbf16, #tpu.memory_space<vmem_shared>>) target_semaphore(%run_scoped3A_122 : memref<!tpu.dma_semaphore, #tpu.memory_space<semaphore_mem>>)
      %dma_wait3A_135 = arith.constant 0 : i32
      %dma_wait3A_136 = arith.constant 0 : i32
      %dma_wait3A_137 = tpu.memref_slice %arg9[%run_scoped3A, %dma_wait3A_135, %dma_wait3A_136] : memref<3x128x64xbf16, #tpu.memory_space<vmem>> -> memref<1x128x64xbf16, #tpu.memory_space<vmem>>
      %dma_wait3A_138 = tpu.memref_squeeze %dma_wait3A_137 : memref<1x128x64xbf16, #tpu.memory_space<vmem>> -> memref<128x64xbf16, #tpu.memory_space<vmem>>
      %dma_wait3A_139 = arith.constant 0 : i32
      %dma_wait3A_140 = tpu.memref_slice %arg6[%add3A_31, %dma_wait3A_139] : memref<10240x64xbf16, #tpu.memory_space<vmem_shared>> -> memref<128x64xbf16, #tpu.memory_space<vmem_shared>>
      %dma_wait3A_141 = arith.constant 0 : i32
      %dma_wait3A_142 = tpu.memref_slice %arg6[%add3A_31, %dma_wait3A_141] : memref<10240x64xbf16, #tpu.memory_space<vmem_shared>> -> memref<128x64xbf16, #tpu.memory_space<vmem_shared>>
      %dma_wait3A_143 = arith.constant 0 : i32
      %dma_wait3A_144 = arith.constant 0 : i32
      %dma_wait3A_145 = tpu.memref_slice %arg9[%run_scoped3A, %dma_wait3A_143, %dma_wait3A_144] : memref<3x128x64xbf16, #tpu.memory_space<vmem>> -> memref<1x128x64xbf16, #tpu.memory_space<vmem>>
      %dma_wait3A_146 = tpu.memref_squeeze %dma_wait3A_145 : memref<1x128x64xbf16, #tpu.memory_space<vmem>> -> memref<128x64xbf16, #tpu.memory_space<vmem>>
      tpu.wait_dma2 semaphore(%run_scoped3A_122 : memref<!tpu.dma_semaphore, #tpu.memory_space<semaphore_mem>>) src(%dma_wait3A_146 : memref<128x64xbf16, #tpu.memory_space<vmem>>) dst(%dma_wait3A_142 : memref<128x64xbf16, #tpu.memory_space<vmem_shared>>)
      tpu.yield
    }) : () -> ()
    %mul3A_32 = arith.constant 640 : i32
    %mul3A_33 = arith.muli %arg1, %mul3A_32 : i32
    %add3A_34 = arith.constant 128 : i32
    %add3A_35 = arith.addi %mul3A_33, %add3A_34 : i32
    %run_scoped3A_36 = arith.constant 0 : i32
    "tpu.region"() ({
      %run_scoped3A_122 = tpu.sem_alloc : memref<!tpu.dma_semaphore, #tpu.memory_space<semaphore_mem>>
      %dma_start3A_123 = arith.constant 0 : i32
      %dma_start3A_124 = arith.constant 0 : i32
      %dma_start3A_125 = tpu.memref_slice %arg9[%run_scoped3A_36, %dma_start3A_123, %dma_start3A_124] : memref<3x128x64xbf16, #tpu.memory_space<vmem>> -> memref<1x128x64xbf16, #tpu.memory_space<vmem>>
      %dma_start3A_126 = tpu.memref_squeeze %dma_start3A_125 : memref<1x128x64xbf16, #tpu.memory_space<vmem>> -> memref<128x64xbf16, #tpu.memory_space<vmem>>
      %dma_start3A_127 = arith.constant 0 : i32
      %dma_start3A_128 = tpu.memref_slice %arg6[%add3A_35, %dma_start3A_127] : memref<10240x64xbf16, #tpu.memory_space<vmem_shared>> -> memref<128x64xbf16, #tpu.memory_space<vmem_shared>>
      %dma_start3A_129 = arith.constant 0 : i32
      %dma_start3A_130 = tpu.memref_slice %arg6[%add3A_35, %dma_start3A_129] : memref<10240x64xbf16, #tpu.memory_space<vmem_shared>> -> memref<128x64xbf16, #tpu.memory_space<vmem_shared>>
      %dma_start3A_131 = arith.constant 0 : i32
      %dma_start3A_132 = arith.constant 0 : i32
      %dma_start3A_133 = tpu.memref_slice %arg9[%run_scoped3A_36, %dma_start3A_131, %dma_start3A_132] : memref<3x128x64xbf16, #tpu.memory_space<vmem>> -> memref<1x128x64xbf16, #tpu.memory_space<vmem>>
      %dma_start3A_134 = tpu.memref_squeeze %dma_start3A_133 : memref<1x128x64xbf16, #tpu.memory_space<vmem>> -> memref<128x64xbf16, #tpu.memory_space<vmem>>
      tpu.enqueue_dma source(%dma_start3A_134 : memref<128x64xbf16, #tpu.memory_space<vmem>>) target(%dma_start3A_130 : memref<128x64xbf16, #tpu.memory_space<vmem_shared>>) target_semaphore(%run_scoped3A_122 : memref<!tpu.dma_semaphore, #tpu.memory_space<semaphore_mem>>)
      %dma_wait3A_135 = arith.constant 0 : i32
      %dma_wait3A_136 = arith.constant 0 : i32
      %dma_wait3A_137 = tpu.memref_slice %arg9[%run_scoped3A_36, %dma_wait3A_135, %dma_wait3A_136] : memref<3x128x64xbf16, #tpu.memory_space<vmem>> -> memref<1x128x64xbf16, #tpu.memory_space<vmem>>
      %dma_wait3A_138 = tpu.memref_squeeze %dma_wait3A_137 : memref<1x128x64xbf16, #tpu.memory_space<vmem>> -> memref<128x64xbf16, #tpu.memory_space<vmem>>
      %dma_wait3A_139 = arith.constant 0 : i32
      %dma_wait3A_140 = tpu.memref_slice %arg6[%add3A_35, %dma_wait3A_139] : memref<10240x64xbf16, #tpu.memory_space<vmem_shared>> -> memref<128x64xbf16, #tpu.memory_space<vmem_shared>>
      %dma_wait3A_141 = arith.constant 0 : i32
      %dma_wait3A_142 = tpu.memref_slice %arg6[%add3A_35, %dma_wait3A_141] : memref<10240x64xbf16, #tpu.memory_space<vmem_shared>> -> memref<128x64xbf16, #tpu.memory_space<vmem_shared>>
      %dma_wait3A_143 = arith.constant 0 : i32
      %dma_wait3A_144 = arith.constant 0 : i32
      %dma_wait3A_145 = tpu.memref_slice %arg9[%run_scoped3A_36, %dma_wait3A_143, %dma_wait3A_144] : memref<3x128x64xbf16, #tpu.memory_space<vmem>> -> memref<1x128x64xbf16, #tpu.memory_space<vmem>>
      %dma_wait3A_146 = tpu.memref_squeeze %dma_wait3A_145 : memref<1x128x64xbf16, #tpu.memory_space<vmem>> -> memref<128x64xbf16, #tpu.memory_space<vmem>>
      tpu.wait_dma2 semaphore(%run_scoped3A_122 : memref<!tpu.dma_semaphore, #tpu.memory_space<semaphore_mem>>) src(%dma_wait3A_146 : memref<128x64xbf16, #tpu.memory_space<vmem>>) dst(%dma_wait3A_142 : memref<128x64xbf16, #tpu.memory_space<vmem_shared>>)
      tpu.yield
    }) : () -> ()
    %mul3A_37 = arith.constant 640 : i32
    %mul3A_38 = arith.muli %arg1, %mul3A_37 : i32
    %add3A_39 = arith.constant 256 : i32
    %add3A_40 = arith.addi %mul3A_38, %add3A_39 : i32
    %run_scoped3A_41 = arith.constant 0 : i32
    "tpu.region"() ({
      %run_scoped3A_122 = tpu.sem_alloc : memref<!tpu.dma_semaphore, #tpu.memory_space<semaphore_mem>>
      %dma_start3A_123 = arith.constant 0 : i32
      %dma_start3A_124 = arith.constant 0 : i32
      %dma_start3A_125 = tpu.memref_slice %arg9[%run_scoped3A_41, %dma_start3A_123, %dma_start3A_124] : memref<3x128x64xbf16, #tpu.memory_space<vmem>> -> memref<1x128x64xbf16, #tpu.memory_space<vmem>>
      %dma_start3A_126 = tpu.memref_squeeze %dma_start3A_125 : memref<1x128x64xbf16, #tpu.memory_space<vmem>> -> memref<128x64xbf16, #tpu.memory_space<vmem>>
      %dma_start3A_127 = arith.constant 0 : i32
      %dma_start3A_128 = tpu.memref_slice %arg6[%add3A_40, %dma_start3A_127] : memref<10240x64xbf16, #tpu.memory_space<vmem_shared>> -> memref<128x64xbf16, #tpu.memory_space<vmem_shared>>
      %dma_start3A_129 = arith.constant 0 : i32
      %dma_start3A_130 = tpu.memref_slice %arg6[%add3A_40, %dma_start3A_129] : memref<10240x64xbf16, #tpu.memory_space<vmem_shared>> -> memref<128x64xbf16, #tpu.memory_space<vmem_shared>>
      %dma_start3A_131 = arith.constant 0 : i32
      %dma_start3A_132 = arith.constant 0 : i32
      %dma_start3A_133 = tpu.memref_slice %arg9[%run_scoped3A_41, %dma_start3A_131, %dma_start3A_132] : memref<3x128x64xbf16, #tpu.memory_space<vmem>> -> memref<1x128x64xbf16, #tpu.memory_space<vmem>>
      %dma_start3A_134 = tpu.memref_squeeze %dma_start3A_133 : memref<1x128x64xbf16, #tpu.memory_space<vmem>> -> memref<128x64xbf16, #tpu.memory_space<vmem>>
      tpu.enqueue_dma source(%dma_start3A_134 : memref<128x64xbf16, #tpu.memory_space<vmem>>) target(%dma_start3A_130 : memref<128x64xbf16, #tpu.memory_space<vmem_shared>>) target_semaphore(%run_scoped3A_122 : memref<!tpu.dma_semaphore, #tpu.memory_space<semaphore_mem>>)
      %dma_wait3A_135 = arith.constant 0 : i32
      %dma_wait3A_136 = arith.constant 0 : i32
      %dma_wait3A_137 = tpu.memref_slice %arg9[%run_scoped3A_41, %dma_wait3A_135, %dma_wait3A_136] : memref<3x128x64xbf16, #tpu.memory_space<vmem>> -> memref<1x128x64xbf16, #tpu.memory_space<vmem>>
      %dma_wait3A_138 = tpu.memref_squeeze %dma_wait3A_137 : memref<1x128x64xbf16, #tpu.memory_space<vmem>> -> memref<128x64xbf16, #tpu.memory_space<vmem>>
      %dma_wait3A_139 = arith.constant 0 : i32
      %dma_wait3A_140 = tpu.memref_slice %arg6[%add3A_40, %dma_wait3A_139] : memref<10240x64xbf16, #tpu.memory_space<vmem_shared>> -> memref<128x64xbf16, #tpu.memory_space<vmem_shared>>
      %dma_wait3A_141 = arith.constant 0 : i32
      %dma_wait3A_142 = tpu.memref_slice %arg6[%add3A_40, %dma_wait3A_141] : memref<10240x64xbf16, #tpu.memory_space<vmem_shared>> -> memref<128x64xbf16, #tpu.memory_space<vmem_shared>>
      %dma_wait3A_143 = arith.constant 0 : i32
      %dma_wait3A_144 = arith.constant 0 : i32
      %dma_wait3A_145 = tpu.memref_slice %arg9[%run_scoped3A_41, %dma_wait3A_143, %dma_wait3A_144] : memref<3x128x64xbf16, #tpu.memory_space<vmem>> -> memref<1x128x64xbf16, #tpu.memory_space<vmem>>
      %dma_wait3A_146 = tpu.memref_squeeze %dma_wait3A_145 : memref<1x128x64xbf16, #tpu.memory_space<vmem>> -> memref<128x64xbf16, #tpu.memory_space<vmem>>
      tpu.wait_dma2 semaphore(%run_scoped3A_122 : memref<!tpu.dma_semaphore, #tpu.memory_space<semaphore_mem>>) src(%dma_wait3A_146 : memref<128x64xbf16, #tpu.memory_space<vmem>>) dst(%dma_wait3A_142 : memref<128x64xbf16, #tpu.memory_space<vmem_shared>>)
      tpu.yield
    }) : () -> ()
    %mul3A_42 = arith.constant 640 : i32
    %mul3A_43 = arith.muli %arg1, %mul3A_42 : i32
    %add3A_44 = arith.constant 384 : i32
    %add3A_45 = arith.addi %mul3A_43, %add3A_44 : i32
    %run_scoped3A_46 = arith.constant 0 : i32
    "tpu.region"() ({
      %run_scoped3A_122 = tpu.sem_alloc : memref<!tpu.dma_semaphore, #tpu.memory_space<semaphore_mem>>
      %dma_start3A_123 = arith.constant 0 : i32
      %dma_start3A_124 = arith.constant 0 : i32
      %dma_start3A_125 = tpu.memref_slice %arg9[%run_scoped3A_46, %dma_start3A_123, %dma_start3A_124] : memref<3x128x64xbf16, #tpu.memory_space<vmem>> -> memref<1x128x64xbf16, #tpu.memory_space<vmem>>
      %dma_start3A_126 = tpu.memref_squeeze %dma_start3A_125 : memref<1x128x64xbf16, #tpu.memory_space<vmem>> -> memref<128x64xbf16, #tpu.memory_space<vmem>>
      %dma_start3A_127 = arith.constant 0 : i32
      %dma_start3A_128 = tpu.memref_slice %arg6[%add3A_45, %dma_start3A_127] : memref<10240x64xbf16, #tpu.memory_space<vmem_shared>> -> memref<128x64xbf16, #tpu.memory_space<vmem_shared>>
      %dma_start3A_129 = arith.constant 0 : i32
      %dma_start3A_130 = tpu.memref_slice %arg6[%add3A_45, %dma_start3A_129] : memref<10240x64xbf16, #tpu.memory_space<vmem_shared>> -> memref<128x64xbf16, #tpu.memory_space<vmem_shared>>
      %dma_start3A_131 = arith.constant 0 : i32
      %dma_start3A_132 = arith.constant 0 : i32
      %dma_start3A_133 = tpu.memref_slice %arg9[%run_scoped3A_46, %dma_start3A_131, %dma_start3A_132] : memref<3x128x64xbf16, #tpu.memory_space<vmem>> -> memref<1x128x64xbf16, #tpu.memory_space<vmem>>
      %dma_start3A_134 = tpu.memref_squeeze %dma_start3A_133 : memref<1x128x64xbf16, #tpu.memory_space<vmem>> -> memref<128x64xbf16, #tpu.memory_space<vmem>>
      tpu.enqueue_dma source(%dma_start3A_134 : memref<128x64xbf16, #tpu.memory_space<vmem>>) target(%dma_start3A_130 : memref<128x64xbf16, #tpu.memory_space<vmem_shared>>) target_semaphore(%run_scoped3A_122 : memref<!tpu.dma_semaphore, #tpu.memory_space<semaphore_mem>>)
      %dma_wait3A_135 = arith.constant 0 : i32
      %dma_wait3A_136 = arith.constant 0 : i32
      %dma_wait3A_137 = tpu.memref_slice %arg9[%run_scoped3A_46, %dma_wait3A_135, %dma_wait3A_136] : memref<3x128x64xbf16, #tpu.memory_space<vmem>> -> memref<1x128x64xbf16, #tpu.memory_space<vmem>>
      %dma_wait3A_138 = tpu.memref_squeeze %dma_wait3A_137 : memref<1x128x64xbf16, #tpu.memory_space<vmem>> -> memref<128x64xbf16, #tpu.memory_space<vmem>>
      %dma_wait3A_139 = arith.constant 0 : i32
      %dma_wait3A_140 = tpu.memref_slice %arg6[%add3A_45, %dma_wait3A_139] : memref<10240x64xbf16, #tpu.memory_space<vmem_shared>> -> memref<128x64xbf16, #tpu.memory_space<vmem_shared>>
      %dma_wait3A_141 = arith.constant 0 : i32
      %dma_wait3A_142 = tpu.memref_slice %arg6[%add3A_45, %dma_wait3A_141] : memref<10240x64xbf16, #tpu.memory_space<vmem_shared>> -> memref<128x64xbf16, #tpu.memory_space<vmem_shared>>
      %dma_wait3A_143 = arith.constant 0 : i32
      %dma_wait3A_144 = arith.constant 0 : i32
      %dma_wait3A_145 = tpu.memref_slice %arg9[%run_scoped3A_46, %dma_wait3A_143, %dma_wait3A_144] : memref<3x128x64xbf16, #tpu.memory_space<vmem>> -> memref<1x128x64xbf16, #tpu.memory_space<vmem>>
      %dma_wait3A_146 = tpu.memref_squeeze %dma_wait3A_145 : memref<1x128x64xbf16, #tpu.memory_space<vmem>> -> memref<128x64xbf16, #tpu.memory_space<vmem>>
      tpu.wait_dma2 semaphore(%run_scoped3A_122 : memref<!tpu.dma_semaphore, #tpu.memory_space<semaphore_mem>>) src(%dma_wait3A_146 : memref<128x64xbf16, #tpu.memory_space<vmem>>) dst(%dma_wait3A_142 : memref<128x64xbf16, #tpu.memory_space<vmem_shared>>)
      tpu.yield
    }) : () -> ()
    %mul3A_47 = arith.constant 640 : i32
    %mul3A_48 = arith.muli %arg1, %mul3A_47 : i32
    %add3A_49 = arith.constant 512 : i32
    %add3A_50 = arith.addi %mul3A_48, %add3A_49 : i32
    %run_scoped3A_51 = arith.constant 0 : i32
    "tpu.region"() ({
      %run_scoped3A_122 = tpu.sem_alloc : memref<!tpu.dma_semaphore, #tpu.memory_space<semaphore_mem>>
      %dma_start3A_123 = arith.constant 0 : i32
      %dma_start3A_124 = arith.constant 0 : i32
      %dma_start3A_125 = tpu.memref_slice %arg9[%run_scoped3A_51, %dma_start3A_123, %dma_start3A_124] : memref<3x128x64xbf16, #tpu.memory_space<vmem>> -> memref<1x128x64xbf16, #tpu.memory_space<vmem>>
      %dma_start3A_126 = tpu.memref_squeeze %dma_start3A_125 : memref<1x128x64xbf16, #tpu.memory_space<vmem>> -> memref<128x64xbf16, #tpu.memory_space<vmem>>
      %dma_start3A_127 = arith.constant 0 : i32
      %dma_start3A_128 = tpu.memref_slice %arg6[%add3A_50, %dma_start3A_127] : memref<10240x64xbf16, #tpu.memory_space<vmem_shared>> -> memref<128x64xbf16, #tpu.memory_space<vmem_shared>>
      %dma_start3A_129 = arith.constant 0 : i32
      %dma_start3A_130 = tpu.memref_slice %arg6[%add3A_50, %dma_start3A_129] : memref<10240x64xbf16, #tpu.memory_space<vmem_shared>> -> memref<128x64xbf16, #tpu.memory_space<vmem_shared>>
      %dma_start3A_131 = arith.constant 0 : i32
      %dma_start3A_132 = arith.constant 0 : i32
      %dma_start3A_133 = tpu.memref_slice %arg9[%run_scoped3A_51, %dma_start3A_131, %dma_start3A_132] : memref<3x128x64xbf16, #tpu.memory_space<vmem>> -> memref<1x128x64xbf16, #tpu.memory_space<vmem>>
      %dma_start3A_134 = tpu.memref_squeeze %dma_start3A_133 : memref<1x128x64xbf16, #tpu.memory_space<vmem>> -> memref<128x64xbf16, #tpu.memory_space<vmem>>
      tpu.enqueue_dma source(%dma_start3A_134 : memref<128x64xbf16, #tpu.memory_space<vmem>>) target(%dma_start3A_130 : memref<128x64xbf16, #tpu.memory_space<vmem_shared>>) target_semaphore(%run_scoped3A_122 : memref<!tpu.dma_semaphore, #tpu.memory_space<semaphore_mem>>)
      %dma_wait3A_135 = arith.constant 0 : i32
      %dma_wait3A_136 = arith.constant 0 : i32
      %dma_wait3A_137 = tpu.memref_slice %arg9[%run_scoped3A_51, %dma_wait3A_135, %dma_wait3A_136] : memref<3x128x64xbf16, #tpu.memory_space<vmem>> -> memref<1x128x64xbf16, #tpu.memory_space<vmem>>
      %dma_wait3A_138 = tpu.memref_squeeze %dma_wait3A_137 : memref<1x128x64xbf16, #tpu.memory_space<vmem>> -> memref<128x64xbf16, #tpu.memory_space<vmem>>
      %dma_wait3A_139 = arith.constant 0 : i32
      %dma_wait3A_140 = tpu.memref_slice %arg6[%add3A_50, %dma_wait3A_139] : memref<10240x64xbf16, #tpu.memory_space<vmem_shared>> -> memref<128x64xbf16, #tpu.memory_space<vmem_shared>>
      %dma_wait3A_141 = arith.constant 0 : i32
      %dma_wait3A_142 = tpu.memref_slice %arg6[%add3A_50, %dma_wait3A_141] : memref<10240x64xbf16, #tpu.memory_space<vmem_shared>> -> memref<128x64xbf16, #tpu.memory_space<vmem_shared>>
      %dma_wait3A_143 = arith.constant 0 : i32
      %dma_wait3A_144 = arith.constant 0 : i32
      %dma_wait3A_145 = tpu.memref_slice %arg9[%run_scoped3A_51, %dma_wait3A_143, %dma_wait3A_144] : memref<3x128x64xbf16, #tpu.memory_space<vmem>> -> memref<1x128x64xbf16, #tpu.memory_space<vmem>>
      %dma_wait3A_146 = tpu.memref_squeeze %dma_wait3A_145 : memref<1x128x64xbf16, #tpu.memory_space<vmem>> -> memref<128x64xbf16, #tpu.memory_space<vmem>>
      tpu.wait_dma2 semaphore(%run_scoped3A_122 : memref<!tpu.dma_semaphore, #tpu.memory_space<semaphore_mem>>) src(%dma_wait3A_146 : memref<128x64xbf16, #tpu.memory_space<vmem>>) dst(%dma_wait3A_142 : memref<128x64xbf16, #tpu.memory_space<vmem_shared>>)
      tpu.yield
    }) : () -> ()
    %dma_wait3A = arith.constant 0 : i32
    %dma_wait3A_52 = arith.constant 0 : i32
    %dma_wait3A_53 = tpu.memref_slice %arg3[%add3A, %dma_wait3A, %dma_wait3A_52] : memref<32x79x128xi32, #tpu.memory_space<hbm>> -> memref<1x79x128xi32, #tpu.memory_space<hbm>>
    %dma_wait3A_54 = tpu.memref_squeeze %dma_wait3A_53 : memref<1x79x128xi32, #tpu.memory_space<hbm>> -> memref<79x128xi32, #tpu.memory_space<hbm>>
    %dma_wait3A_55 = arith.constant 0 : i32
    %dma_wait3A_56 = arith.constant 0 : i32
    %dma_wait3A_57 = tpu.memref_slice %arg3[%add3A, %dma_wait3A_55, %dma_wait3A_56] : memref<32x79x128xi32, #tpu.memory_space<hbm>> -> memref<1x79x128xi32, #tpu.memory_space<hbm>>
    %dma_wait3A_58 = tpu.memref_squeeze %dma_wait3A_57 : memref<1x79x128xi32, #tpu.memory_space<hbm>> -> memref<79x128xi32, #tpu.memory_space<hbm>>
    tpu.wait_dma2 semaphore(%arg11 : memref<!tpu.dma_semaphore, #tpu.memory_space<semaphore_mem>>) src(%dma_wait3A_58 : memref<79x128xi32, #tpu.memory_space<hbm>>) dst(%arg13 : memref<79x128xi32, #tpu.memory_space<vmem>>)
    %dma_wait3A_59 = arith.constant 0 : i32
    %dma_wait3A_60 = arith.constant 0 : i32
    %dma_wait3A_61 = tpu.memref_slice %arg4[%add3A, %dma_wait3A_59, %dma_wait3A_60] : memref<32x79x128xi32, #tpu.memory_space<hbm>> -> memref<1x79x128xi32, #tpu.memory_space<hbm>>
    %dma_wait3A_62 = tpu.memref_squeeze %dma_wait3A_61 : memref<1x79x128xi32, #tpu.memory_space<hbm>> -> memref<79x128xi32, #tpu.memory_space<hbm>>
    %dma_wait3A_63 = arith.constant 0 : i32
    %dma_wait3A_64 = arith.constant 0 : i32
    %dma_wait3A_65 = tpu.memref_slice %arg4[%add3A, %dma_wait3A_63, %dma_wait3A_64] : memref<32x79x128xi32, #tpu.memory_space<hbm>> -> memref<1x79x128xi32, #tpu.memory_space<hbm>>
    %dma_wait3A_66 = tpu.memref_squeeze %dma_wait3A_65 : memref<1x79x128xi32, #tpu.memory_space<hbm>> -> memref<79x128xi32, #tpu.memory_space<hbm>>
    tpu.wait_dma2 semaphore(%arg11 : memref<!tpu.dma_semaphore, #tpu.memory_space<semaphore_mem>>) src(%dma_wait3A_66 : memref<79x128xi32, #tpu.memory_space<hbm>>) dst(%arg7 : memref<79x128xi32, #tpu.memory_space<vmem>>)
    %dma_wait3A_67 = arith.constant 0 : i32
    %dma_wait3A_68 = tpu.memref_slice %arg8[%mul3A_2, %dma_wait3A_67] : memref<10240x64xbf16, #tpu.memory_space<vmem_shared>> -> memref<640x64xbf16, #tpu.memory_space<vmem_shared>>
    %dma_wait3A_69 = arith.constant 0 : i32
    %dma_wait3A_70 = tpu.memref_slice %arg2[%mul3A_2, %dma_wait3A_69] : memref<10240x64xbf16, #tpu.memory_space<hbm>> -> memref<640x64xbf16, #tpu.memory_space<hbm>>
    tpu.wait_dma2 semaphore(%arg11 : memref<!tpu.dma_semaphore, #tpu.memory_space<semaphore_mem>>) src(%dma_wait3A_70 : memref<640x64xbf16, #tpu.memory_space<hbm>>) dst(%dma_wait3A_68 : memref<640x64xbf16, #tpu.memory_space<vmem_shared>>)
    %barrier3A = arith.constant 0 : index
    tpu.barrier barrier_id(%barrier3A)
    %rem3A = arith.constant 0 : i32
    %rem3A_71 = arith.constant 3 : i32
    %rem3A_72 = arith.remsi %rem3A, %rem3A_71 : i32
    %dma_start3A_73 = arith.constant 0 : i32
    %dma_start3A_74 = arith.constant 0 : i32
    %dma_start3A_75 = arith.constant 0 : i32
    %dma_start3A_76 = tpu.memref_slice %arg9[%rem3A_72, %dma_start3A_74, %dma_start3A_75] : memref<3x128x64xbf16, #tpu.memory_space<vmem>> -> memref<1x128x64xbf16, #tpu.memory_space<vmem>>
    %dma_start3A_77 = tpu.memref_squeeze %dma_start3A_76 : memref<1x128x64xbf16, #tpu.memory_space<vmem>> -> memref<128x64xbf16, #tpu.memory_space<vmem>>
    %dma_start3A_78 = arith.constant 0 : i32
    %dma_start3A_79 = tpu.memref_slice %arg13[%dma_start3A_73, %dma_start3A_78] : memref<79x128xi32, #tpu.memory_space<vmem>> -> memref<1x128xi32, #tpu.memory_space<vmem>>
    %dma_start3A_80 = tpu.memref_squeeze %dma_start3A_79 : memref<1x128xi32, #tpu.memory_space<vmem>> -> memref<128xi32, #tpu.memory_space<vmem>>
    %dma_start3A_81 = arith.constant 0 : i32
    %dma_start3A_82 = arith.constant 0 : i32
    %dma_start3A_83 = tpu.memref_slice %arg8[%dma_start3A_81, %dma_start3A_82] : memref<10240x64xbf16, #tpu.memory_space<vmem_shared>> -> memref<10240x64xbf16, #tpu.memory_space<vmem_shared>>
    tpu.enqueue_indirect_dma source(%dma_start3A_83 : memref<10240x64xbf16, #tpu.memory_space<vmem_shared>>) target(%dma_start3A_77 : memref<128x64xbf16, #tpu.memory_space<vmem>>) offsets(%dma_start3A_80 : memref<128xi32, #tpu.memory_space<vmem>>) semaphore(%arg10 : memref<!tpu.dma_semaphore, #tpu.memory_space<semaphore_mem>>)
    %rem3A_84 = arith.constant 1 : i32
    %rem3A_85 = arith.constant 3 : i32
    %rem3A_86 = arith.remsi %rem3A_84, %rem3A_85 : i32
    %dma_start3A_87 = arith.constant 1 : i32
    %dma_start3A_88 = arith.constant 0 : i32
    %dma_start3A_89 = arith.constant 0 : i32
    %dma_start3A_90 = tpu.memref_slice %arg9[%rem3A_86, %dma_start3A_88, %dma_start3A_89] : memref<3x128x64xbf16, #tpu.memory_space<vmem>> -> memref<1x128x64xbf16, #tpu.memory_space<vmem>>
    %dma_start3A_91 = tpu.memref_squeeze %dma_start3A_90 : memref<1x128x64xbf16, #tpu.memory_space<vmem>> -> memref<128x64xbf16, #tpu.memory_space<vmem>>
    %dma_start3A_92 = arith.constant 0 : i32
    %dma_start3A_93 = tpu.memref_slice %arg13[%dma_start3A_87, %dma_start3A_92] : memref<79x128xi32, #tpu.memory_space<vmem>> -> memref<1x128xi32, #tpu.memory_space<vmem>>
    %dma_start3A_94 = tpu.memref_squeeze %dma_start3A_93 : memref<1x128xi32, #tpu.memory_space<vmem>> -> memref<128xi32, #tpu.memory_space<vmem>>
    %dma_start3A_95 = arith.constant 0 : i32
    %dma_start3A_96 = arith.constant 0 : i32
    %dma_start3A_97 = tpu.memref_slice %arg8[%dma_start3A_95, %dma_start3A_96] : memref<10240x64xbf16, #tpu.memory_space<vmem_shared>> -> memref<10240x64xbf16, #tpu.memory_space<vmem_shared>>
    tpu.enqueue_indirect_dma source(%dma_start3A_97 : memref<10240x64xbf16, #tpu.memory_space<vmem_shared>>) target(%dma_start3A_91 : memref<128x64xbf16, #tpu.memory_space<vmem>>) offsets(%dma_start3A_94 : memref<128xi32, #tpu.memory_space<vmem>>) semaphore(%arg10 : memref<!tpu.dma_semaphore, #tpu.memory_space<semaphore_mem>>)
    %scan3A_98 = arith.constant 0 : i32
    %scan3A_99 = arith.constant 0 : i32
    %scan3A_100 = arith.constant 79 : i32
    %scan3A_101 = arith.addi %scan3A_99, %scan3A_100 : i32
    %scan3A_102 = arith.constant 1 : i32
    %scan3A_103 = scf.for %scan3A_122 = %scan3A_99 to %scan3A_101 step %scan3A_102 iter_args(%scan3A_123 = %scan3A_98) -> (i32)  : i32 {
      %dma_wait3A_124 = arith.constant 0 : i32
      %dma_wait3A_125 = arith.constant 0 : i32
      %dma_wait3A_126 = arith.constant 0 : i32
      %dma_wait3A_127 = arith.constant 0 : i32
      %dma_wait3A_128 = tpu.memref_slice %arg9[%dma_wait3A_125, %dma_wait3A_126, %dma_wait3A_127] : memref<3x128x64xbf16, #tpu.memory_space<vmem>> -> memref<1x128x64xbf16, #tpu.memory_space<vmem>>
      %dma_wait3A_129 = tpu.memref_squeeze %dma_wait3A_128 : memref<1x128x64xbf16, #tpu.memory_space<vmem>> -> memref<128x64xbf16, #tpu.memory_space<vmem>>
      %dma_wait3A_130 = arith.constant 0 : i32
      %dma_wait3A_131 = tpu.memref_slice %arg13[%dma_wait3A_124, %dma_wait3A_130] : memref<79x128xi32, #tpu.memory_space<vmem>> -> memref<1x128xi32, #tpu.memory_space<vmem>>
      %dma_wait3A_132 = tpu.memref_squeeze %dma_wait3A_131 : memref<1x128xi32, #tpu.memory_space<vmem>> -> memref<128xi32, #tpu.memory_space<vmem>>
      %dma_wait3A_133 = arith.constant 0 : i32
      %dma_wait3A_134 = arith.constant 0 : i32
      %dma_wait3A_135 = tpu.memref_slice %arg2[%dma_wait3A_133, %dma_wait3A_134] : memref<10240x64xbf16, #tpu.memory_space<hbm>> -> memref<10240x64xbf16, #tpu.memory_space<hbm>>
      tpu.wait_indirect_dma semaphore(%arg10 : memref<!tpu.dma_semaphore, #tpu.memory_space<semaphore_mem>>) src(%dma_wait3A_135 : memref<10240x64xbf16, #tpu.memory_space<hbm>>) dst(%dma_wait3A_129 : memref<128x64xbf16, #tpu.memory_space<vmem>>)
      %rem3A_136 = arith.constant 3 : i32
      %rem3A_137 = arith.remsi %scan3A_122, %rem3A_136 : i32
      %dma_start3A_138 = arith.constant 0 : i32
      %dma_start3A_139 = arith.constant 0 : i32
      %dma_start3A_140 = tpu.memref_slice %arg9[%rem3A_137, %dma_start3A_138, %dma_start3A_139] : memref<3x128x64xbf16, #tpu.memory_space<vmem>> -> memref<1x128x64xbf16, #tpu.memory_space<vmem>>
      %dma_start3A_141 = tpu.memref_squeeze %dma_start3A_140 : memref<1x128x64xbf16, #tpu.memory_space<vmem>> -> memref<128x64xbf16, #tpu.memory_space<vmem>>
      %dma_start3A_142 = arith.constant 0 : i32
      %dma_start3A_143 = tpu.memref_slice %arg7[%scan3A_122, %dma_start3A_142] : memref<79x128xi32, #tpu.memory_space<vmem>> -> memref<1x128xi32, #tpu.memory_space<vmem>>
      %dma_start3A_144 = tpu.memref_squeeze %dma_start3A_143 : memref<1x128xi32, #tpu.memory_space<vmem>> -> memref<128xi32, #tpu.memory_space<vmem>>
      %dma_start3A_145 = arith.constant 0 : i32
      %dma_start3A_146 = arith.constant 0 : i32
      %dma_start3A_147 = tpu.memref_slice %arg6[%dma_start3A_145, %dma_start3A_146] : memref<10240x64xbf16, #tpu.memory_space<vmem_shared>> -> memref<10240x64xbf16, #tpu.memory_space<vmem_shared>>
      tpu.enqueue_indirect_dma source(%dma_start3A_141 : memref<128x64xbf16, #tpu.memory_space<vmem>>) target(%dma_start3A_147 : memref<10240x64xbf16, #tpu.memory_space<vmem_shared>>) offsets(%dma_start3A_144 : memref<128xi32, #tpu.memory_space<vmem>>) semaphore(%arg12 : memref<!tpu.dma_semaphore, #tpu.memory_space<semaphore_mem>>) {add = true}
      %ge3A = arith.constant 1 : i32
      %ge3A_148 = arith.cmpi sge, %scan3A_122, %ge3A : i32
      %convert_element_type3A = arith.extui %ge3A_148 : i1 to i32
      %cond3A = arith.constant 0 : i32
      %cond3A_149 = arith.cmpi ne, %convert_element_type3A, %cond3A : i32
      scf.if %cond3A_149 {
        %dma_wait3A_157 = arith.constant 0 : i32
        %dma_wait3A_158 = arith.constant 0 : i32
        %dma_wait3A_159 = arith.constant 0 : i32
        %dma_wait3A_160 = arith.constant 0 : i32
        %dma_wait3A_161 = tpu.memref_slice %arg9[%dma_wait3A_158, %dma_wait3A_159, %dma_wait3A_160] : memref<3x128x64xbf16, #tpu.memory_space<vmem>> -> memref<1x128x64xbf16, #tpu.memory_space<vmem>>
        %dma_wait3A_162 = tpu.memref_squeeze %dma_wait3A_161 : memref<1x128x64xbf16, #tpu.memory_space<vmem>> -> memref<128x64xbf16, #tpu.memory_space<vmem>>
        %dma_wait3A_163 = arith.constant 0 : i32
        %dma_wait3A_164 = tpu.memref_slice %arg13[%dma_wait3A_157, %dma_wait3A_163] : memref<79x128xi32, #tpu.memory_space<vmem>> -> memref<1x128xi32, #tpu.memory_space<vmem>>
        %dma_wait3A_165 = tpu.memref_squeeze %dma_wait3A_164 : memref<1x128xi32, #tpu.memory_space<vmem>> -> memref<128xi32, #tpu.memory_space<vmem>>
        %dma_wait3A_166 = arith.constant 0 : i32
        %dma_wait3A_167 = arith.constant 0 : i32
        %dma_wait3A_168 = tpu.memref_slice %arg2[%dma_wait3A_166, %dma_wait3A_167] : memref<10240x64xbf16, #tpu.memory_space<hbm>> -> memref<10240x64xbf16, #tpu.memory_space<hbm>>
        tpu.wait_indirect_dma semaphore(%arg12 : memref<!tpu.dma_semaphore, #tpu.memory_space<semaphore_mem>>) src(%dma_wait3A_168 : memref<10240x64xbf16, #tpu.memory_space<hbm>>) dst(%dma_wait3A_162 : memref<128x64xbf16, #tpu.memory_space<vmem>>)
      } else {
      }
      %add3A_150 = arith.constant 2 : i32
      %add3A_151 = arith.addi %scan3A_122, %add3A_150 : i32
      %lt3A = arith.constant 79 : i32
      %lt3A_152 = arith.cmpi slt, %add3A_151, %lt3A : i32
      %convert_element_type3A_153 = arith.extui %lt3A_152 : i1 to i32
      %cond3A_154 = arith.constant 0 : i32
      %cond3A_155 = arith.cmpi ne, %convert_element_type3A_153, %cond3A_154 : i32
      scf.if %cond3A_155 {
        %add3A_157 = arith.constant 2 : i32
        %add3A_158 = arith.addi %scan3A_122, %add3A_157 : i32
        %rem3A_159 = arith.constant 3 : i32
        %rem3A_160 = arith.remsi %add3A_158, %rem3A_159 : i32
        %dma_start3A_161 = arith.constant 0 : i32
        %dma_start3A_162 = arith.constant 0 : i32
        %dma_start3A_163 = tpu.memref_slice %arg9[%rem3A_160, %dma_start3A_161, %dma_start3A_162] : memref<3x128x64xbf16, #tpu.memory_space<vmem>> -> memref<1x128x64xbf16, #tpu.memory_space<vmem>>
        %dma_start3A_164 = tpu.memref_squeeze %dma_start3A_163 : memref<1x128x64xbf16, #tpu.memory_space<vmem>> -> memref<128x64xbf16, #tpu.memory_space<vmem>>
        %dma_start3A_165 = arith.constant 0 : i32
        %dma_start3A_166 = tpu.memref_slice %arg13[%add3A_158, %dma_start3A_165] : memref<79x128xi32, #tpu.memory_space<vmem>> -> memref<1x128xi32, #tpu.memory_space<vmem>>
        %dma_start3A_167 = tpu.memref_squeeze %dma_start3A_166 : memref<1x128xi32, #tpu.memory_space<vmem>> -> memref<128xi32, #tpu.memory_space<vmem>>
        %dma_start3A_168 = arith.constant 0 : i32
        %dma_start3A_169 = arith.constant 0 : i32
        %dma_start3A_170 = tpu.memref_slice %arg8[%dma_start3A_168, %dma_start3A_169] : memref<10240x64xbf16, #tpu.memory_space<vmem_shared>> -> memref<10240x64xbf16, #tpu.memory_space<vmem_shared>>
        tpu.enqueue_indirect_dma source(%dma_start3A_170 : memref<10240x64xbf16, #tpu.memory_space<vmem_shared>>) target(%dma_start3A_164 : memref<128x64xbf16, #tpu.memory_space<vmem>>) offsets(%dma_start3A_167 : memref<128xi32, #tpu.memory_space<vmem>>) semaphore(%arg10 : memref<!tpu.dma_semaphore, #tpu.memory_space<semaphore_mem>>)
      } else {
      }
      %scan3A_156 = arith.constant 0 : i32
      scf.yield %scan3A_156 : i32
    }
    %scan3A_104 = arith.constant 79 : i32
    %dma_wait3A_105 = arith.constant 0 : i32
    %dma_wait3A_106 = arith.constant 0 : i32
    %dma_wait3A_107 = arith.constant 0 : i32
    %dma_wait3A_108 = arith.constant 0 : i32
    %dma_wait3A_109 = tpu.memref_slice %arg9[%dma_wait3A_106, %dma_wait3A_107, %dma_wait3A_108] : memref<3x128x64xbf16, #tpu.memory_space<vmem>> -> memref<1x128x64xbf16, #tpu.memory_space<vmem>>
    %dma_wait3A_110 = tpu.memref_squeeze %dma_wait3A_109 : memref<1x128x64xbf16, #tpu.memory_space<vmem>> -> memref<128x64xbf16, #tpu.memory_space<vmem>>
    %dma_wait3A_111 = arith.constant 0 : i32
    %dma_wait3A_112 = tpu.memref_slice %arg13[%dma_wait3A_105, %dma_wait3A_111] : memref<79x128xi32, #tpu.memory_space<vmem>> -> memref<1x128xi32, #tpu.memory_space<vmem>>
    %dma_wait3A_113 = tpu.memref_squeeze %dma_wait3A_112 : memref<1x128xi32, #tpu.memory_space<vmem>> -> memref<128xi32, #tpu.memory_space<vmem>>
    %dma_wait3A_114 = arith.constant 0 : i32
    %dma_wait3A_115 = arith.constant 0 : i32
    %dma_wait3A_116 = tpu.memref_slice %arg2[%dma_wait3A_114, %dma_wait3A_115] : memref<10240x64xbf16, #tpu.memory_space<hbm>> -> memref<10240x64xbf16, #tpu.memory_space<hbm>>
    tpu.wait_indirect_dma semaphore(%arg12 : memref<!tpu.dma_semaphore, #tpu.memory_space<semaphore_mem>>) src(%dma_wait3A_116 : memref<10240x64xbf16, #tpu.memory_space<hbm>>) dst(%dma_wait3A_110 : memref<128x64xbf16, #tpu.memory_space<vmem>>)
    %barrier3A_117 = arith.constant 0 : index
    tpu.barrier barrier_id(%barrier3A_117)
    %mul3A_118 = arith.constant 640 : i32
    %mul3A_119 = arith.muli %arg1, %mul3A_118 : i32
    %mul3A_120 = arith.constant 640 : i32
    %mul3A_121 = arith.muli %arg1, %mul3A_120 : i32
    "tpu.region"() ({
      %run_scoped3A_122 = tpu.sem_alloc : memref<!tpu.dma_semaphore, #tpu.memory_space<semaphore_mem>>
      %dma_start3A_123 = arith.constant 0 : i32
      %dma_start3A_124 = tpu.memref_slice %arg5[%arg0, %mul3A_121, %dma_start3A_123] : memref<2x10240x64xbf16, #tpu.memory_space<hbm>> -> memref<1x640x64xbf16, #tpu.memory_space<hbm>>
      %dma_start3A_125 = tpu.memref_squeeze %dma_start3A_124 : memref<1x640x64xbf16, #tpu.memory_space<hbm>> -> memref<640x64xbf16, #tpu.memory_space<hbm>>
      %dma_start3A_126 = arith.constant 0 : i32
      %dma_start3A_127 = tpu.memref_slice %arg6[%mul3A_119, %dma_start3A_126] : memref<10240x64xbf16, #tpu.memory_space<vmem_shared>> -> memref<640x64xbf16, #tpu.memory_space<vmem_shared>>
      tpu.enqueue_dma source(%dma_start3A_127 : memref<640x64xbf16, #tpu.memory_space<vmem_shared>>) target(%dma_start3A_125 : memref<640x64xbf16, #tpu.memory_space<hbm>>) target_semaphore(%run_scoped3A_122 : memref<!tpu.dma_semaphore, #tpu.memory_space<semaphore_mem>>)
      %dma_wait3A_128 = arith.constant 0 : i32
      %dma_wait3A_129 = tpu.memref_slice %arg5[%arg0, %mul3A_121, %dma_wait3A_128] : memref<2x10240x64xbf16, #tpu.memory_space<hbm>> -> memref<1x640x64xbf16, #tpu.memory_space<hbm>>
      %dma_wait3A_130 = tpu.memref_squeeze %dma_wait3A_129 : memref<1x640x64xbf16, #tpu.memory_space<hbm>> -> memref<640x64xbf16, #tpu.memory_space<hbm>>
      %dma_wait3A_131 = arith.constant 0 : i32
      %dma_wait3A_132 = tpu.memref_slice %arg6[%mul3A_119, %dma_wait3A_131] : memref<10240x64xbf16, #tpu.memory_space<vmem_shared>> -> memref<640x64xbf16, #tpu.memory_space<vmem_shared>>
      tpu.wait_dma2 semaphore(%run_scoped3A_122 : memref<!tpu.dma_semaphore, #tpu.memory_space<semaphore_mem>>) src(%dma_wait3A_132 : memref<640x64xbf16, #tpu.memory_space<vmem_shared>>) dst(%dma_wait3A_130 : memref<640x64xbf16, #tpu.memory_space<hbm>>)
      tpu.yield
    }) : () -> ()
    return
  }
}

#map = affine_map<(d0, d1) -> (0, 0, 0)>
#map1 = affine_map<(d0, d1) -> (0, 0)>
module attributes {stable_mosaic.version = 14 : i64} {
  func.func @deg_kernel(%arg0: i32, %arg1: i32, %arg2: memref<32x79x128xi32, #tpu.memory_space<hbm>>, %arg3: memref<2x10240xf32, #tpu.memory_space<hbm>>, %arg4: memref<10240xf32, #tpu.memory_space<vmem_shared>>, %arg5: memref<79x128xi32, #tpu.memory_space<vmem>>, %arg6: memref<128xf32, #tpu.memory_space<vmem>>, %arg7: memref<!tpu.dma_semaphore, #tpu.memory_space<semaphore_mem>>, %arg8: memref<640xf32, #tpu.memory_space<vmem>>) attributes {dimension_semantics = [#tpu.dimension_semantics<core_parallel>, #tpu.dimension_semantics<subcore_parallel>], iteration_bounds = array<i64: 2, 16>, scalar_prefetch = 0 : i64, scratch_operands = 5 : i64, tpu.core_type = #tpu.core_type<sc_vector_subcore>, window_params = [{transform_indices = #map}, {transform_indices = #map1}]} {
    %mul3A = arith.constant 2 : i32
    %mul3A_0 = arith.muli %arg1, %mul3A : i32
    %add3A = arith.addi %mul3A_0, %arg0 : i32
    %scan3A = arith.constant 0 : i32
    %scan3A_1 = arith.constant 0 : i32
    %scan3A_2 = arith.constant 8 : i32
    %scan3A_3 = arith.addi %scan3A_1, %scan3A_2 : i32
    %scan3A_4 = arith.constant 1 : i32
    %scan3A_5 = scf.for %scan3A_42 = %scan3A_1 to %scan3A_3 step %scan3A_4 iter_args(%scan3A_43 = %scan3A) -> (i32)  : i32 {
      %broadcast_in_dim3A = arith.constant 1.000000e+00 : f32
      %broadcast_in_dim3A_44 = vector.broadcast %broadcast_in_dim3A : f32 to vector<16xf32>
      %mul3A_45 = arith.constant 16 : i32
      %mul3A_46 = arith.muli %scan3A_42, %mul3A_45 : i32
      %swap3A = arith.index_cast %mul3A_46 : i32 to index
      %swap3A_47 = tpu.vector_load %arg6[%swap3A] {strides = array<i32>} : memref<128xf32, #tpu.memory_space<vmem>>, vector<16xf32>,
      %swap3A_48 = vector.shape_cast %swap3A_47 : vector<16xf32> to vector<16xf32>
      %swap3A_49 = vector.shape_cast %broadcast_in_dim3A_44 : vector<16xf32> to vector<16xf32>
      tpu.vector_store %arg6[%swap3A], %swap3A_49 {strides = array<i32>} : memref<128xf32, #tpu.memory_space<vmem>>, vector<16xf32>,
      %broadcast_in_dim3A_50 = arith.constant 0.000000e+00 : f32
      %broadcast_in_dim3A_51 = vector.broadcast %broadcast_in_dim3A_50 : f32 to vector<16xf32>
      %mul3A_52 = arith.constant 16 : i32
      %mul3A_53 = arith.muli %scan3A_42, %mul3A_52 : i32
      %swap3A_54 = arith.index_cast %mul3A_53 : i32 to index
      %swap3A_55 = tpu.vector_load %arg8[%swap3A_54] {strides = array<i32>} : memref<640xf32, #tpu.memory_space<vmem>>, vector<16xf32>,
      %swap3A_56 = vector.shape_cast %swap3A_55 : vector<16xf32> to vector<16xf32>
      %swap3A_57 = vector.shape_cast %broadcast_in_dim3A_51 : vector<16xf32> to vector<16xf32>
      tpu.vector_store %arg8[%swap3A_54], %swap3A_57 {strides = array<i32>} : memref<640xf32, #tpu.memory_space<vmem>>, vector<16xf32>,
      %scan3A_58 = arith.constant 0 : i32
      scf.yield %scan3A_58 : i32
    }
    %scan3A_6 = arith.constant 8 : i32
    %scan3A_7 = arith.constant 0 : i32
    %scan3A_8 = arith.constant 8 : i32
    %scan3A_9 = arith.constant 32 : i32
    %scan3A_10 = arith.addi %scan3A_8, %scan3A_9 : i32
    %scan3A_11 = arith.constant 1 : i32
    %scan3A_12 = scf.for %scan3A_42 = %scan3A_8 to %scan3A_10 step %scan3A_11 iter_args(%scan3A_43 = %scan3A_7) -> (i32)  : i32 {
      %broadcast_in_dim3A = arith.constant 0.000000e+00 : f32
      %broadcast_in_dim3A_44 = vector.broadcast %broadcast_in_dim3A : f32 to vector<16xf32>
      %mul3A_45 = arith.constant 16 : i32
      %mul3A_46 = arith.muli %scan3A_42, %mul3A_45 : i32
      %swap3A = arith.index_cast %mul3A_46 : i32 to index
      %swap3A_47 = tpu.vector_load %arg8[%swap3A] {strides = array<i32>} : memref<640xf32, #tpu.memory_space<vmem>>, vector<16xf32>,
      %swap3A_48 = vector.shape_cast %swap3A_47 : vector<16xf32> to vector<16xf32>
      %swap3A_49 = vector.shape_cast %broadcast_in_dim3A_44 : vector<16xf32> to vector<16xf32>
      tpu.vector_store %arg8[%swap3A], %swap3A_49 {strides = array<i32>} : memref<640xf32, #tpu.memory_space<vmem>>, vector<16xf32>,
      %scan3A_50 = arith.constant 0 : i32
      scf.yield %scan3A_50 : i32
    }
    %scan3A_13 = arith.constant 32 : i32
    %dma_start3A = arith.constant 0 : i32
    %dma_start3A_14 = arith.constant 0 : i32
    %dma_start3A_15 = tpu.memref_slice %arg2[%add3A, %dma_start3A, %dma_start3A_14] : memref<32x79x128xi32, #tpu.memory_space<hbm>> -> memref<1x79x128xi32, #tpu.memory_space<hbm>>
    %dma_start3A_16 = tpu.memref_squeeze %dma_start3A_15 : memref<1x79x128xi32, #tpu.memory_space<hbm>> -> memref<79x128xi32, #tpu.memory_space<hbm>>
    %dma_start3A_17 = arith.constant 0 : i32
    %dma_start3A_18 = arith.constant 0 : i32
    %dma_start3A_19 = tpu.memref_slice %arg2[%add3A, %dma_start3A_17, %dma_start3A_18] : memref<32x79x128xi32, #tpu.memory_space<hbm>> -> memref<1x79x128xi32, #tpu.memory_space<hbm>>
    %dma_start3A_20 = tpu.memref_squeeze %dma_start3A_19 : memref<1x79x128xi32, #tpu.memory_space<hbm>> -> memref<79x128xi32, #tpu.memory_space<hbm>>
    tpu.enqueue_dma source(%dma_start3A_20 : memref<79x128xi32, #tpu.memory_space<hbm>>) target(%arg5 : memref<79x128xi32, #tpu.memory_space<vmem>>) target_semaphore(%arg7 : memref<!tpu.dma_semaphore, #tpu.memory_space<semaphore_mem>>)
    %mul3A_21 = arith.constant 640 : i32
    %mul3A_22 = arith.muli %arg1, %mul3A_21 : i32
    "tpu.region"() ({
      %run_scoped3A = tpu.sem_alloc : memref<!tpu.dma_semaphore, #tpu.memory_space<semaphore_mem>>
      %dma_start3A_42 = tpu.memref_slice %arg4[%mul3A_22] : memref<10240xf32, #tpu.memory_space<vmem_shared>> -> memref<640xf32, #tpu.memory_space<vmem_shared>>
      %dma_start3A_43 = tpu.memref_slice %arg4[%mul3A_22] : memref<10240xf32, #tpu.memory_space<vmem_shared>> -> memref<640xf32, #tpu.memory_space<vmem_shared>>
      tpu.enqueue_dma source(%arg8 : memref<640xf32, #tpu.memory_space<vmem>>) target(%dma_start3A_43 : memref<640xf32, #tpu.memory_space<vmem_shared>>) target_semaphore(%run_scoped3A : memref<!tpu.dma_semaphore, #tpu.memory_space<semaphore_mem>>)
      %dma_wait3A_44 = tpu.memref_slice %arg4[%mul3A_22] : memref<10240xf32, #tpu.memory_space<vmem_shared>> -> memref<640xf32, #tpu.memory_space<vmem_shared>>
      %dma_wait3A_45 = tpu.memref_slice %arg4[%mul3A_22] : memref<10240xf32, #tpu.memory_space<vmem_shared>> -> memref<640xf32, #tpu.memory_space<vmem_shared>>
      tpu.wait_dma2 semaphore(%run_scoped3A : memref<!tpu.dma_semaphore, #tpu.memory_space<semaphore_mem>>) src(%arg8 : memref<640xf32, #tpu.memory_space<vmem>>) dst(%dma_wait3A_45 : memref<640xf32, #tpu.memory_space<vmem_shared>>)
      tpu.yield
    }) : () -> ()
    %dma_wait3A = arith.constant 0 : i32
    %dma_wait3A_23 = arith.constant 0 : i32
    %dma_wait3A_24 = tpu.memref_slice %arg2[%add3A, %dma_wait3A, %dma_wait3A_23] : memref<32x79x128xi32, #tpu.memory_space<hbm>> -> memref<1x79x128xi32, #tpu.memory_space<hbm>>
    %dma_wait3A_25 = tpu.memref_squeeze %dma_wait3A_24 : memref<1x79x128xi32, #tpu.memory_space<hbm>> -> memref<79x128xi32, #tpu.memory_space<hbm>>
    %dma_wait3A_26 = arith.constant 0 : i32
    %dma_wait3A_27 = arith.constant 0 : i32
    %dma_wait3A_28 = tpu.memref_slice %arg2[%add3A, %dma_wait3A_26, %dma_wait3A_27] : memref<32x79x128xi32, #tpu.memory_space<hbm>> -> memref<1x79x128xi32, #tpu.memory_space<hbm>>
    %dma_wait3A_29 = tpu.memref_squeeze %dma_wait3A_28 : memref<1x79x128xi32, #tpu.memory_space<hbm>> -> memref<79x128xi32, #tpu.memory_space<hbm>>
    tpu.wait_dma2 semaphore(%arg7 : memref<!tpu.dma_semaphore, #tpu.memory_space<semaphore_mem>>) src(%dma_wait3A_29 : memref<79x128xi32, #tpu.memory_space<hbm>>) dst(%arg5 : memref<79x128xi32, #tpu.memory_space<vmem>>)
    %barrier3A = arith.constant 0 : index
    tpu.barrier barrier_id(%barrier3A)
    %scan3A_30 = arith.constant 0 : i32
    %scan3A_31 = arith.constant 0 : i32
    %scan3A_32 = arith.constant 79 : i32
    %scan3A_33 = arith.addi %scan3A_31, %scan3A_32 : i32
    %scan3A_34 = arith.constant 1 : i32
    %scan3A_35 = scf.for %scan3A_42 = %scan3A_31 to %scan3A_33 step %scan3A_34 iter_args(%scan3A_43 = %scan3A_30) -> (i32)  : i32 {
      "tpu.region"() ({
        %run_scoped3A = tpu.sem_alloc : memref<!tpu.dma_semaphore, #tpu.memory_space<semaphore_mem>>
        %dma_start3A_45 = arith.constant 0 : i32
        %dma_start3A_46 = tpu.memref_slice %arg5[%scan3A_42, %dma_start3A_45] : memref<79x128xi32, #tpu.memory_space<vmem>> -> memref<1x128xi32, #tpu.memory_space<vmem>>
        %dma_start3A_47 = tpu.memref_squeeze %dma_start3A_46 : memref<1x128xi32, #tpu.memory_space<vmem>> -> memref<128xi32, #tpu.memory_space<vmem>>
        %dma_start3A_48 = arith.constant 0 : i32
        %dma_start3A_49 = tpu.memref_slice %arg4[%dma_start3A_48] : memref<10240xf32, #tpu.memory_space<vmem_shared>> -> memref<10240xf32, #tpu.memory_space<vmem_shared>>
        tpu.enqueue_indirect_dma source(%arg6 : memref<128xf32, #tpu.memory_space<vmem>>) target(%dma_start3A_49 : memref<10240xf32, #tpu.memory_space<vmem_shared>>) offsets(%dma_start3A_47 : memref<128xi32, #tpu.memory_space<vmem>>) semaphore(%run_scoped3A : memref<!tpu.dma_semaphore, #tpu.memory_space<semaphore_mem>>) {add = true}
        %dma_wait3A_50 = arith.constant 0 : i32
        %dma_wait3A_51 = tpu.memref_slice %arg5[%scan3A_42, %dma_wait3A_50] : memref<79x128xi32, #tpu.memory_space<vmem>> -> memref<1x128xi32, #tpu.memory_space<vmem>>
        %dma_wait3A_52 = tpu.memref_squeeze %dma_wait3A_51 : memref<1x128xi32, #tpu.memory_space<vmem>> -> memref<128xi32, #tpu.memory_space<vmem>>
        %dma_wait3A_53 = arith.constant 0 : i32
        %dma_wait3A_54 = tpu.memref_slice %arg4[%dma_wait3A_53] : memref<10240xf32, #tpu.memory_space<vmem_shared>> -> memref<10240xf32, #tpu.memory_space<vmem_shared>>
        tpu.wait_indirect_dma semaphore(%run_scoped3A : memref<!tpu.dma_semaphore, #tpu.memory_space<semaphore_mem>>) src(%arg6 : memref<128xf32, #tpu.memory_space<vmem>>) dst(%dma_wait3A_54 : memref<10240xf32, #tpu.memory_space<vmem_shared>>)
        tpu.yield
      }) : () -> ()
      %scan3A_44 = arith.constant 0 : i32
      scf.yield %scan3A_44 : i32
    }
    %scan3A_36 = arith.constant 79 : i32
    %barrier3A_37 = arith.constant 0 : index
    tpu.barrier barrier_id(%barrier3A_37)
    %mul3A_38 = arith.constant 640 : i32
    %mul3A_39 = arith.muli %arg1, %mul3A_38 : i32
    %mul3A_40 = arith.constant 640 : i32
    %mul3A_41 = arith.muli %arg1, %mul3A_40 : i32
    "tpu.region"() ({
      %run_scoped3A = tpu.sem_alloc : memref<!tpu.dma_semaphore, #tpu.memory_space<semaphore_mem>>
      %dma_start3A_42 = tpu.memref_slice %arg3[%arg0, %mul3A_41] : memref<2x10240xf32, #tpu.memory_space<hbm>> -> memref<1x640xf32, #tpu.memory_space<hbm>>
      %dma_start3A_43 = tpu.memref_squeeze %dma_start3A_42 : memref<1x640xf32, #tpu.memory_space<hbm>> -> memref<640xf32, #tpu.memory_space<hbm>>
      %dma_start3A_44 = tpu.memref_slice %arg4[%mul3A_39] : memref<10240xf32, #tpu.memory_space<vmem_shared>> -> memref<640xf32, #tpu.memory_space<vmem_shared>>
      tpu.enqueue_dma source(%dma_start3A_44 : memref<640xf32, #tpu.memory_space<vmem_shared>>) target(%dma_start3A_43 : memref<640xf32, #tpu.memory_space<hbm>>) target_semaphore(%run_scoped3A : memref<!tpu.dma_semaphore, #tpu.memory_space<semaphore_mem>>)
      %dma_wait3A_45 = tpu.memref_slice %arg3[%arg0, %mul3A_41] : memref<2x10240xf32, #tpu.memory_space<hbm>> -> memref<1x640xf32, #tpu.memory_space<hbm>>
      %dma_wait3A_46 = tpu.memref_squeeze %dma_wait3A_45 : memref<1x640xf32, #tpu.memory_space<hbm>> -> memref<640xf32, #tpu.memory_space<hbm>>
      %dma_wait3A_47 = tpu.memref_slice %arg4[%mul3A_39] : memref<10240xf32, #tpu.memory_space<vmem_shared>> -> memref<640xf32, #tpu.memory_space<vmem_shared>>
      tpu.wait_dma2 semaphore(%run_scoped3A : memref<!tpu.dma_semaphore, #tpu.memory_space<semaphore_mem>>) src(%dma_wait3A_47 : memref<640xf32, #tpu.memory_space<vmem_shared>>) dst(%dma_wait3A_46 : memref<640xf32, #tpu.memory_space<hbm>>)
      tpu.yield
    }) : () -> ()
    return
  }
}

#map = affine_map<(d0, d1) -> (0, 0)>
#map1 = affine_map<(d0, d1) -> (0, 0, 0)>
module attributes {stable_mosaic.version = 14 : i64} {
  func.func @agg_kernel(%arg0: i32, %arg1: i32, %arg2: memref<10240x64xbf16, #tpu.memory_space<hbm>>, %arg3: memref<32x79x128xi32, #tpu.memory_space<hbm>>, %arg4: memref<32x79x128xi32, #tpu.memory_space<hbm>>, %arg5: memref<2x10240x64xbf16, #tpu.memory_space<hbm>>, %arg6: memref<10240x64xbf16, #tpu.memory_space<vmem_shared>>, %arg7: memref<79x128xi32, #tpu.memory_space<vmem>>, %arg8: memref<10240x64xbf16, #tpu.memory_space<vmem_shared>>, %arg9: memref<3x128x64xbf16, #tpu.memory_space<vmem>>, %arg10: memref<!tpu.dma_semaphore, #tpu.memory_space<semaphore_mem>>, %arg11: memref<!tpu.dma_semaphore, #tpu.memory_space<semaphore_mem>>, %arg12: memref<!tpu.dma_semaphore, #tpu.memory_space<semaphore_mem>>, %arg13: memref<79x128xi32, #tpu.memory_space<vmem>>) attributes {dimension_semantics = [#tpu.dimension_semantics<core_parallel>, #tpu.dimension_semantics<subcore_parallel>], iteration_bounds = array<i64: 2, 16>, scalar_prefetch = 0 : i64, scratch_operands = 8 : i64, tpu.core_type = #tpu.core_type<sc_vector_subcore>, window_params = [{transform_indices = #map}, {transform_indices = #map1}, {transform_indices = #map1}, {transform_indices = #map1}]} {
    %mul3A = arith.constant 2 : i32
    %mul3A_0 = arith.muli %arg1, %mul3A : i32
    %add3A = arith.addi %mul3A_0, %arg0 : i32
    %mul3A_1 = arith.constant 640 : i32
    %mul3A_2 = arith.muli %arg1, %mul3A_1 : i32
    %dma_start3A = arith.constant 0 : i32
    %dma_start3A_3 = arith.constant 0 : i32
    %dma_start3A_4 = tpu.memref_slice %arg3[%add3A, %dma_start3A, %dma_start3A_3] : memref<32x79x128xi32, #tpu.memory_space<hbm>> -> memref<1x79x128xi32, #tpu.memory_space<hbm>>
    %dma_start3A_5 = tpu.memref_squeeze %dma_start3A_4 : memref<1x79x128xi32, #tpu.memory_space<hbm>> -> memref<79x128xi32, #tpu.memory_space<hbm>>
    %dma_start3A_6 = arith.constant 0 : i32
    %dma_start3A_7 = arith.constant 0 : i32
    %dma_start3A_8 = tpu.memref_slice %arg3[%add3A, %dma_start3A_6, %dma_start3A_7] : memref<32x79x128xi32, #tpu.memory_space<hbm>> -> memref<1x79x128xi32, #tpu.memory_space<hbm>>
    %dma_start3A_9 = tpu.memref_squeeze %dma_start3A_8 : memref<1x79x128xi32, #tpu.memory_space<hbm>> -> memref<79x128xi32, #tpu.memory_space<hbm>>
    tpu.enqueue_dma source(%dma_start3A_9 : memref<79x128xi32, #tpu.memory_space<hbm>>) target(%arg13 : memref<79x128xi32, #tpu.memory_space<vmem>>) target_semaphore(%arg11 : memref<!tpu.dma_semaphore, #tpu.memory_space<semaphore_mem>>)
    %dma_start3A_10 = arith.constant 0 : i32
    %dma_start3A_11 = arith.constant 0 : i32
    %dma_start3A_12 = tpu.memref_slice %arg4[%add3A, %dma_start3A_10, %dma_start3A_11] : memref<32x79x128xi32, #tpu.memory_space<hbm>> -> memref<1x79x128xi32, #tpu.memory_space<hbm>>
    %dma_start3A_13 = tpu.memref_squeeze %dma_start3A_12 : memref<1x79x128xi32, #tpu.memory_space<hbm>> -> memref<79x128xi32, #tpu.memory_space<hbm>>
    %dma_start3A_14 = arith.constant 0 : i32
    %dma_start3A_15 = arith.constant 0 : i32
    %dma_start3A_16 = tpu.memref_slice %arg4[%add3A, %dma_start3A_14, %dma_start3A_15] : memref<32x79x128xi32, #tpu.memory_space<hbm>> -> memref<1x79x128xi32, #tpu.memory_space<hbm>>
    %dma_start3A_17 = tpu.memref_squeeze %dma_start3A_16 : memref<1x79x128xi32, #tpu.memory_space<hbm>> -> memref<79x128xi32, #tpu.memory_space<hbm>>
    tpu.enqueue_dma source(%dma_start3A_17 : memref<79x128xi32, #tpu.memory_space<hbm>>) target(%arg7 : memref<79x128xi32, #tpu.memory_space<vmem>>) target_semaphore(%arg11 : memref<!tpu.dma_semaphore, #tpu.memory_space<semaphore_mem>>)
    %dma_start3A_18 = arith.constant 0 : i32
    %dma_start3A_19 = tpu.memref_slice %arg8[%mul3A_2, %dma_start3A_18] : memref<10240x64xbf16, #tpu.memory_space<vmem_shared>> -> memref<640x64xbf16, #tpu.memory_space<vmem_shared>>
    %dma_start3A_20 = arith.constant 0 : i32
    %dma_start3A_21 = tpu.memref_slice %arg2[%mul3A_2, %dma_start3A_20] : memref<10240x64xbf16, #tpu.memory_space<hbm>> -> memref<640x64xbf16, #tpu.memory_space<hbm>>
    tpu.enqueue_dma source(%dma_start3A_21 : memref<640x64xbf16, #tpu.memory_space<hbm>>) target(%dma_start3A_19 : memref<640x64xbf16, #tpu.memory_space<vmem_shared>>) target_semaphore(%arg11 : memref<!tpu.dma_semaphore, #tpu.memory_space<semaphore_mem>>)
    %scan3A = arith.constant 0 : i32
    %scan3A_22 = arith.constant 0 : i32
    %scan3A_23 = arith.constant 128 : i32
    %scan3A_24 = arith.addi %scan3A_22, %scan3A_23 : i32
    %scan3A_25 = arith.constant 1 : i32
    %scan3A_26 = scf.for %scan3A_122 = %scan3A_22 to %scan3A_24 step %scan3A_25 iter_args(%scan3A_123 = %scan3A) -> (i32)  : i32 {
      %broadcast_in_dim3A = arith.constant 0.000000e+00 : bf16
      %broadcast_in_dim3A_124 = vector.broadcast %broadcast_in_dim3A : bf16 to vector<32xbf16>
      %swap3A = arith.constant 0 : i32
      %swap3A_125 = arith.index_cast %swap3A : i32 to index
      %swap3A_126 = arith.index_cast %scan3A_122 : i32 to index
      %swap3A_127 = arith.constant 0 : index
      %swap3A_128 = tpu.vector_load %arg9[%swap3A_125, %swap3A_126, %swap3A_127] {strides = array<i32>} : memref<3x128x64xbf16, #tpu.memory_space<vmem>>, vector<1x1x32xbf16>,
      %swap3A_129 = vector.shape_cast %swap3A_128 : vector<1x1x32xbf16> to vector<32xbf16>
      %swap3A_130 = vector.shape_cast %broadcast_in_dim3A_124 : vector<32xbf16> to vector<1x1x32xbf16>
      tpu.vector_store %arg9[%swap3A_125, %swap3A_126, %swap3A_127], %swap3A_130 {strides = array<i32>} : memref<3x128x64xbf16, #tpu.memory_space<vmem>>, vector<1x1x32xbf16>,
      %broadcast_in_dim3A_131 = arith.constant 0.000000e+00 : bf16
      %broadcast_in_dim3A_132 = vector.broadcast %broadcast_in_dim3A_131 : bf16 to vector<32xbf16>
      %swap3A_133 = arith.constant 0 : i32
      %swap3A_134 = arith.index_cast %swap3A_133 : i32 to index
      %swap3A_135 = arith.index_cast %scan3A_122 : i32 to index
      %swap3A_136 = arith.constant 32 : index
      %swap3A_137 = tpu.vector_load %arg9[%swap3A_134, %swap3A_135, %swap3A_136] {strides = array<i32>} : memref<3x128x64xbf16, #tpu.memory_space<vmem>>, vector<1x1x32xbf16>,
      %swap3A_138 = vector.shape_cast %swap3A_137 : vector<1x1x32xbf16> to vector<32xbf16>
      %swap3A_139 = vector.shape_cast %broadcast_in_dim3A_132 : vector<32xbf16> to vector<1x1x32xbf16>
      tpu.vector_store %arg9[%swap3A_134, %swap3A_135, %swap3A_136], %swap3A_139 {strides = array<i32>} : memref<3x128x64xbf16, #tpu.memory_space<vmem>>, vector<1x1x32xbf16>,
      %scan3A_140 = arith.constant 0 : i32
      scf.yield %scan3A_140 : i32
    }
    %scan3A_27 = arith.constant 128 : i32
    %mul3A_28 = arith.constant 640 : i32
    %mul3A_29 = arith.muli %arg1, %mul3A_28 : i32
    %add3A_30 = arith.constant 0 : i32
    %add3A_31 = arith.addi %mul3A_29, %add3A_30 : i32
    %run_scoped3A = arith.constant 0 : i32
    "tpu.region"() ({
      %run_scoped3A_122 = tpu.sem_alloc : memref<!tpu.dma_semaphore, #tpu.memory_space<semaphore_mem>>
      %dma_start3A_123 = arith.constant 0 : i32
      %dma_start3A_124 = arith.constant 0 : i32
      %dma_start3A_125 = tpu.memref_slice %arg9[%run_scoped3A, %dma_start3A_123, %dma_start3A_124] : memref<3x128x64xbf16, #tpu.memory_space<vmem>> -> memref<1x128x64xbf16, #tpu.memory_space<vmem>>
      %dma_start3A_126 = tpu.memref_squeeze %dma_start3A_125 : memref<1x128x64xbf16, #tpu.memory_space<vmem>> -> memref<128x64xbf16, #tpu.memory_space<vmem>>
      %dma_start3A_127 = arith.constant 0 : i32
      %dma_start3A_128 = tpu.memref_slice %arg6[%add3A_31, %dma_start3A_127] : memref<10240x64xbf16, #tpu.memory_space<vmem_shared>> -> memref<128x64xbf16, #tpu.memory_space<vmem_shared>>
      %dma_start3A_129 = arith.constant 0 : i32
      %dma_start3A_130 = tpu.memref_slice %arg6[%add3A_31, %dma_start3A_129] : memref<10240x64xbf16, #tpu.memory_space<vmem_shared>> -> memref<128x64xbf16, #tpu.memory_space<vmem_shared>>
      %dma_start3A_131 = arith.constant 0 : i32
      %dma_start3A_132 = arith.constant 0 : i32
      %dma_start3A_133 = tpu.memref_slice %arg9[%run_scoped3A, %dma_start3A_131, %dma_start3A_132] : memref<3x128x64xbf16, #tpu.memory_space<vmem>> -> memref<1x128x64xbf16, #tpu.memory_space<vmem>>
      %dma_start3A_134 = tpu.memref_squeeze %dma_start3A_133 : memref<1x128x64xbf16, #tpu.memory_space<vmem>> -> memref<128x64xbf16, #tpu.memory_space<vmem>>
      tpu.enqueue_dma source(%dma_start3A_134 : memref<128x64xbf16, #tpu.memory_space<vmem>>) target(%dma_start3A_130 : memref<128x64xbf16, #tpu.memory_space<vmem_shared>>) target_semaphore(%run_scoped3A_122 : memref<!tpu.dma_semaphore, #tpu.memory_space<semaphore_mem>>)
      %dma_wait3A_135 = arith.constant 0 : i32
      %dma_wait3A_136 = arith.constant 0 : i32
      %dma_wait3A_137 = tpu.memref_slice %arg9[%run_scoped3A, %dma_wait3A_135, %dma_wait3A_136] : memref<3x128x64xbf16, #tpu.memory_space<vmem>> -> memref<1x128x64xbf16, #tpu.memory_space<vmem>>
      %dma_wait3A_138 = tpu.memref_squeeze %dma_wait3A_137 : memref<1x128x64xbf16, #tpu.memory_space<vmem>> -> memref<128x64xbf16, #tpu.memory_space<vmem>>
      %dma_wait3A_139 = arith.constant 0 : i32
      %dma_wait3A_140 = tpu.memref_slice %arg6[%add3A_31, %dma_wait3A_139] : memref<10240x64xbf16, #tpu.memory_space<vmem_shared>> -> memref<128x64xbf16, #tpu.memory_space<vmem_shared>>
      %dma_wait3A_141 = arith.constant 0 : i32
      %dma_wait3A_142 = tpu.memref_slice %arg6[%add3A_31, %dma_wait3A_141] : memref<10240x64xbf16, #tpu.memory_space<vmem_shared>> -> memref<128x64xbf16, #tpu.memory_space<vmem_shared>>
      %dma_wait3A_143 = arith.constant 0 : i32
      %dma_wait3A_144 = arith.constant 0 : i32
      %dma_wait3A_145 = tpu.memref_slice %arg9[%run_scoped3A, %dma_wait3A_143, %dma_wait3A_144] : memref<3x128x64xbf16, #tpu.memory_space<vmem>> -> memref<1x128x64xbf16, #tpu.memory_space<vmem>>
      %dma_wait3A_146 = tpu.memref_squeeze %dma_wait3A_145 : memref<1x128x64xbf16, #tpu.memory_space<vmem>> -> memref<128x64xbf16, #tpu.memory_space<vmem>>
      tpu.wait_dma2 semaphore(%run_scoped3A_122 : memref<!tpu.dma_semaphore, #tpu.memory_space<semaphore_mem>>) src(%dma_wait3A_146 : memref<128x64xbf16, #tpu.memory_space<vmem>>) dst(%dma_wait3A_142 : memref<128x64xbf16, #tpu.memory_space<vmem_shared>>)
      tpu.yield
    }) : () -> ()
    %mul3A_32 = arith.constant 640 : i32
    %mul3A_33 = arith.muli %arg1, %mul3A_32 : i32
    %add3A_34 = arith.constant 128 : i32
    %add3A_35 = arith.addi %mul3A_33, %add3A_34 : i32
    %run_scoped3A_36 = arith.constant 0 : i32
    "tpu.region"() ({
      %run_scoped3A_122 = tpu.sem_alloc : memref<!tpu.dma_semaphore, #tpu.memory_space<semaphore_mem>>
      %dma_start3A_123 = arith.constant 0 : i32
      %dma_start3A_124 = arith.constant 0 : i32
      %dma_start3A_125 = tpu.memref_slice %arg9[%run_scoped3A_36, %dma_start3A_123, %dma_start3A_124] : memref<3x128x64xbf16, #tpu.memory_space<vmem>> -> memref<1x128x64xbf16, #tpu.memory_space<vmem>>
      %dma_start3A_126 = tpu.memref_squeeze %dma_start3A_125 : memref<1x128x64xbf16, #tpu.memory_space<vmem>> -> memref<128x64xbf16, #tpu.memory_space<vmem>>
      %dma_start3A_127 = arith.constant 0 : i32
      %dma_start3A_128 = tpu.memref_slice %arg6[%add3A_35, %dma_start3A_127] : memref<10240x64xbf16, #tpu.memory_space<vmem_shared>> -> memref<128x64xbf16, #tpu.memory_space<vmem_shared>>
      %dma_start3A_129 = arith.constant 0 : i32
      %dma_start3A_130 = tpu.memref_slice %arg6[%add3A_35, %dma_start3A_129] : memref<10240x64xbf16, #tpu.memory_space<vmem_shared>> -> memref<128x64xbf16, #tpu.memory_space<vmem_shared>>
      %dma_start3A_131 = arith.constant 0 : i32
      %dma_start3A_132 = arith.constant 0 : i32
      %dma_start3A_133 = tpu.memref_slice %arg9[%run_scoped3A_36, %dma_start3A_131, %dma_start3A_132] : memref<3x128x64xbf16, #tpu.memory_space<vmem>> -> memref<1x128x64xbf16, #tpu.memory_space<vmem>>
      %dma_start3A_134 = tpu.memref_squeeze %dma_start3A_133 : memref<1x128x64xbf16, #tpu.memory_space<vmem>> -> memref<128x64xbf16, #tpu.memory_space<vmem>>
      tpu.enqueue_dma source(%dma_start3A_134 : memref<128x64xbf16, #tpu.memory_space<vmem>>) target(%dma_start3A_130 : memref<128x64xbf16, #tpu.memory_space<vmem_shared>>) target_semaphore(%run_scoped3A_122 : memref<!tpu.dma_semaphore, #tpu.memory_space<semaphore_mem>>)
      %dma_wait3A_135 = arith.constant 0 : i32
      %dma_wait3A_136 = arith.constant 0 : i32
      %dma_wait3A_137 = tpu.memref_slice %arg9[%run_scoped3A_36, %dma_wait3A_135, %dma_wait3A_136] : memref<3x128x64xbf16, #tpu.memory_space<vmem>> -> memref<1x128x64xbf16, #tpu.memory_space<vmem>>
      %dma_wait3A_138 = tpu.memref_squeeze %dma_wait3A_137 : memref<1x128x64xbf16, #tpu.memory_space<vmem>> -> memref<128x64xbf16, #tpu.memory_space<vmem>>
      %dma_wait3A_139 = arith.constant 0 : i32
      %dma_wait3A_140 = tpu.memref_slice %arg6[%add3A_35, %dma_wait3A_139] : memref<10240x64xbf16, #tpu.memory_space<vmem_shared>> -> memref<128x64xbf16, #tpu.memory_space<vmem_shared>>
      %dma_wait3A_141 = arith.constant 0 : i32
      %dma_wait3A_142 = tpu.memref_slice %arg6[%add3A_35, %dma_wait3A_141] : memref<10240x64xbf16, #tpu.memory_space<vmem_shared>> -> memref<128x64xbf16, #tpu.memory_space<vmem_shared>>
      %dma_wait3A_143 = arith.constant 0 : i32
      %dma_wait3A_144 = arith.constant 0 : i32
      %dma_wait3A_145 = tpu.memref_slice %arg9[%run_scoped3A_36, %dma_wait3A_143, %dma_wait3A_144] : memref<3x128x64xbf16, #tpu.memory_space<vmem>> -> memref<1x128x64xbf16, #tpu.memory_space<vmem>>
      %dma_wait3A_146 = tpu.memref_squeeze %dma_wait3A_145 : memref<1x128x64xbf16, #tpu.memory_space<vmem>> -> memref<128x64xbf16, #tpu.memory_space<vmem>>
      tpu.wait_dma2 semaphore(%run_scoped3A_122 : memref<!tpu.dma_semaphore, #tpu.memory_space<semaphore_mem>>) src(%dma_wait3A_146 : memref<128x64xbf16, #tpu.memory_space<vmem>>) dst(%dma_wait3A_142 : memref<128x64xbf16, #tpu.memory_space<vmem_shared>>)
      tpu.yield
    }) : () -> ()
    %mul3A_37 = arith.constant 640 : i32
    %mul3A_38 = arith.muli %arg1, %mul3A_37 : i32
    %add3A_39 = arith.constant 256 : i32
    %add3A_40 = arith.addi %mul3A_38, %add3A_39 : i32
    %run_scoped3A_41 = arith.constant 0 : i32
    "tpu.region"() ({
      %run_scoped3A_122 = tpu.sem_alloc : memref<!tpu.dma_semaphore, #tpu.memory_space<semaphore_mem>>
      %dma_start3A_123 = arith.constant 0 : i32
      %dma_start3A_124 = arith.constant 0 : i32
      %dma_start3A_125 = tpu.memref_slice %arg9[%run_scoped3A_41, %dma_start3A_123, %dma_start3A_124] : memref<3x128x64xbf16, #tpu.memory_space<vmem>> -> memref<1x128x64xbf16, #tpu.memory_space<vmem>>
      %dma_start3A_126 = tpu.memref_squeeze %dma_start3A_125 : memref<1x128x64xbf16, #tpu.memory_space<vmem>> -> memref<128x64xbf16, #tpu.memory_space<vmem>>
      %dma_start3A_127 = arith.constant 0 : i32
      %dma_start3A_128 = tpu.memref_slice %arg6[%add3A_40, %dma_start3A_127] : memref<10240x64xbf16, #tpu.memory_space<vmem_shared>> -> memref<128x64xbf16, #tpu.memory_space<vmem_shared>>
      %dma_start3A_129 = arith.constant 0 : i32
      %dma_start3A_130 = tpu.memref_slice %arg6[%add3A_40, %dma_start3A_129] : memref<10240x64xbf16, #tpu.memory_space<vmem_shared>> -> memref<128x64xbf16, #tpu.memory_space<vmem_shared>>
      %dma_start3A_131 = arith.constant 0 : i32
      %dma_start3A_132 = arith.constant 0 : i32
      %dma_start3A_133 = tpu.memref_slice %arg9[%run_scoped3A_41, %dma_start3A_131, %dma_start3A_132] : memref<3x128x64xbf16, #tpu.memory_space<vmem>> -> memref<1x128x64xbf16, #tpu.memory_space<vmem>>
      %dma_start3A_134 = tpu.memref_squeeze %dma_start3A_133 : memref<1x128x64xbf16, #tpu.memory_space<vmem>> -> memref<128x64xbf16, #tpu.memory_space<vmem>>
      tpu.enqueue_dma source(%dma_start3A_134 : memref<128x64xbf16, #tpu.memory_space<vmem>>) target(%dma_start3A_130 : memref<128x64xbf16, #tpu.memory_space<vmem_shared>>) target_semaphore(%run_scoped3A_122 : memref<!tpu.dma_semaphore, #tpu.memory_space<semaphore_mem>>)
      %dma_wait3A_135 = arith.constant 0 : i32
      %dma_wait3A_136 = arith.constant 0 : i32
      %dma_wait3A_137 = tpu.memref_slice %arg9[%run_scoped3A_41, %dma_wait3A_135, %dma_wait3A_136] : memref<3x128x64xbf16, #tpu.memory_space<vmem>> -> memref<1x128x64xbf16, #tpu.memory_space<vmem>>
      %dma_wait3A_138 = tpu.memref_squeeze %dma_wait3A_137 : memref<1x128x64xbf16, #tpu.memory_space<vmem>> -> memref<128x64xbf16, #tpu.memory_space<vmem>>
      %dma_wait3A_139 = arith.constant 0 : i32
      %dma_wait3A_140 = tpu.memref_slice %arg6[%add3A_40, %dma_wait3A_139] : memref<10240x64xbf16, #tpu.memory_space<vmem_shared>> -> memref<128x64xbf16, #tpu.memory_space<vmem_shared>>
      %dma_wait3A_141 = arith.constant 0 : i32
      %dma_wait3A_142 = tpu.memref_slice %arg6[%add3A_40, %dma_wait3A_141] : memref<10240x64xbf16, #tpu.memory_space<vmem_shared>> -> memref<128x64xbf16, #tpu.memory_space<vmem_shared>>
      %dma_wait3A_143 = arith.constant 0 : i32
      %dma_wait3A_144 = arith.constant 0 : i32
      %dma_wait3A_145 = tpu.memref_slice %arg9[%run_scoped3A_41, %dma_wait3A_143, %dma_wait3A_144] : memref<3x128x64xbf16, #tpu.memory_space<vmem>> -> memref<1x128x64xbf16, #tpu.memory_space<vmem>>
      %dma_wait3A_146 = tpu.memref_squeeze %dma_wait3A_145 : memref<1x128x64xbf16, #tpu.memory_space<vmem>> -> memref<128x64xbf16, #tpu.memory_space<vmem>>
      tpu.wait_dma2 semaphore(%run_scoped3A_122 : memref<!tpu.dma_semaphore, #tpu.memory_space<semaphore_mem>>) src(%dma_wait3A_146 : memref<128x64xbf16, #tpu.memory_space<vmem>>) dst(%dma_wait3A_142 : memref<128x64xbf16, #tpu.memory_space<vmem_shared>>)
      tpu.yield
    }) : () -> ()
    %mul3A_42 = arith.constant 640 : i32
    %mul3A_43 = arith.muli %arg1, %mul3A_42 : i32
    %add3A_44 = arith.constant 384 : i32
    %add3A_45 = arith.addi %mul3A_43, %add3A_44 : i32
    %run_scoped3A_46 = arith.constant 0 : i32
    "tpu.region"() ({
      %run_scoped3A_122 = tpu.sem_alloc : memref<!tpu.dma_semaphore, #tpu.memory_space<semaphore_mem>>
      %dma_start3A_123 = arith.constant 0 : i32
      %dma_start3A_124 = arith.constant 0 : i32
      %dma_start3A_125 = tpu.memref_slice %arg9[%run_scoped3A_46, %dma_start3A_123, %dma_start3A_124] : memref<3x128x64xbf16, #tpu.memory_space<vmem>> -> memref<1x128x64xbf16, #tpu.memory_space<vmem>>
      %dma_start3A_126 = tpu.memref_squeeze %dma_start3A_125 : memref<1x128x64xbf16, #tpu.memory_space<vmem>> -> memref<128x64xbf16, #tpu.memory_space<vmem>>
      %dma_start3A_127 = arith.constant 0 : i32
      %dma_start3A_128 = tpu.memref_slice %arg6[%add3A_45, %dma_start3A_127] : memref<10240x64xbf16, #tpu.memory_space<vmem_shared>> -> memref<128x64xbf16, #tpu.memory_space<vmem_shared>>
      %dma_start3A_129 = arith.constant 0 : i32
      %dma_start3A_130 = tpu.memref_slice %arg6[%add3A_45, %dma_start3A_129] : memref<10240x64xbf16, #tpu.memory_space<vmem_shared>> -> memref<128x64xbf16, #tpu.memory_space<vmem_shared>>
      %dma_start3A_131 = arith.constant 0 : i32
      %dma_start3A_132 = arith.constant 0 : i32
      %dma_start3A_133 = tpu.memref_slice %arg9[%run_scoped3A_46, %dma_start3A_131, %dma_start3A_132] : memref<3x128x64xbf16, #tpu.memory_space<vmem>> -> memref<1x128x64xbf16, #tpu.memory_space<vmem>>
      %dma_start3A_134 = tpu.memref_squeeze %dma_start3A_133 : memref<1x128x64xbf16, #tpu.memory_space<vmem>> -> memref<128x64xbf16, #tpu.memory_space<vmem>>
      tpu.enqueue_dma source(%dma_start3A_134 : memref<128x64xbf16, #tpu.memory_space<vmem>>) target(%dma_start3A_130 : memref<128x64xbf16, #tpu.memory_space<vmem_shared>>) target_semaphore(%run_scoped3A_122 : memref<!tpu.dma_semaphore, #tpu.memory_space<semaphore_mem>>)
      %dma_wait3A_135 = arith.constant 0 : i32
      %dma_wait3A_136 = arith.constant 0 : i32
      %dma_wait3A_137 = tpu.memref_slice %arg9[%run_scoped3A_46, %dma_wait3A_135, %dma_wait3A_136] : memref<3x128x64xbf16, #tpu.memory_space<vmem>> -> memref<1x128x64xbf16, #tpu.memory_space<vmem>>
      %dma_wait3A_138 = tpu.memref_squeeze %dma_wait3A_137 : memref<1x128x64xbf16, #tpu.memory_space<vmem>> -> memref<128x64xbf16, #tpu.memory_space<vmem>>
      %dma_wait3A_139 = arith.constant 0 : i32
      %dma_wait3A_140 = tpu.memref_slice %arg6[%add3A_45, %dma_wait3A_139] : memref<10240x64xbf16, #tpu.memory_space<vmem_shared>> -> memref<128x64xbf16, #tpu.memory_space<vmem_shared>>
      %dma_wait3A_141 = arith.constant 0 : i32
      %dma_wait3A_142 = tpu.memref_slice %arg6[%add3A_45, %dma_wait3A_141] : memref<10240x64xbf16, #tpu.memory_space<vmem_shared>> -> memref<128x64xbf16, #tpu.memory_space<vmem_shared>>
      %dma_wait3A_143 = arith.constant 0 : i32
      %dma_wait3A_144 = arith.constant 0 : i32
      %dma_wait3A_145 = tpu.memref_slice %arg9[%run_scoped3A_46, %dma_wait3A_143, %dma_wait3A_144] : memref<3x128x64xbf16, #tpu.memory_space<vmem>> -> memref<1x128x64xbf16, #tpu.memory_space<vmem>>
      %dma_wait3A_146 = tpu.memref_squeeze %dma_wait3A_145 : memref<1x128x64xbf16, #tpu.memory_space<vmem>> -> memref<128x64xbf16, #tpu.memory_space<vmem>>
      tpu.wait_dma2 semaphore(%run_scoped3A_122 : memref<!tpu.dma_semaphore, #tpu.memory_space<semaphore_mem>>) src(%dma_wait3A_146 : memref<128x64xbf16, #tpu.memory_space<vmem>>) dst(%dma_wait3A_142 : memref<128x64xbf16, #tpu.memory_space<vmem_shared>>)
      tpu.yield
    }) : () -> ()
    %mul3A_47 = arith.constant 640 : i32
    %mul3A_48 = arith.muli %arg1, %mul3A_47 : i32
    %add3A_49 = arith.constant 512 : i32
    %add3A_50 = arith.addi %mul3A_48, %add3A_49 : i32
    %run_scoped3A_51 = arith.constant 0 : i32
    "tpu.region"() ({
      %run_scoped3A_122 = tpu.sem_alloc : memref<!tpu.dma_semaphore, #tpu.memory_space<semaphore_mem>>
      %dma_start3A_123 = arith.constant 0 : i32
      %dma_start3A_124 = arith.constant 0 : i32
      %dma_start3A_125 = tpu.memref_slice %arg9[%run_scoped3A_51, %dma_start3A_123, %dma_start3A_124] : memref<3x128x64xbf16, #tpu.memory_space<vmem>> -> memref<1x128x64xbf16, #tpu.memory_space<vmem>>
      %dma_start3A_126 = tpu.memref_squeeze %dma_start3A_125 : memref<1x128x64xbf16, #tpu.memory_space<vmem>> -> memref<128x64xbf16, #tpu.memory_space<vmem>>
      %dma_start3A_127 = arith.constant 0 : i32
      %dma_start3A_128 = tpu.memref_slice %arg6[%add3A_50, %dma_start3A_127] : memref<10240x64xbf16, #tpu.memory_space<vmem_shared>> -> memref<128x64xbf16, #tpu.memory_space<vmem_shared>>
      %dma_start3A_129 = arith.constant 0 : i32
      %dma_start3A_130 = tpu.memref_slice %arg6[%add3A_50, %dma_start3A_129] : memref<10240x64xbf16, #tpu.memory_space<vmem_shared>> -> memref<128x64xbf16, #tpu.memory_space<vmem_shared>>
      %dma_start3A_131 = arith.constant 0 : i32
      %dma_start3A_132 = arith.constant 0 : i32
      %dma_start3A_133 = tpu.memref_slice %arg9[%run_scoped3A_51, %dma_start3A_131, %dma_start3A_132] : memref<3x128x64xbf16, #tpu.memory_space<vmem>> -> memref<1x128x64xbf16, #tpu.memory_space<vmem>>
      %dma_start3A_134 = tpu.memref_squeeze %dma_start3A_133 : memref<1x128x64xbf16, #tpu.memory_space<vmem>> -> memref<128x64xbf16, #tpu.memory_space<vmem>>
      tpu.enqueue_dma source(%dma_start3A_134 : memref<128x64xbf16, #tpu.memory_space<vmem>>) target(%dma_start3A_130 : memref<128x64xbf16, #tpu.memory_space<vmem_shared>>) target_semaphore(%run_scoped3A_122 : memref<!tpu.dma_semaphore, #tpu.memory_space<semaphore_mem>>)
      %dma_wait3A_135 = arith.constant 0 : i32
      %dma_wait3A_136 = arith.constant 0 : i32
      %dma_wait3A_137 = tpu.memref_slice %arg9[%run_scoped3A_51, %dma_wait3A_135, %dma_wait3A_136] : memref<3x128x64xbf16, #tpu.memory_space<vmem>> -> memref<1x128x64xbf16, #tpu.memory_space<vmem>>
      %dma_wait3A_138 = tpu.memref_squeeze %dma_wait3A_137 : memref<1x128x64xbf16, #tpu.memory_space<vmem>> -> memref<128x64xbf16, #tpu.memory_space<vmem>>
      %dma_wait3A_139 = arith.constant 0 : i32
      %dma_wait3A_140 = tpu.memref_slice %arg6[%add3A_50, %dma_wait3A_139] : memref<10240x64xbf16, #tpu.memory_space<vmem_shared>> -> memref<128x64xbf16, #tpu.memory_space<vmem_shared>>
      %dma_wait3A_141 = arith.constant 0 : i32
      %dma_wait3A_142 = tpu.memref_slice %arg6[%add3A_50, %dma_wait3A_141] : memref<10240x64xbf16, #tpu.memory_space<vmem_shared>> -> memref<128x64xbf16, #tpu.memory_space<vmem_shared>>
      %dma_wait3A_143 = arith.constant 0 : i32
      %dma_wait3A_144 = arith.constant 0 : i32
      %dma_wait3A_145 = tpu.memref_slice %arg9[%run_scoped3A_51, %dma_wait3A_143, %dma_wait3A_144] : memref<3x128x64xbf16, #tpu.memory_space<vmem>> -> memref<1x128x64xbf16, #tpu.memory_space<vmem>>
      %dma_wait3A_146 = tpu.memref_squeeze %dma_wait3A_145 : memref<1x128x64xbf16, #tpu.memory_space<vmem>> -> memref<128x64xbf16, #tpu.memory_space<vmem>>
      tpu.wait_dma2 semaphore(%run_scoped3A_122 : memref<!tpu.dma_semaphore, #tpu.memory_space<semaphore_mem>>) src(%dma_wait3A_146 : memref<128x64xbf16, #tpu.memory_space<vmem>>) dst(%dma_wait3A_142 : memref<128x64xbf16, #tpu.memory_space<vmem_shared>>)
      tpu.yield
    }) : () -> ()
    %dma_wait3A = arith.constant 0 : i32
    %dma_wait3A_52 = arith.constant 0 : i32
    %dma_wait3A_53 = tpu.memref_slice %arg3[%add3A, %dma_wait3A, %dma_wait3A_52] : memref<32x79x128xi32, #tpu.memory_space<hbm>> -> memref<1x79x128xi32, #tpu.memory_space<hbm>>
    %dma_wait3A_54 = tpu.memref_squeeze %dma_wait3A_53 : memref<1x79x128xi32, #tpu.memory_space<hbm>> -> memref<79x128xi32, #tpu.memory_space<hbm>>
    %dma_wait3A_55 = arith.constant 0 : i32
    %dma_wait3A_56 = arith.constant 0 : i32
    %dma_wait3A_57 = tpu.memref_slice %arg3[%add3A, %dma_wait3A_55, %dma_wait3A_56] : memref<32x79x128xi32, #tpu.memory_space<hbm>> -> memref<1x79x128xi32, #tpu.memory_space<hbm>>
    %dma_wait3A_58 = tpu.memref_squeeze %dma_wait3A_57 : memref<1x79x128xi32, #tpu.memory_space<hbm>> -> memref<79x128xi32, #tpu.memory_space<hbm>>
    tpu.wait_dma2 semaphore(%arg11 : memref<!tpu.dma_semaphore, #tpu.memory_space<semaphore_mem>>) src(%dma_wait3A_58 : memref<79x128xi32, #tpu.memory_space<hbm>>) dst(%arg13 : memref<79x128xi32, #tpu.memory_space<vmem>>)
    %dma_wait3A_59 = arith.constant 0 : i32
    %dma_wait3A_60 = arith.constant 0 : i32
    %dma_wait3A_61 = tpu.memref_slice %arg4[%add3A, %dma_wait3A_59, %dma_wait3A_60] : memref<32x79x128xi32, #tpu.memory_space<hbm>> -> memref<1x79x128xi32, #tpu.memory_space<hbm>>
    %dma_wait3A_62 = tpu.memref_squeeze %dma_wait3A_61 : memref<1x79x128xi32, #tpu.memory_space<hbm>> -> memref<79x128xi32, #tpu.memory_space<hbm>>
    %dma_wait3A_63 = arith.constant 0 : i32
    %dma_wait3A_64 = arith.constant 0 : i32
    %dma_wait3A_65 = tpu.memref_slice %arg4[%add3A, %dma_wait3A_63, %dma_wait3A_64] : memref<32x79x128xi32, #tpu.memory_space<hbm>> -> memref<1x79x128xi32, #tpu.memory_space<hbm>>
    %dma_wait3A_66 = tpu.memref_squeeze %dma_wait3A_65 : memref<1x79x128xi32, #tpu.memory_space<hbm>> -> memref<79x128xi32, #tpu.memory_space<hbm>>
    tpu.wait_dma2 semaphore(%arg11 : memref<!tpu.dma_semaphore, #tpu.memory_space<semaphore_mem>>) src(%dma_wait3A_66 : memref<79x128xi32, #tpu.memory_space<hbm>>) dst(%arg7 : memref<79x128xi32, #tpu.memory_space<vmem>>)
    %dma_wait3A_67 = arith.constant 0 : i32
    %dma_wait3A_68 = tpu.memref_slice %arg8[%mul3A_2, %dma_wait3A_67] : memref<10240x64xbf16, #tpu.memory_space<vmem_shared>> -> memref<640x64xbf16, #tpu.memory_space<vmem_shared>>
    %dma_wait3A_69 = arith.constant 0 : i32
    %dma_wait3A_70 = tpu.memref_slice %arg2[%mul3A_2, %dma_wait3A_69] : memref<10240x64xbf16, #tpu.memory_space<hbm>> -> memref<640x64xbf16, #tpu.memory_space<hbm>>
    tpu.wait_dma2 semaphore(%arg11 : memref<!tpu.dma_semaphore, #tpu.memory_space<semaphore_mem>>) src(%dma_wait3A_70 : memref<640x64xbf16, #tpu.memory_space<hbm>>) dst(%dma_wait3A_68 : memref<640x64xbf16, #tpu.memory_space<vmem_shared>>)
    %barrier3A = arith.constant 0 : index
    tpu.barrier barrier_id(%barrier3A)
    %rem3A = arith.constant 0 : i32
    %rem3A_71 = arith.constant 3 : i32
    %rem3A_72 = arith.remsi %rem3A, %rem3A_71 : i32
    %dma_start3A_73 = arith.constant 0 : i32
    %dma_start3A_74 = arith.constant 0 : i32
    %dma_start3A_75 = arith.constant 0 : i32
    %dma_start3A_76 = tpu.memref_slice %arg9[%rem3A_72, %dma_start3A_74, %dma_start3A_75] : memref<3x128x64xbf16, #tpu.memory_space<vmem>> -> memref<1x128x64xbf16, #tpu.memory_space<vmem>>
    %dma_start3A_77 = tpu.memref_squeeze %dma_start3A_76 : memref<1x128x64xbf16, #tpu.memory_space<vmem>> -> memref<128x64xbf16, #tpu.memory_space<vmem>>
    %dma_start3A_78 = arith.constant 0 : i32
    %dma_start3A_79 = tpu.memref_slice %arg13[%dma_start3A_73, %dma_start3A_78] : memref<79x128xi32, #tpu.memory_space<vmem>> -> memref<1x128xi32, #tpu.memory_space<vmem>>
    %dma_start3A_80 = tpu.memref_squeeze %dma_start3A_79 : memref<1x128xi32, #tpu.memory_space<vmem>> -> memref<128xi32, #tpu.memory_space<vmem>>
    %dma_start3A_81 = arith.constant 0 : i32
    %dma_start3A_82 = arith.constant 0 : i32
    %dma_start3A_83 = tpu.memref_slice %arg8[%dma_start3A_81, %dma_start3A_82] : memref<10240x64xbf16, #tpu.memory_space<vmem_shared>> -> memref<10240x64xbf16, #tpu.memory_space<vmem_shared>>
    tpu.enqueue_indirect_dma source(%dma_start3A_83 : memref<10240x64xbf16, #tpu.memory_space<vmem_shared>>) target(%dma_start3A_77 : memref<128x64xbf16, #tpu.memory_space<vmem>>) offsets(%dma_start3A_80 : memref<128xi32, #tpu.memory_space<vmem>>) semaphore(%arg10 : memref<!tpu.dma_semaphore, #tpu.memory_space<semaphore_mem>>)
    %rem3A_84 = arith.constant 1 : i32
    %rem3A_85 = arith.constant 3 : i32
    %rem3A_86 = arith.remsi %rem3A_84, %rem3A_85 : i32
    %dma_start3A_87 = arith.constant 1 : i32
    %dma_start3A_88 = arith.constant 0 : i32
    %dma_start3A_89 = arith.constant 0 : i32
    %dma_start3A_90 = tpu.memref_slice %arg9[%rem3A_86, %dma_start3A_88, %dma_start3A_89] : memref<3x128x64xbf16, #tpu.memory_space<vmem>> -> memref<1x128x64xbf16, #tpu.memory_space<vmem>>
    %dma_start3A_91 = tpu.memref_squeeze %dma_start3A_90 : memref<1x128x64xbf16, #tpu.memory_space<vmem>> -> memref<128x64xbf16, #tpu.memory_space<vmem>>
    %dma_start3A_92 = arith.constant 0 : i32
    %dma_start3A_93 = tpu.memref_slice %arg13[%dma_start3A_87, %dma_start3A_92] : memref<79x128xi32, #tpu.memory_space<vmem>> -> memref<1x128xi32, #tpu.memory_space<vmem>>
    %dma_start3A_94 = tpu.memref_squeeze %dma_start3A_93 : memref<1x128xi32, #tpu.memory_space<vmem>> -> memref<128xi32, #tpu.memory_space<vmem>>
    %dma_start3A_95 = arith.constant 0 : i32
    %dma_start3A_96 = arith.constant 0 : i32
    %dma_start3A_97 = tpu.memref_slice %arg8[%dma_start3A_95, %dma_start3A_96] : memref<10240x64xbf16, #tpu.memory_space<vmem_shared>> -> memref<10240x64xbf16, #tpu.memory_space<vmem_shared>>
    tpu.enqueue_indirect_dma source(%dma_start3A_97 : memref<10240x64xbf16, #tpu.memory_space<vmem_shared>>) target(%dma_start3A_91 : memref<128x64xbf16, #tpu.memory_space<vmem>>) offsets(%dma_start3A_94 : memref<128xi32, #tpu.memory_space<vmem>>) semaphore(%arg10 : memref<!tpu.dma_semaphore, #tpu.memory_space<semaphore_mem>>)
    %scan3A_98 = arith.constant 0 : i32
    %scan3A_99 = arith.constant 0 : i32
    %scan3A_100 = arith.constant 79 : i32
    %scan3A_101 = arith.addi %scan3A_99, %scan3A_100 : i32
    %scan3A_102 = arith.constant 1 : i32
    %scan3A_103 = scf.for %scan3A_122 = %scan3A_99 to %scan3A_101 step %scan3A_102 iter_args(%scan3A_123 = %scan3A_98) -> (i32)  : i32 {
      %dma_wait3A_124 = arith.constant 0 : i32
      %dma_wait3A_125 = arith.constant 0 : i32
      %dma_wait3A_126 = arith.constant 0 : i32
      %dma_wait3A_127 = arith.constant 0 : i32
      %dma_wait3A_128 = tpu.memref_slice %arg9[%dma_wait3A_125, %dma_wait3A_126, %dma_wait3A_127] : memref<3x128x64xbf16, #tpu.memory_space<vmem>> -> memref<1x128x64xbf16, #tpu.memory_space<vmem>>
      %dma_wait3A_129 = tpu.memref_squeeze %dma_wait3A_128 : memref<1x128x64xbf16, #tpu.memory_space<vmem>> -> memref<128x64xbf16, #tpu.memory_space<vmem>>
      %dma_wait3A_130 = arith.constant 0 : i32
      %dma_wait3A_131 = tpu.memref_slice %arg13[%dma_wait3A_124, %dma_wait3A_130] : memref<79x128xi32, #tpu.memory_space<vmem>> -> memref<1x128xi32, #tpu.memory_space<vmem>>
      %dma_wait3A_132 = tpu.memref_squeeze %dma_wait3A_131 : memref<1x128xi32, #tpu.memory_space<vmem>> -> memref<128xi32, #tpu.memory_space<vmem>>
      %dma_wait3A_133 = arith.constant 0 : i32
      %dma_wait3A_134 = arith.constant 0 : i32
      %dma_wait3A_135 = tpu.memref_slice %arg2[%dma_wait3A_133, %dma_wait3A_134] : memref<10240x64xbf16, #tpu.memory_space<hbm>> -> memref<10240x64xbf16, #tpu.memory_space<hbm>>
      tpu.wait_indirect_dma semaphore(%arg10 : memref<!tpu.dma_semaphore, #tpu.memory_space<semaphore_mem>>) src(%dma_wait3A_135 : memref<10240x64xbf16, #tpu.memory_space<hbm>>) dst(%dma_wait3A_129 : memref<128x64xbf16, #tpu.memory_space<vmem>>)
      %rem3A_136 = arith.constant 3 : i32
      %rem3A_137 = arith.remsi %scan3A_122, %rem3A_136 : i32
      %dma_start3A_138 = arith.constant 0 : i32
      %dma_start3A_139 = arith.constant 0 : i32
      %dma_start3A_140 = tpu.memref_slice %arg9[%rem3A_137, %dma_start3A_138, %dma_start3A_139] : memref<3x128x64xbf16, #tpu.memory_space<vmem>> -> memref<1x128x64xbf16, #tpu.memory_space<vmem>>
      %dma_start3A_141 = tpu.memref_squeeze %dma_start3A_140 : memref<1x128x64xbf16, #tpu.memory_space<vmem>> -> memref<128x64xbf16, #tpu.memory_space<vmem>>
      %dma_start3A_142 = arith.constant 0 : i32
      %dma_start3A_143 = tpu.memref_slice %arg7[%scan3A_122, %dma_start3A_142] : memref<79x128xi32, #tpu.memory_space<vmem>> -> memref<1x128xi32, #tpu.memory_space<vmem>>
      %dma_start3A_144 = tpu.memref_squeeze %dma_start3A_143 : memref<1x128xi32, #tpu.memory_space<vmem>> -> memref<128xi32, #tpu.memory_space<vmem>>
      %dma_start3A_145 = arith.constant 0 : i32
      %dma_start3A_146 = arith.constant 0 : i32
      %dma_start3A_147 = tpu.memref_slice %arg6[%dma_start3A_145, %dma_start3A_146] : memref<10240x64xbf16, #tpu.memory_space<vmem_shared>> -> memref<10240x64xbf16, #tpu.memory_space<vmem_shared>>
      tpu.enqueue_indirect_dma source(%dma_start3A_141 : memref<128x64xbf16, #tpu.memory_space<vmem>>) target(%dma_start3A_147 : memref<10240x64xbf16, #tpu.memory_space<vmem_shared>>) offsets(%dma_start3A_144 : memref<128xi32, #tpu.memory_space<vmem>>) semaphore(%arg12 : memref<!tpu.dma_semaphore, #tpu.memory_space<semaphore_mem>>) {add = true}
      %ge3A = arith.constant 1 : i32
      %ge3A_148 = arith.cmpi sge, %scan3A_122, %ge3A : i32
      %convert_element_type3A = arith.extui %ge3A_148 : i1 to i32
      %cond3A = arith.constant 0 : i32
      %cond3A_149 = arith.cmpi ne, %convert_element_type3A, %cond3A : i32
      scf.if %cond3A_149 {
        %dma_wait3A_157 = arith.constant 0 : i32
        %dma_wait3A_158 = arith.constant 0 : i32
        %dma_wait3A_159 = arith.constant 0 : i32
        %dma_wait3A_160 = arith.constant 0 : i32
        %dma_wait3A_161 = tpu.memref_slice %arg9[%dma_wait3A_158, %dma_wait3A_159, %dma_wait3A_160] : memref<3x128x64xbf16, #tpu.memory_space<vmem>> -> memref<1x128x64xbf16, #tpu.memory_space<vmem>>
        %dma_wait3A_162 = tpu.memref_squeeze %dma_wait3A_161 : memref<1x128x64xbf16, #tpu.memory_space<vmem>> -> memref<128x64xbf16, #tpu.memory_space<vmem>>
        %dma_wait3A_163 = arith.constant 0 : i32
        %dma_wait3A_164 = tpu.memref_slice %arg13[%dma_wait3A_157, %dma_wait3A_163] : memref<79x128xi32, #tpu.memory_space<vmem>> -> memref<1x128xi32, #tpu.memory_space<vmem>>
        %dma_wait3A_165 = tpu.memref_squeeze %dma_wait3A_164 : memref<1x128xi32, #tpu.memory_space<vmem>> -> memref<128xi32, #tpu.memory_space<vmem>>
        %dma_wait3A_166 = arith.constant 0 : i32
        %dma_wait3A_167 = arith.constant 0 : i32
        %dma_wait3A_168 = tpu.memref_slice %arg2[%dma_wait3A_166, %dma_wait3A_167] : memref<10240x64xbf16, #tpu.memory_space<hbm>> -> memref<10240x64xbf16, #tpu.memory_space<hbm>>
        tpu.wait_indirect_dma semaphore(%arg12 : memref<!tpu.dma_semaphore, #tpu.memory_space<semaphore_mem>>) src(%dma_wait3A_168 : memref<10240x64xbf16, #tpu.memory_space<hbm>>) dst(%dma_wait3A_162 : memref<128x64xbf16, #tpu.memory_space<vmem>>)
      } else {
      }
      %add3A_150 = arith.constant 2 : i32
      %add3A_151 = arith.addi %scan3A_122, %add3A_150 : i32
      %lt3A = arith.constant 79 : i32
      %lt3A_152 = arith.cmpi slt, %add3A_151, %lt3A : i32
      %convert_element_type3A_153 = arith.extui %lt3A_152 : i1 to i32
      %cond3A_154 = arith.constant 0 : i32
      %cond3A_155 = arith.cmpi ne, %convert_element_type3A_153, %cond3A_154 : i32
      scf.if %cond3A_155 {
        %add3A_157 = arith.constant 2 : i32
        %add3A_158 = arith.addi %scan3A_122, %add3A_157 : i32
        %rem3A_159 = arith.constant 3 : i32
        %rem3A_160 = arith.remsi %add3A_158, %rem3A_159 : i32
        %dma_start3A_161 = arith.constant 0 : i32
        %dma_start3A_162 = arith.constant 0 : i32
        %dma_start3A_163 = tpu.memref_slice %arg9[%rem3A_160, %dma_start3A_161, %dma_start3A_162] : memref<3x128x64xbf16, #tpu.memory_space<vmem>> -> memref<1x128x64xbf16, #tpu.memory_space<vmem>>
        %dma_start3A_164 = tpu.memref_squeeze %dma_start3A_163 : memref<1x128x64xbf16, #tpu.memory_space<vmem>> -> memref<128x64xbf16, #tpu.memory_space<vmem>>
        %dma_start3A_165 = arith.constant 0 : i32
        %dma_start3A_166 = tpu.memref_slice %arg13[%add3A_158, %dma_start3A_165] : memref<79x128xi32, #tpu.memory_space<vmem>> -> memref<1x128xi32, #tpu.memory_space<vmem>>
        %dma_start3A_167 = tpu.memref_squeeze %dma_start3A_166 : memref<1x128xi32, #tpu.memory_space<vmem>> -> memref<128xi32, #tpu.memory_space<vmem>>
        %dma_start3A_168 = arith.constant 0 : i32
        %dma_start3A_169 = arith.constant 0 : i32
        %dma_start3A_170 = tpu.memref_slice %arg8[%dma_start3A_168, %dma_start3A_169] : memref<10240x64xbf16, #tpu.memory_space<vmem_shared>> -> memref<10240x64xbf16, #tpu.memory_space<vmem_shared>>
        tpu.enqueue_indirect_dma source(%dma_start3A_170 : memref<10240x64xbf16, #tpu.memory_space<vmem_shared>>) target(%dma_start3A_164 : memref<128x64xbf16, #tpu.memory_space<vmem>>) offsets(%dma_start3A_167 : memref<128xi32, #tpu.memory_space<vmem>>) semaphore(%arg10 : memref<!tpu.dma_semaphore, #tpu.memory_space<semaphore_mem>>)
      } else {
      }
      %scan3A_156 = arith.constant 0 : i32
      scf.yield %scan3A_156 : i32
    }
    %scan3A_104 = arith.constant 79 : i32
    %dma_wait3A_105 = arith.constant 0 : i32
    %dma_wait3A_106 = arith.constant 0 : i32
    %dma_wait3A_107 = arith.constant 0 : i32
    %dma_wait3A_108 = arith.constant 0 : i32
    %dma_wait3A_109 = tpu.memref_slice %arg9[%dma_wait3A_106, %dma_wait3A_107, %dma_wait3A_108] : memref<3x128x64xbf16, #tpu.memory_space<vmem>> -> memref<1x128x64xbf16, #tpu.memory_space<vmem>>
    %dma_wait3A_110 = tpu.memref_squeeze %dma_wait3A_109 : memref<1x128x64xbf16, #tpu.memory_space<vmem>> -> memref<128x64xbf16, #tpu.memory_space<vmem>>
    %dma_wait3A_111 = arith.constant 0 : i32
    %dma_wait3A_112 = tpu.memref_slice %arg13[%dma_wait3A_105, %dma_wait3A_111] : memref<79x128xi32, #tpu.memory_space<vmem>> -> memref<1x128xi32, #tpu.memory_space<vmem>>
    %dma_wait3A_113 = tpu.memref_squeeze %dma_wait3A_112 : memref<1x128xi32, #tpu.memory_space<vmem>> -> memref<128xi32, #tpu.memory_space<vmem>>
    %dma_wait3A_114 = arith.constant 0 : i32
    %dma_wait3A_115 = arith.constant 0 : i32
    %dma_wait3A_116 = tpu.memref_slice %arg2[%dma_wait3A_114, %dma_wait3A_115] : memref<10240x64xbf16, #tpu.memory_space<hbm>> -> memref<10240x64xbf16, #tpu.memory_space<hbm>>
    tpu.wait_indirect_dma semaphore(%arg12 : memref<!tpu.dma_semaphore, #tpu.memory_space<semaphore_mem>>) src(%dma_wait3A_116 : memref<10240x64xbf16, #tpu.memory_space<hbm>>) dst(%dma_wait3A_110 : memref<128x64xbf16, #tpu.memory_space<vmem>>)
    %barrier3A_117 = arith.constant 0 : index
    tpu.barrier barrier_id(%barrier3A_117)
    %mul3A_118 = arith.constant 640 : i32
    %mul3A_119 = arith.muli %arg1, %mul3A_118 : i32
    %mul3A_120 = arith.constant 640 : i32
    %mul3A_121 = arith.muli %arg1, %mul3A_120 : i32
    "tpu.region"() ({
      %run_scoped3A_122 = tpu.sem_alloc : memref<!tpu.dma_semaphore, #tpu.memory_space<semaphore_mem>>
      %dma_start3A_123 = arith.constant 0 : i32
      %dma_start3A_124 = tpu.memref_slice %arg5[%arg0, %mul3A_121, %dma_start3A_123] : memref<2x10240x64xbf16, #tpu.memory_space<hbm>> -> memref<1x640x64xbf16, #tpu.memory_space<hbm>>
      %dma_start3A_125 = tpu.memref_squeeze %dma_start3A_124 : memref<1x640x64xbf16, #tpu.memory_space<hbm>> -> memref<640x64xbf16, #tpu.memory_space<hbm>>
      %dma_start3A_126 = arith.constant 0 : i32
      %dma_start3A_127 = tpu.memref_slice %arg6[%mul3A_119, %dma_start3A_126] : memref<10240x64xbf16, #tpu.memory_space<vmem_shared>> -> memref<640x64xbf16, #tpu.memory_space<vmem_shared>>
      tpu.enqueue_dma source(%dma_start3A_127 : memref<640x64xbf16, #tpu.memory_space<vmem_shared>>) target(%dma_start3A_125 : memref<640x64xbf16, #tpu.memory_space<hbm>>) target_semaphore(%run_scoped3A_122 : memref<!tpu.dma_semaphore, #tpu.memory_space<semaphore_mem>>)
      %dma_wait3A_128 = arith.constant 0 : i32
      %dma_wait3A_129 = tpu.memref_slice %arg5[%arg0, %mul3A_121, %dma_wait3A_128] : memref<2x10240x64xbf16, #tpu.memory_space<hbm>> -> memref<1x640x64xbf16, #tpu.memory_space<hbm>>
      %dma_wait3A_130 = tpu.memref_squeeze %dma_wait3A_129 : memref<1x640x64xbf16, #tpu.memory_space<hbm>> -> memref<640x64xbf16, #tpu.memory_space<hbm>>
      %dma_wait3A_131 = arith.constant 0 : i32
      %dma_wait3A_132 = tpu.memref_slice %arg6[%mul3A_119, %dma_wait3A_131] : memref<10240x64xbf16, #tpu.memory_space<vmem_shared>> -> memref<640x64xbf16, #tpu.memory_space<vmem_shared>>
      tpu.wait_dma2 semaphore(%run_scoped3A_122 : memref<!tpu.dma_semaphore, #tpu.memory_space<semaphore_mem>>) src(%dma_wait3A_132 : memref<640x64xbf16, #tpu.memory_space<vmem_shared>>) dst(%dma_wait3A_130 : memref<640x64xbf16, #tpu.memory_space<hbm>>)
      tpu.yield
    }) : () -> ()
    return
  }
}

module attributes {stable_mosaic.version = 14 : i64} {
  func.func @_tc1_body(%arg0: i32, %arg1: memref<2x8x128xf32, #tpu.memory_space<vmem>>, %arg2: memref<512x256xf32, #tpu.memory_space<vmem>>, %arg3: memref<128x64xf32, #tpu.memory_space<vmem>>, %arg4: memref<512x128xf32, #tpu.memory_space<vmem>>, %arg5: memref<512x128xbf16, #tpu.memory_space<vmem>>) attributes {dimension_semantics = [#tpu.dimension_semantics<arbitrary>], iteration_bounds = array<i64: 10>, scalar_prefetch = 0 : i64, scratch_operands = 0 : i64, tpu.core_type = #tpu.core_type<tc>, window_params = [{transform_indices = @transform_0, window_bounds = array<i64: 2, 8, 128>}, {transform_indices = @transform_1, window_bounds = array<i64: 512, 256>}, {pipeline_mode = #tpu.pipeline_mode<synchronous>, transform_indices = @transform_2, window_bounds = array<i64: 128, 64>}, {transform_indices = @transform_3, window_bounds = array<i64: 512, 128>}, {transform_indices = @transform_4, window_bounds = array<i64: 512, 128>}]} {
    %get3A = arith.constant 0 : index
    %get3A_0 = arith.constant 0 : index
    %get3A_1 = arith.constant 0 : index
    %get3A_2 = vector.load %arg1[%get3A, %get3A_0, %get3A_1] : memref<2x8x128xf32, #tpu.memory_space<vmem>>, vector<1x8x128xf32>
    %get3A_3 = vector.shape_cast %get3A_2 : vector<1x8x128xf32> to vector<8x128xf32>
    %get3A_4 = arith.constant 1 : index
    %get3A_5 = arith.constant 0 : index
    %get3A_6 = arith.constant 0 : index
    %get3A_7 = vector.load %arg1[%get3A_4, %get3A_5, %get3A_6] : memref<2x8x128xf32, #tpu.memory_space<vmem>>, vector<1x8x128xf32>
    %get3A_8 = vector.shape_cast %get3A_7 : vector<1x8x128xf32> to vector<8x128xf32>
    %add3A = arith.addf %get3A_3, %get3A_8 : vector<8x128xf32>
    %add3A_9 = arith.constant 1.000000e+00 : f32
    %add3A_10 = vector.broadcast %add3A_9 : f32 to vector<8x128xf32>
    %add3A_11 = arith.addf %add3A, %add3A_10 : vector<8x128xf32>
    %iota3A = tpu.iota {dimensions = array<i32: 0>} : vector<512x1xi32>
    %mul3A = arith.constant 2 : i32
    %mul3A_12 = vector.broadcast %mul3A : i32 to vector<512x1xi32>
    %mul3A_13 = arith.muli %mul3A_12, %iota3A : vector<512x1xi32>
    %add3A_14 = arith.constant 0 : i32
    %add3A_15 = vector.broadcast %add3A_14 : i32 to vector<512x1xi32>
    %add3A_16 = arith.addi %mul3A_13, %add3A_15 : vector<512x1xi32>
    %iota3A_17 = tpu.iota {dimensions = array<i32: 1>} : vector<512x8xi32>
    %shift_right_arithmetic3A = arith.constant 7 : i32
    %shift_right_arithmetic3A_18 = vector.broadcast %shift_right_arithmetic3A : i32 to vector<512x1xi32>
    %shift_right_arithmetic3A_19 = arith.shrsi %add3A_16, %shift_right_arithmetic3A_18 : vector<512x1xi32>
    %eq3A = vector.broadcast %shift_right_arithmetic3A_19 : vector<512x1xi32> to vector<512x8xi32>
    %eq3A_20 = arith.cmpi eq, %iota3A_17, %eq3A : vector<512x8xi32>
    %convert_element_type3A = arith.extui %eq3A_20 : vector<512x8xi1> to vector<512x8xi32>
    %convert_element_type3A_21 = arith.sitofp %convert_element_type3A : vector<512x8xi32> to vector<512x8xf32>
    %dot_general3A = arith.constant dense<0.000000e+00> : vector<512x128xf32>
    %dot_general3A_22 = tpu.matmul %convert_element_type3A_21, %add3A_11, %dot_general3A {dimension_numbers = #tpu.dot_dimension_numbers<[1], [0], [0], [1], [0, 0, 1, 1], [], []>, transpose_lhs_hint = false} : vector<512x8xf32>, vector<8x128xf32>, vector<512x128xf32> -> vector<512x128xf32>
    %iota3A_23 = tpu.iota {dimensions = array<i32: 1>} : vector<512x128xi32>
    %and3A = arith.constant 127 : i32
    %and3A_24 = vector.broadcast %and3A : i32 to vector<512x1xi32>
    %and3A_25 = arith.andi %add3A_16, %and3A_24 : vector<512x1xi32>
    %eq3A_26 = vector.broadcast %and3A_25 : vector<512x1xi32> to vector<512x128xi32>
    %eq3A_27 = arith.cmpi eq, %iota3A_23, %eq3A_26 : vector<512x128xi32>
    %jit3A = arith.constant 0.000000e+00 : f32
    %broadcast_in_dim3A = vector.broadcast %jit3A : f32 to vector<512x128xf32>
    %select_n3A = arith.select %eq3A_27, %dot_general3A_22, %broadcast_in_dim3A : vector<512x128xi1>, vector<512x128xf32>
    %reduce_sum3A = arith.constant dense<0.000000e+00> : vector<512xf32>
    %reduce_sum3A_28 = vector.multi_reduction <add>, %select_n3A, %reduce_sum3A [1] : vector<512x128xf32> to vector<512xf32>
    %broadcast_in_dim3A_29 = vector.shape_cast %reduce_sum3A_28 : vector<512xf32> to vector<512x1xf32>
    %rsqrt3A = math.rsqrt %broadcast_in_dim3A_29 : vector<512x1xf32>
    %broadcast_in_dim3A_30 = vector.shape_cast %rsqrt3A : vector<512x1xf32> to vector<512x1xf32>
    %broadcast_in_dim3A_31 = vector.broadcast %broadcast_in_dim3A_30 : vector<512x1xf32> to vector<512x64xf32>
    %iota3A_32 = tpu.iota {dimensions = array<i32: 0>} : vector<512x1xi32>
    %mul3A_33 = arith.constant 2 : i32
    %mul3A_34 = vector.broadcast %mul3A_33 : i32 to vector<512x1xi32>
    %mul3A_35 = arith.muli %mul3A_34, %iota3A_32 : vector<512x1xi32>
    %add3A_36 = arith.constant 1 : i32
    %add3A_37 = vector.broadcast %add3A_36 : i32 to vector<512x1xi32>
    %add3A_38 = arith.addi %mul3A_35, %add3A_37 : vector<512x1xi32>
    %iota3A_39 = tpu.iota {dimensions = array<i32: 1>} : vector<512x8xi32>
    %shift_right_arithmetic3A_40 = arith.constant 7 : i32
    %shift_right_arithmetic3A_41 = vector.broadcast %shift_right_arithmetic3A_40 : i32 to vector<512x1xi32>
    %shift_right_arithmetic3A_42 = arith.shrsi %add3A_38, %shift_right_arithmetic3A_41 : vector<512x1xi32>
    %eq3A_43 = vector.broadcast %shift_right_arithmetic3A_42 : vector<512x1xi32> to vector<512x8xi32>
    %eq3A_44 = arith.cmpi eq, %iota3A_39, %eq3A_43 : vector<512x8xi32>
    %convert_element_type3A_45 = arith.extui %eq3A_44 : vector<512x8xi1> to vector<512x8xi32>
    %convert_element_type3A_46 = arith.sitofp %convert_element_type3A_45 : vector<512x8xi32> to vector<512x8xf32>
    %dot_general3A_47 = arith.constant dense<0.000000e+00> : vector<512x128xf32>
    %dot_general3A_48 = tpu.matmul %convert_element_type3A_46, %add3A_11, %dot_general3A_47 {dimension_numbers = #tpu.dot_dimension_numbers<[1], [0], [0], [1], [0, 0, 1, 1], [], []>, transpose_lhs_hint = false} : vector<512x8xf32>, vector<8x128xf32>, vector<512x128xf32> -> vector<512x128xf32>
    %iota3A_49 = tpu.iota {dimensions = array<i32: 1>} : vector<512x128xi32>
    %and3A_50 = arith.constant 127 : i32
    %and3A_51 = vector.broadcast %and3A_50 : i32 to vector<512x1xi32>
    %and3A_52 = arith.andi %add3A_38, %and3A_51 : vector<512x1xi32>
    %eq3A_53 = vector.broadcast %and3A_52 : vector<512x1xi32> to vector<512x128xi32>
    %eq3A_54 = arith.cmpi eq, %iota3A_49, %eq3A_53 : vector<512x128xi32>
    %jit3A_55 = arith.constant 0.000000e+00 : f32
    %broadcast_in_dim3A_56 = vector.broadcast %jit3A_55 : f32 to vector<512x128xf32>
    %select_n3A_57 = arith.select %eq3A_54, %dot_general3A_48, %broadcast_in_dim3A_56 : vector<512x128xi1>, vector<512x128xf32>
    %reduce_sum3A_58 = arith.constant dense<0.000000e+00> : vector<512xf32>
    %reduce_sum3A_59 = vector.multi_reduction <add>, %select_n3A_57, %reduce_sum3A_58 [1] : vector<512x128xf32> to vector<512xf32>
    %broadcast_in_dim3A_60 = vector.shape_cast %reduce_sum3A_59 : vector<512xf32> to vector<512x1xf32>
    %rsqrt3A_61 = math.rsqrt %broadcast_in_dim3A_60 : vector<512x1xf32>
    %broadcast_in_dim3A_62 = vector.shape_cast %rsqrt3A_61 : vector<512x1xf32> to vector<512x1xf32>
    %broadcast_in_dim3A_63 = vector.broadcast %broadcast_in_dim3A_62 : vector<512x1xf32> to vector<512x64xf32>
    %concatenate3A = tpu.concatenate %broadcast_in_dim3A_31, %broadcast_in_dim3A_63 in 1 : vector<512x64xf32>, vector<512x64xf32> -> vector<512x128xf32>
    %swap3A = arith.constant 0 : index
    %swap3A_64 = arith.constant 0 : index
    %swap3A_65 = vector.load %arg4[%swap3A, %swap3A_64] : memref<512x128xf32, #tpu.memory_space<vmem>>, vector<512x128xf32>
    tpu.vector_store %arg4[%swap3A, %swap3A_64], %concatenate3A {strides = array<i32>} : memref<512x128xf32, #tpu.memory_space<vmem>>, vector<512x128xf32>,
    %get3A_66 = arith.constant 0 : index
    %get3A_67 = arith.constant 0 : index
    %get3A_68 = vector.load %arg2[%get3A_66, %get3A_67] : memref<512x256xf32, #tpu.memory_space<vmem>>, vector<512x256xf32>
    %slice3A = vector.extract_strided_slice %get3A_68 {offsets = [0, 0], sizes = [512, 128], strides = [1, 1]} : vector<512x256xf32> to vector<512x128xf32>
    %get3A_69 = arith.constant 0 : index
    %get3A_70 = arith.constant 0 : index
    %get3A_71 = vector.load %arg2[%get3A_69, %get3A_70] : memref<512x256xf32, #tpu.memory_space<vmem>>, vector<512x256xf32>
    %slice3A_72 = vector.extract_strided_slice %get3A_71 {offsets = [0, 128], sizes = [512, 128], strides = [1, 1]} : vector<512x256xf32> to vector<512x128xf32>
    %get3A_73 = arith.constant 0 : index
    %get3A_74 = arith.constant 0 : index
    %get3A_75 = vector.load %arg3[%get3A_73, %get3A_74] : memref<128x64xf32, #tpu.memory_space<vmem>>, vector<128x64xf32>
    %dot_general3A_76 = arith.constant dense<0.000000e+00> : vector<512x64xf32>
    %dot_general3A_77 = tpu.matmul %slice3A, %get3A_75, %dot_general3A_76 {dimension_numbers = #tpu.dot_dimension_numbers<[1], [0], [0], [1], [0, 0, 1, 1], [], []>, transpose_lhs_hint = false} : vector<512x128xf32>, vector<128x64xf32>, vector<512x64xf32> -> vector<512x64xf32>
    %mul3A_78 = arith.mulf %dot_general3A_77, %broadcast_in_dim3A_31 : vector<512x64xf32>
    %dot_general3A_79 = arith.constant dense<0.000000e+00> : vector<512x64xf32>
    %dot_general3A_80 = tpu.matmul %slice3A_72, %get3A_75, %dot_general3A_79 {dimension_numbers = #tpu.dot_dimension_numbers<[1], [0], [0], [1], [0, 0, 1, 1], [], []>, transpose_lhs_hint = false} : vector<512x128xf32>, vector<128x64xf32>, vector<512x64xf32> -> vector<512x64xf32>
    %mul3A_81 = arith.mulf %dot_general3A_80, %broadcast_in_dim3A_63 : vector<512x64xf32>
    %concatenate3A_82 = tpu.concatenate %mul3A_78, %mul3A_81 in 1 : vector<512x64xf32>, vector<512x64xf32> -> vector<512x128xf32>
    %convert_element_type3A_83 = arith.truncf %concatenate3A_82 : vector<512x128xf32> to vector<512x128xbf16>
    %swap3A_84 = arith.constant 0 : index
    %swap3A_85 = arith.constant 0 : index
    %swap3A_86 = vector.load %arg5[%swap3A_84, %swap3A_85] : memref<512x128xbf16, #tpu.memory_space<vmem>>, vector<512x128xbf16>
    tpu.vector_store %arg5[%swap3A_84, %swap3A_85], %convert_element_type3A_83 {strides = array<i32>} : memref<512x128xbf16, #tpu.memory_space<vmem>>, vector<512x128xbf16>,
    return
  }
  func.func @transform_0(%arg0: i32) -> (i32, i32, i32) {
    %c0_i32 = arith.constant 0 : i32
    %c0_i32_0 = arith.constant 0 : i32
    %c0_i32_1 = arith.constant 0 : i32
    return %c0_i32, %arg0, %c0_i32_0 : i32, i32, i32
  }
  func.func @transform_1(%arg0: i32) -> (i32, i32) {
    %c0_i32 = arith.constant 0 : i32
    %c0_i32_0 = arith.constant 0 : i32
    return %arg0, %c0_i32 : i32, i32
  }
  func.func @transform_2(%arg0: i32) -> (i32, i32) {
    %c0_i32 = arith.constant 0 : i32
    %c0_i32_0 = arith.constant 0 : i32
    %c0_i32_1 = arith.constant 0 : i32
    return %c0_i32, %c0_i32_0 : i32, i32
  }
  func.func @transform_3(%arg0: i32) -> (i32, i32) {
    %c0_i32 = arith.constant 0 : i32
    %c0_i32_0 = arith.constant 0 : i32
    return %arg0, %c0_i32 : i32, i32
  }
  func.func @transform_4(%arg0: i32) -> (i32, i32) {
    %c0_i32 = arith.constant 0 : i32
    %c0_i32_0 = arith.constant 0 : i32
    return %arg0, %c0_i32 : i32, i32
  }
}

module attributes {stable_mosaic.version = 14 : i64} {
  func.func @_tc2_body(%arg0: i32, %arg1: memref<2x512x128xbf16, #tpu.memory_space<vmem>>, %arg2: memref<512x128xbf16, #tpu.memory_space<vmem>>, %arg3: memref<512x128xf32, #tpu.memory_space<vmem>>, %arg4: memref<1x128xf32, #tpu.memory_space<vmem>>, %arg5: memref<64x64xf32, #tpu.memory_space<vmem>>, %arg6: memref<512x128xbf16, #tpu.memory_space<vmem>>) attributes {dimension_semantics = [#tpu.dimension_semantics<arbitrary>], iteration_bounds = array<i64: 10>, scalar_prefetch = 0 : i64, scratch_operands = 0 : i64, tpu.core_type = #tpu.core_type<tc>, window_params = [{transform_indices = @transform_0, window_bounds = array<i64: 2, 512, 128>}, {transform_indices = @transform_1, window_bounds = array<i64: 512, 128>}, {transform_indices = @transform_2, window_bounds = array<i64: 512, 128>}, {pipeline_mode = #tpu.pipeline_mode<synchronous>, transform_indices = @transform_3, window_bounds = array<i64: 1, 128>}, {pipeline_mode = #tpu.pipeline_mode<synchronous>, transform_indices = @transform_4, window_bounds = array<i64: 64, 64>}, {transform_indices = @transform_5, window_bounds = array<i64: 512, 128>}]} {
    %get3A = arith.constant 0 : index
    %get3A_0 = arith.constant 0 : index
    %get3A_1 = vector.load %arg3[%get3A, %get3A_0] : memref<512x128xf32, #tpu.memory_space<vmem>>, vector<512x128xf32>
    %get3A_2 = arith.constant 0 : index
    %get3A_3 = arith.constant 0 : index
    %get3A_4 = arith.constant 0 : index
    %get3A_5 = vector.load %arg1[%get3A_2, %get3A_3, %get3A_4] : memref<2x512x128xbf16, #tpu.memory_space<vmem>>, vector<1x512x128xbf16>
    %get3A_6 = vector.shape_cast %get3A_5 : vector<1x512x128xbf16> to vector<512x128xbf16>
    %convert_element_type3A = arith.extf %get3A_6 : vector<512x128xbf16> to vector<512x128xf32>
    %get3A_7 = arith.constant 1 : index
    %get3A_8 = arith.constant 0 : index
    %get3A_9 = arith.constant 0 : index
    %get3A_10 = vector.load %arg1[%get3A_7, %get3A_8, %get3A_9] : memref<2x512x128xbf16, #tpu.memory_space<vmem>>, vector<1x512x128xbf16>
    %get3A_11 = vector.shape_cast %get3A_10 : vector<1x512x128xbf16> to vector<512x128xbf16>
    %convert_element_type3A_12 = arith.extf %get3A_11 : vector<512x128xbf16> to vector<512x128xf32>
    %add3A = arith.addf %convert_element_type3A, %convert_element_type3A_12 : vector<512x128xf32>
    %get3A_13 = arith.constant 0 : index
    %get3A_14 = arith.constant 0 : index
    %get3A_15 = vector.load %arg2[%get3A_13, %get3A_14] : memref<512x128xbf16, #tpu.memory_space<vmem>>, vector<512x128xbf16>
    %convert_element_type3A_16 = arith.extf %get3A_15 : vector<512x128xbf16> to vector<512x128xf32>
    %add3A_17 = arith.addf %add3A, %convert_element_type3A_16 : vector<512x128xf32>
    %mul3A = arith.mulf %add3A_17, %get3A_1 : vector<512x128xf32>
    %get3A_18 = arith.constant 0 : index
    %get3A_19 = arith.constant 0 : index
    %get3A_20 = vector.load %arg4[%get3A_18, %get3A_19] : memref<1x128xf32, #tpu.memory_space<vmem>>, vector<1x128xf32>
    %add3A_21 = vector.broadcast %get3A_20 : vector<1x128xf32> to vector<512x128xf32>
    %add3A_22 = arith.addf %mul3A, %add3A_21 : vector<512x128xf32>
    %max3A = arith.constant 0.000000e+00 : f32
    %max3A_23 = vector.broadcast %max3A : f32 to vector<512x128xf32>
    %max3A_24 = arith.maximumf %add3A_22, %max3A_23 : vector<512x128xf32>
    %slice3A = vector.extract_strided_slice %max3A_24 {offsets = [0, 0], sizes = [512, 64], strides = [1, 1]} : vector<512x128xf32> to vector<512x64xf32>
    %slice3A_25 = vector.extract_strided_slice %max3A_24 {offsets = [0, 64], sizes = [512, 64], strides = [1, 1]} : vector<512x128xf32> to vector<512x64xf32>
    %get3A_26 = arith.constant 0 : index
    %get3A_27 = arith.constant 0 : index
    %get3A_28 = vector.load %arg5[%get3A_26, %get3A_27] : memref<64x64xf32, #tpu.memory_space<vmem>>, vector<64x64xf32>
    %dot_general3A = arith.constant dense<0.000000e+00> : vector<512x64xf32>
    %dot_general3A_29 = tpu.matmul %slice3A, %get3A_28, %dot_general3A {dimension_numbers = #tpu.dot_dimension_numbers<[1], [0], [0], [1], [0, 0, 1, 1], [], []>, transpose_lhs_hint = false} : vector<512x64xf32>, vector<64x64xf32>, vector<512x64xf32> -> vector<512x64xf32>
    %dot_general3A_30 = arith.constant dense<0.000000e+00> : vector<512x64xf32>
    %dot_general3A_31 = tpu.matmul %slice3A_25, %get3A_28, %dot_general3A_30 {dimension_numbers = #tpu.dot_dimension_numbers<[1], [0], [0], [1], [0, 0, 1, 1], [], []>, transpose_lhs_hint = false} : vector<512x64xf32>, vector<64x64xf32>, vector<512x64xf32> -> vector<512x64xf32>
    %concatenate3A = tpu.concatenate %dot_general3A_29, %dot_general3A_31 in 1 : vector<512x64xf32>, vector<512x64xf32> -> vector<512x128xf32>
    %mul3A_32 = arith.mulf %concatenate3A, %get3A_1 : vector<512x128xf32>
    %convert_element_type3A_33 = arith.truncf %mul3A_32 : vector<512x128xf32> to vector<512x128xbf16>
    %swap3A = arith.constant 0 : index
    %swap3A_34 = arith.constant 0 : index
    %swap3A_35 = vector.load %arg6[%swap3A, %swap3A_34] : memref<512x128xbf16, #tpu.memory_space<vmem>>, vector<512x128xbf16>
    tpu.vector_store %arg6[%swap3A, %swap3A_34], %convert_element_type3A_33 {strides = array<i32>} : memref<512x128xbf16, #tpu.memory_space<vmem>>, vector<512x128xbf16>,
    return
  }
  func.func @transform_0(%arg0: i32) -> (i32, i32, i32) {
    %c0_i32 = arith.constant 0 : i32
    %c0_i32_0 = arith.constant 0 : i32
    %c0_i32_1 = arith.constant 0 : i32
    return %c0_i32, %arg0, %c0_i32_0 : i32, i32, i32
  }
  func.func @transform_1(%arg0: i32) -> (i32, i32) {
    %c0_i32 = arith.constant 0 : i32
    %c0_i32_0 = arith.constant 0 : i32
    return %arg0, %c0_i32 : i32, i32
  }
  func.func @transform_2(%arg0: i32) -> (i32, i32) {
    %c0_i32 = arith.constant 0 : i32
    %c0_i32_0 = arith.constant 0 : i32
    return %arg0, %c0_i32 : i32, i32
  }
  func.func @transform_3(%arg0: i32) -> (i32, i32) {
    %c0_i32 = arith.constant 0 : i32
    %c0_i32_0 = arith.constant 0 : i32
    %c0_i32_1 = arith.constant 0 : i32
    return %c0_i32, %c0_i32_0 : i32, i32
  }
  func.func @transform_4(%arg0: i32) -> (i32, i32) {
    %c0_i32 = arith.constant 0 : i32
    %c0_i32_0 = arith.constant 0 : i32
    %c0_i32_1 = arith.constant 0 : i32
    return %c0_i32, %c0_i32_0 : i32, i32
  }
  func.func @transform_5(%arg0: i32) -> (i32, i32) {
    %c0_i32 = arith.constant 0 : i32
    %c0_i32_0 = arith.constant 0 : i32
    return %arg0, %c0_i32 : i32, i32
  }
}

module attributes {stable_mosaic.version = 14 : i64} {
  func.func @_tc3_body(%arg0: i32, %arg1: memref<2x512x128xbf16, #tpu.memory_space<vmem>>, %arg2: memref<512x128xbf16, #tpu.memory_space<vmem>>, %arg3: memref<512x128xf32, #tpu.memory_space<vmem>>, %arg4: memref<1x128xf32, #tpu.memory_space<vmem>>, %arg5: memref<64x64xf32, #tpu.memory_space<vmem>>, %arg6: memref<1x64xf32, #tpu.memory_space<vmem>>, %arg7: memref<64x40xf32, #tpu.memory_space<vmem>>, %arg8: memref<1x40xf32, #tpu.memory_space<vmem>>, %arg9: memref<1x40xf32, #tpu.memory_space<vmem>>, %arg10: memref<1x40xf32, #tpu.memory_space<vmem>>, %arg11: memref<8x128xi32, #tpu.memory_space<vmem>>, %arg12: memref<1x1xf32, #tpu.memory_space<smem>>, %arg13: memref<1x1xf32, #tpu.memory_space<smem>>) attributes {dimension_semantics = [#tpu.dimension_semantics<arbitrary>], iteration_bounds = array<i64: 10>, scalar_prefetch = 0 : i64, scratch_operands = 1 : i64, tpu.core_type = #tpu.core_type<tc>, window_params = [{transform_indices = @transform_0, window_bounds = array<i64: 2, 512, 128>}, {transform_indices = @transform_1, window_bounds = array<i64: 512, 128>}, {transform_indices = @transform_2, window_bounds = array<i64: 512, 128>}, {pipeline_mode = #tpu.pipeline_mode<synchronous>, transform_indices = @transform_3, window_bounds = array<i64: 1, 128>}, {pipeline_mode = #tpu.pipeline_mode<synchronous>, transform_indices = @transform_4, window_bounds = array<i64: 64, 64>}, {pipeline_mode = #tpu.pipeline_mode<synchronous>, transform_indices = @transform_5, window_bounds = array<i64: 1, 64>}, {pipeline_mode = #tpu.pipeline_mode<synchronous>, transform_indices = @transform_6, window_bounds = array<i64: 64, 40>}, {pipeline_mode = #tpu.pipeline_mode<synchronous>, transform_indices = @transform_7, window_bounds = array<i64: 1, 40>}, {pipeline_mode = #tpu.pipeline_mode<synchronous>, transform_indices = @transform_8, window_bounds = array<i64: 1, 40>}, {pipeline_mode = #tpu.pipeline_mode<synchronous>, transform_indices = @transform_9, window_bounds = array<i64: 1, 40>}, {transform_indices = @transform_10, window_bounds = array<i64: 8, 128>}, {transform_indices = @transform_11, window_bounds = array<i64: 1, 1>}]} {
    %get3A = arith.constant 0 : index
    %get3A_0 = arith.constant 0 : index
    %get3A_1 = arith.constant 0 : index
    %get3A_2 = vector.load %arg1[%get3A, %get3A_0, %get3A_1] : memref<2x512x128xbf16, #tpu.memory_space<vmem>>, vector<1x512x128xbf16>
    %get3A_3 = vector.shape_cast %get3A_2 : vector<1x512x128xbf16> to vector<512x128xbf16>
    %convert_element_type3A = arith.extf %get3A_3 : vector<512x128xbf16> to vector<512x128xf32>
    %get3A_4 = arith.constant 1 : index
    %get3A_5 = arith.constant 0 : index
    %get3A_6 = arith.constant 0 : index
    %get3A_7 = vector.load %arg1[%get3A_4, %get3A_5, %get3A_6] : memref<2x512x128xbf16, #tpu.memory_space<vmem>>, vector<1x512x128xbf16>
    %get3A_8 = vector.shape_cast %get3A_7 : vector<1x512x128xbf16> to vector<512x128xbf16>
    %convert_element_type3A_9 = arith.extf %get3A_8 : vector<512x128xbf16> to vector<512x128xf32>
    %add3A = arith.addf %convert_element_type3A, %convert_element_type3A_9 : vector<512x128xf32>
    %get3A_10 = arith.constant 0 : index
    %get3A_11 = arith.constant 0 : index
    %get3A_12 = vector.load %arg2[%get3A_10, %get3A_11] : memref<512x128xbf16, #tpu.memory_space<vmem>>, vector<512x128xbf16>
    %convert_element_type3A_13 = arith.extf %get3A_12 : vector<512x128xbf16> to vector<512x128xf32>
    %add3A_14 = arith.addf %add3A, %convert_element_type3A_13 : vector<512x128xf32>
    %get3A_15 = arith.constant 0 : index
    %get3A_16 = arith.constant 0 : index
    %get3A_17 = vector.load %arg3[%get3A_15, %get3A_16] : memref<512x128xf32, #tpu.memory_space<vmem>>, vector<512x128xf32>
    %mul3A = arith.mulf %add3A_14, %get3A_17 : vector<512x128xf32>
    %get3A_18 = arith.constant 0 : index
    %get3A_19 = arith.constant 0 : index
    %get3A_20 = vector.load %arg4[%get3A_18, %get3A_19] : memref<1x128xf32, #tpu.memory_space<vmem>>, vector<1x128xf32>
    %add3A_21 = vector.broadcast %get3A_20 : vector<1x128xf32> to vector<512x128xf32>
    %add3A_22 = arith.addf %mul3A, %add3A_21 : vector<512x128xf32>
    %slice3A = vector.extract_strided_slice %add3A_22 {offsets = [0, 0], sizes = [512, 64], strides = [1, 1]} : vector<512x128xf32> to vector<512x64xf32>
    %slice3A_23 = vector.extract_strided_slice %add3A_22 {offsets = [0, 64], sizes = [512, 64], strides = [1, 1]} : vector<512x128xf32> to vector<512x64xf32>
    %get3A_24 = arith.constant 0 : index
    %get3A_25 = arith.constant 0 : index
    %get3A_26 = vector.load %arg5[%get3A_24, %get3A_25] : memref<64x64xf32, #tpu.memory_space<vmem>>, vector<64x64xf32>
    %get3A_27 = arith.constant 0 : index
    %get3A_28 = arith.constant 0 : index
    %get3A_29 = vector.load %arg7[%get3A_27, %get3A_28] : memref<64x40xf32, #tpu.memory_space<vmem>>, vector<64x40xf32>
    %get3A_30 = arith.constant 0 : index
    %get3A_31 = arith.constant 0 : index
    %get3A_32 = vector.load %arg9[%get3A_30, %get3A_31] : memref<1x40xf32, #tpu.memory_space<vmem>>, vector<1x40xf32>
    %get3A_33 = arith.constant 0 : index
    %get3A_34 = arith.constant 0 : index
    %get3A_35 = vector.load %arg10[%get3A_33, %get3A_34] : memref<1x40xf32, #tpu.memory_space<vmem>>, vector<1x40xf32>
    %get3A_36 = arith.constant 0 : index
    %get3A_37 = arith.constant 0 : index
    %get3A_38 = vector.load %arg11[%get3A_36, %get3A_37] : memref<8x128xi32, #tpu.memory_space<vmem>>, vector<8x128xi32>
    %convert_element_type3A_39 = arith.sitofp %get3A_38 : vector<8x128xi32> to vector<8x128xf32>
    %dot_general3A = arith.constant dense<0.000000e+00> : vector<512x64xf32>
    %dot_general3A_40 = tpu.matmul %slice3A, %get3A_26, %dot_general3A {dimension_numbers = #tpu.dot_dimension_numbers<[1], [0], [0], [1], [0, 0, 1, 1], [], []>, transpose_lhs_hint = false} : vector<512x64xf32>, vector<64x64xf32>, vector<512x64xf32> -> vector<512x64xf32>
    %get3A_41 = arith.constant 0 : index
    %get3A_42 = arith.constant 0 : index
    %get3A_43 = vector.load %arg6[%get3A_41, %get3A_42] : memref<1x64xf32, #tpu.memory_space<vmem>>, vector<1x64xf32>
    %add3A_44 = vector.broadcast %get3A_43 : vector<1x64xf32> to vector<512x64xf32>
    %add3A_45 = arith.addf %dot_general3A_40, %add3A_44 : vector<512x64xf32>
    %max3A = arith.constant 0.000000e+00 : f32
    %max3A_46 = vector.broadcast %max3A : f32 to vector<512x64xf32>
    %max3A_47 = arith.maximumf %add3A_45, %max3A_46 : vector<512x64xf32>
    %dot_general3A_48 = arith.constant dense<0.000000e+00> : vector<512x40xf32>
    %dot_general3A_49 = tpu.matmul %max3A_47, %get3A_29, %dot_general3A_48 {dimension_numbers = #tpu.dot_dimension_numbers<[1], [0], [0], [1], [0, 0, 1, 1], [], []>, transpose_lhs_hint = false} : vector<512x64xf32>, vector<64x40xf32>, vector<512x40xf32> -> vector<512x40xf32>
    %get3A_50 = arith.constant 0 : index
    %get3A_51 = arith.constant 0 : index
    %get3A_52 = vector.load %arg8[%get3A_50, %get3A_51] : memref<1x40xf32, #tpu.memory_space<vmem>>, vector<1x40xf32>
    %add3A_53 = vector.broadcast %get3A_52 : vector<1x40xf32> to vector<512x40xf32>
    %add3A_54 = arith.addf %dot_general3A_49, %add3A_53 : vector<512x40xf32>
    %iota3A = tpu.iota {dimensions = array<i32: 0>} : vector<512x1xi32>
    %mul3A_55 = arith.constant 2 : i32
    %mul3A_56 = vector.broadcast %mul3A_55 : i32 to vector<512x1xi32>
    %mul3A_57 = arith.muli %mul3A_56, %iota3A : vector<512x1xi32>
    %add3A_58 = arith.constant 0 : i32
    %add3A_59 = vector.broadcast %add3A_58 : i32 to vector<512x1xi32>
    %add3A_60 = arith.addi %mul3A_57, %add3A_59 : vector<512x1xi32>
    %iota3A_61 = tpu.iota {dimensions = array<i32: 1>} : vector<512x8xi32>
    %shift_right_arithmetic3A = arith.constant 7 : i32
    %shift_right_arithmetic3A_62 = vector.broadcast %shift_right_arithmetic3A : i32 to vector<512x1xi32>
    %shift_right_arithmetic3A_63 = arith.shrsi %add3A_60, %shift_right_arithmetic3A_62 : vector<512x1xi32>
    %eq3A = vector.broadcast %shift_right_arithmetic3A_63 : vector<512x1xi32> to vector<512x8xi32>
    %eq3A_64 = arith.cmpi eq, %iota3A_61, %eq3A : vector<512x8xi32>
    %convert_element_type3A_65 = arith.extui %eq3A_64 : vector<512x8xi1> to vector<512x8xi32>
    %convert_element_type3A_66 = arith.sitofp %convert_element_type3A_65 : vector<512x8xi32> to vector<512x8xf32>
    %dot_general3A_67 = arith.constant dense<0.000000e+00> : vector<512x128xf32>
    %dot_general3A_68 = tpu.matmul %convert_element_type3A_66, %convert_element_type3A_39, %dot_general3A_67 {dimension_numbers = #tpu.dot_dimension_numbers<[1], [0], [0], [1], [0, 0, 1, 1], [], []>, transpose_lhs_hint = false} : vector<512x8xf32>, vector<8x128xf32>, vector<512x128xf32> -> vector<512x128xf32>
    %iota3A_69 = tpu.iota {dimensions = array<i32: 1>} : vector<512x128xi32>
    %and3A = arith.constant 127 : i32
    %and3A_70 = vector.broadcast %and3A : i32 to vector<512x1xi32>
    %and3A_71 = arith.andi %add3A_60, %and3A_70 : vector<512x1xi32>
    %eq3A_72 = vector.broadcast %and3A_71 : vector<512x1xi32> to vector<512x128xi32>
    %eq3A_73 = arith.cmpi eq, %iota3A_69, %eq3A_72 : vector<512x128xi32>
    %jit3A = arith.constant 0.000000e+00 : f32
    %broadcast_in_dim3A = vector.broadcast %jit3A : f32 to vector<512x128xf32>
    %select_n3A = arith.select %eq3A_73, %dot_general3A_68, %broadcast_in_dim3A : vector<512x128xi1>, vector<512x128xf32>
    %reduce_sum3A = arith.constant dense<0.000000e+00> : vector<512xf32>
    %reduce_sum3A_74 = vector.multi_reduction <add>, %select_n3A, %reduce_sum3A [1] : vector<512x128xf32> to vector<512xf32>
    %broadcast_in_dim3A_75 = vector.shape_cast %reduce_sum3A_74 : vector<512xf32> to vector<512x1xf32>
    %mul3A_76 = arith.constant 1024 : i32
    %mul3A_77 = arith.muli %arg0, %mul3A_76 : i32
    %add3A_78 = arith.constant 0 : i32
    %add3A_79 = arith.addi %mul3A_77, %add3A_78 : i32
    %reduce_sum3A_80 = arith.constant dense<0.000000e+00> : vector<512xf32>
    %reduce_sum3A_81 = vector.multi_reduction <add>, %add3A_54, %reduce_sum3A_80 [1] : vector<512x40xf32> to vector<512xf32>
    %broadcast_in_dim3A_82 = vector.shape_cast %reduce_sum3A_81 : vector<512xf32> to vector<512x1xf32>
    %div3A = arith.constant 4.000000e+01 : f32
    %div3A_83 = vector.broadcast %div3A : f32 to vector<512x1xf32>
    %div3A_84 = arith.divf %broadcast_in_dim3A_82, %div3A_83 : vector<512x1xf32>
    %sub3A = vector.broadcast %div3A_84 : vector<512x1xf32> to vector<512x40xf32>
    %sub3A_85 = arith.subf %add3A_54, %sub3A : vector<512x40xf32>
    %mul3A_86 = arith.mulf %sub3A_85, %sub3A_85 : vector<512x40xf32>
    %reduce_sum3A_87 = arith.constant dense<0.000000e+00> : vector<512xf32>
    %reduce_sum3A_88 = vector.multi_reduction <add>, %mul3A_86, %reduce_sum3A_87 [1] : vector<512x40xf32> to vector<512xf32>
    %broadcast_in_dim3A_89 = vector.shape_cast %reduce_sum3A_88 : vector<512xf32> to vector<512x1xf32>
    %div3A_90 = arith.constant 4.000000e+01 : f32
    %div3A_91 = vector.broadcast %div3A_90 : f32 to vector<512x1xf32>
    %div3A_92 = arith.divf %broadcast_in_dim3A_89, %div3A_91 : vector<512x1xf32>
    %add3A_93 = arith.constant 9.99999974E-6 : f32
    %add3A_94 = vector.broadcast %add3A_93 : f32 to vector<512x1xf32>
    %add3A_95 = arith.addf %div3A_92, %add3A_94 : vector<512x1xf32>
    %rsqrt3A = math.rsqrt %add3A_95 : vector<512x1xf32>
    %mul3A_96 = vector.broadcast %rsqrt3A : vector<512x1xf32> to vector<512x40xf32>
    %mul3A_97 = arith.mulf %sub3A_85, %mul3A_96 : vector<512x40xf32>
    %mul3A_98 = vector.broadcast %get3A_32 : vector<1x40xf32> to vector<512x40xf32>
    %mul3A_99 = arith.mulf %mul3A_97, %mul3A_98 : vector<512x40xf32>
    %add3A_100 = vector.broadcast %get3A_35 : vector<1x40xf32> to vector<512x40xf32>
    %add3A_101 = arith.addf %mul3A_99, %add3A_100 : vector<512x40xf32>
    %reduce_max3A = arith.constant dense<0xFF800000> : vector<512xf32>
    %reduce_max3A_102 = vector.multi_reduction <maximumf>, %add3A_101, %reduce_max3A [1] : vector<512x40xf32> to vector<512xf32>
    %broadcast_in_dim3A_103 = vector.shape_cast %reduce_max3A_102 : vector<512xf32> to vector<512x1xf32>
    %sub3A_104 = vector.broadcast %broadcast_in_dim3A_103 : vector<512x1xf32> to vector<512x40xf32>
    %sub3A_105 = arith.subf %add3A_101, %sub3A_104 : vector<512x40xf32>
    %exp3A = math.exp %sub3A_105 : vector<512x40xf32>
    %reduce_sum3A_106 = arith.constant dense<0.000000e+00> : vector<512xf32>
    %reduce_sum3A_107 = vector.multi_reduction <add>, %exp3A, %reduce_sum3A_106 [1] : vector<512x40xf32> to vector<512xf32>
    %broadcast_in_dim3A_108 = vector.shape_cast %reduce_sum3A_107 : vector<512xf32> to vector<512x1xf32>
    %log3A = math.log %broadcast_in_dim3A_108 : vector<512x1xf32>
    %add3A_109 = arith.addf %broadcast_in_dim3A_103, %log3A : vector<512x1xf32>
    %iota3A_110 = tpu.iota {dimensions = array<i32: 1>} : vector<512x40xi32>
    %convert_element_type3A_111 = arith.sitofp %iota3A_110 : vector<512x40xi32> to vector<512x40xf32>
    %eq3A_112 = vector.broadcast %broadcast_in_dim3A_75 : vector<512x1xf32> to vector<512x40xf32>
    %eq3A_113 = arith.cmpf oeq, %convert_element_type3A_111, %eq3A_112 : vector<512x40xf32>
    %jit3A_114 = arith.constant 0.000000e+00 : f32
    %broadcast_in_dim3A_115 = vector.broadcast %jit3A_114 : f32 to vector<512x40xf32>
    %select_n3A_116 = arith.select %eq3A_113, %add3A_101, %broadcast_in_dim3A_115 : vector<512x40xi1>, vector<512x40xf32>
    %reduce_sum3A_117 = arith.constant dense<0.000000e+00> : vector<512xf32>
    %reduce_sum3A_118 = vector.multi_reduction <add>, %select_n3A_116, %reduce_sum3A_117 [1] : vector<512x40xf32> to vector<512xf32>
    %broadcast_in_dim3A_119 = vector.shape_cast %reduce_sum3A_118 : vector<512xf32> to vector<512x1xf32>
    %iota3A_120 = tpu.iota {dimensions = array<i32: 0>} : vector<512x1xi32>
    %mul3A_121 = arith.constant 2 : i32
    %mul3A_122 = vector.broadcast %mul3A_121 : i32 to vector<512x1xi32>
    %mul3A_123 = arith.muli %mul3A_122, %iota3A_120 : vector<512x1xi32>
    %add3A_124 = vector.broadcast %add3A_79 : i32 to vector<512x1xi32>
    %add3A_125 = arith.addi %add3A_124, %mul3A_123 : vector<512x1xi32>
    %lt3A = arith.constant 10000 : i32
    %lt3A_126 = vector.broadcast %lt3A : i32 to vector<512x1xi32>
    %lt3A_127 = arith.cmpi slt, %add3A_125, %lt3A_126 : vector<512x1xi32>
    %sub3A_128 = arith.subf %broadcast_in_dim3A_119, %add3A_109 : vector<512x1xf32>
    %jit3A_129 = arith.constant 0.000000e+00 : f32
    %broadcast_in_dim3A_130 = vector.broadcast %jit3A_129 : f32 to vector<512x1xf32>
    %select_n3A_131 = arith.select %lt3A_127, %sub3A_128, %broadcast_in_dim3A_130 : vector<512x1xi1>, vector<512x1xf32>
    %reduce_sum3A_132 = vector.shape_cast %select_n3A_131 : vector<512x1xf32> to vector<1x512x1xf32>
    %reduce_sum3A_133 = arith.constant dense<0.000000e+00> : vector<1xf32>
    %reduce_sum3A_134 = vector.multi_reduction <add>, %reduce_sum3A_132, %reduce_sum3A_133 [1, 2] : vector<1x512x1xf32> to vector<1xf32>
    %reduce_sum3A_135 = vector.shape_cast %reduce_sum3A_134 : vector<1xf32> to vector<1x1x1xf32>
    %reduce_sum3A_136 = vector.extract %reduce_sum3A_135[0, 0, 0] : f32 from vector<1x1x1xf32>
    %add3A_137 = arith.constant 0.000000e+00 : f32
    %add3A_138 = arith.addf %add3A_137, %reduce_sum3A_136 : f32
    %dot_general3A_139 = arith.constant dense<0.000000e+00> : vector<512x64xf32>
    %dot_general3A_140 = tpu.matmul %slice3A_23, %get3A_26, %dot_general3A_139 {dimension_numbers = #tpu.dot_dimension_numbers<[1], [0], [0], [1], [0, 0, 1, 1], [], []>, transpose_lhs_hint = false} : vector<512x64xf32>, vector<64x64xf32>, vector<512x64xf32> -> vector<512x64xf32>
    %get3A_141 = arith.constant 0 : index
    %get3A_142 = arith.constant 0 : index
    %get3A_143 = vector.load %arg6[%get3A_141, %get3A_142] : memref<1x64xf32, #tpu.memory_space<vmem>>, vector<1x64xf32>
    %add3A_144 = vector.broadcast %get3A_143 : vector<1x64xf32> to vector<512x64xf32>
    %add3A_145 = arith.addf %dot_general3A_140, %add3A_144 : vector<512x64xf32>
    %max3A_146 = arith.constant 0.000000e+00 : f32
    %max3A_147 = vector.broadcast %max3A_146 : f32 to vector<512x64xf32>
    %max3A_148 = arith.maximumf %add3A_145, %max3A_147 : vector<512x64xf32>
    %dot_general3A_149 = arith.constant dense<0.000000e+00> : vector<512x40xf32>
    %dot_general3A_150 = tpu.matmul %max3A_148, %get3A_29, %dot_general3A_149 {dimension_numbers = #tpu.dot_dimension_numbers<[1], [0], [0], [1], [0, 0, 1, 1], [], []>, transpose_lhs_hint = false} : vector<512x64xf32>, vector<64x40xf32>, vector<512x40xf32> -> vector<512x40xf32>
    %get3A_151 = arith.constant 0 : index
    %get3A_152 = arith.constant 0 : index
    %get3A_153 = vector.load %arg8[%get3A_151, %get3A_152] : memref<1x40xf32, #tpu.memory_space<vmem>>, vector<1x40xf32>
    %add3A_154 = vector.broadcast %get3A_153 : vector<1x40xf32> to vector<512x40xf32>
    %add3A_155 = arith.addf %dot_general3A_150, %add3A_154 : vector<512x40xf32>
    %iota3A_156 = tpu.iota {dimensions = array<i32: 0>} : vector<512x1xi32>
    %mul3A_157 = arith.constant 2 : i32
    %mul3A_158 = vector.broadcast %mul3A_157 : i32 to vector<512x1xi32>
    %mul3A_159 = arith.muli %mul3A_158, %iota3A_156 : vector<512x1xi32>
    %add3A_160 = arith.constant 1 : i32
    %add3A_161 = vector.broadcast %add3A_160 : i32 to vector<512x1xi32>
    %add3A_162 = arith.addi %mul3A_159, %add3A_161 : vector<512x1xi32>
    %iota3A_163 = tpu.iota {dimensions = array<i32: 1>} : vector<512x8xi32>
    %shift_right_arithmetic3A_164 = arith.constant 7 : i32
    %shift_right_arithmetic3A_165 = vector.broadcast %shift_right_arithmetic3A_164 : i32 to vector<512x1xi32>
    %shift_right_arithmetic3A_166 = arith.shrsi %add3A_162, %shift_right_arithmetic3A_165 : vector<512x1xi32>
    %eq3A_167 = vector.broadcast %shift_right_arithmetic3A_166 : vector<512x1xi32> to vector<512x8xi32>
    %eq3A_168 = arith.cmpi eq, %iota3A_163, %eq3A_167 : vector<512x8xi32>
    %convert_element_type3A_169 = arith.extui %eq3A_168 : vector<512x8xi1> to vector<512x8xi32>
    %convert_element_type3A_170 = arith.sitofp %convert_element_type3A_169 : vector<512x8xi32> to vector<512x8xf32>
    %dot_general3A_171 = arith.constant dense<0.000000e+00> : vector<512x128xf32>
    %dot_general3A_172 = tpu.matmul %convert_element_type3A_170, %convert_element_type3A_39, %dot_general3A_171 {dimension_numbers = #tpu.dot_dimension_numbers<[1], [0], [0], [1], [0, 0, 1, 1], [], []>, transpose_lhs_hint = false} : vector<512x8xf32>, vector<8x128xf32>, vector<512x128xf32> -> vector<512x128xf32>
    %iota3A_173 = tpu.iota {dimensions = array<i32: 1>} : vector<512x128xi32>
    %and3A_174 = arith.constant 127 : i32
    %and3A_175 = vector.broadcast %and3A_174 : i32 to vector<512x1xi32>
    %and3A_176 = arith.andi %add3A_162, %and3A_175 : vector<512x1xi32>
    %eq3A_177 = vector.broadcast %and3A_176 : vector<512x1xi32> to vector<512x128xi32>
    %eq3A_178 = arith.cmpi eq, %iota3A_173, %eq3A_177 : vector<512x128xi32>
    %jit3A_179 = arith.constant 0.000000e+00 : f32
    %broadcast_in_dim3A_180 = vector.broadcast %jit3A_179 : f32 to vector<512x128xf32>
    %select_n3A_181 = arith.select %eq3A_178, %dot_general3A_172, %broadcast_in_dim3A_180 : vector<512x128xi1>, vector<512x128xf32>
    %reduce_sum3A_182 = arith.constant dense<0.000000e+00> : vector<512xf32>
    %reduce_sum3A_183 = vector.multi_reduction <add>, %select_n3A_181, %reduce_sum3A_182 [1] : vector<512x128xf32> to vector<512xf32>
    %broadcast_in_dim3A_184 = vector.shape_cast %reduce_sum3A_183 : vector<512xf32> to vector<512x1xf32>
    %mul3A_185 = arith.constant 1024 : i32
    %mul3A_186 = arith.muli %arg0, %mul3A_185 : i32
    %add3A_187 = arith.constant 1 : i32
    %add3A_188 = arith.addi %mul3A_186, %add3A_187 : i32
    %reduce_sum3A_189 = arith.constant dense<0.000000e+00> : vector<512xf32>
    %reduce_sum3A_190 = vector.multi_reduction <add>, %add3A_155, %reduce_sum3A_189 [1] : vector<512x40xf32> to vector<512xf32>
    %broadcast_in_dim3A_191 = vector.shape_cast %reduce_sum3A_190 : vector<512xf32> to vector<512x1xf32>
    %div3A_192 = arith.constant 4.000000e+01 : f32
    %div3A_193 = vector.broadcast %div3A_192 : f32 to vector<512x1xf32>
    %div3A_194 = arith.divf %broadcast_in_dim3A_191, %div3A_193 : vector<512x1xf32>
    %sub3A_195 = vector.broadcast %div3A_194 : vector<512x1xf32> to vector<512x40xf32>
    %sub3A_196 = arith.subf %add3A_155, %sub3A_195 : vector<512x40xf32>
    %mul3A_197 = arith.mulf %sub3A_196, %sub3A_196 : vector<512x40xf32>
    %reduce_sum3A_198 = arith.constant dense<0.000000e+00> : vector<512xf32>
    %reduce_sum3A_199 = vector.multi_reduction <add>, %mul3A_197, %reduce_sum3A_198 [1] : vector<512x40xf32> to vector<512xf32>
    %broadcast_in_dim3A_200 = vector.shape_cast %reduce_sum3A_199 : vector<512xf32> to vector<512x1xf32>
    %div3A_201 = arith.constant 4.000000e+01 : f32
    %div3A_202 = vector.broadcast %div3A_201 : f32 to vector<512x1xf32>
    %div3A_203 = arith.divf %broadcast_in_dim3A_200, %div3A_202 : vector<512x1xf32>
    %add3A_204 = arith.constant 9.99999974E-6 : f32
    %add3A_205 = vector.broadcast %add3A_204 : f32 to vector<512x1xf32>
    %add3A_206 = arith.addf %div3A_203, %add3A_205 : vector<512x1xf32>
    %rsqrt3A_207 = math.rsqrt %add3A_206 : vector<512x1xf32>
    %mul3A_208 = vector.broadcast %rsqrt3A_207 : vector<512x1xf32> to vector<512x40xf32>
    %mul3A_209 = arith.mulf %sub3A_196, %mul3A_208 : vector<512x40xf32>
    %mul3A_210 = vector.broadcast %get3A_32 : vector<1x40xf32> to vector<512x40xf32>
    %mul3A_211 = arith.mulf %mul3A_209, %mul3A_210 : vector<512x40xf32>
    %add3A_212 = vector.broadcast %get3A_35 : vector<1x40xf32> to vector<512x40xf32>
    %add3A_213 = arith.addf %mul3A_211, %add3A_212 : vector<512x40xf32>
    %reduce_max3A_214 = arith.constant dense<0xFF800000> : vector<512xf32>
    %reduce_max3A_215 = vector.multi_reduction <maximumf>, %add3A_213, %reduce_max3A_214 [1] : vector<512x40xf32> to vector<512xf32>
    %broadcast_in_dim3A_216 = vector.shape_cast %reduce_max3A_215 : vector<512xf32> to vector<512x1xf32>
    %sub3A_217 = vector.broadcast %broadcast_in_dim3A_216 : vector<512x1xf32> to vector<512x40xf32>
    %sub3A_218 = arith.subf %add3A_213, %sub3A_217 : vector<512x40xf32>
    %exp3A_219 = math.exp %sub3A_218 : vector<512x40xf32>
    %reduce_sum3A_220 = arith.constant dense<0.000000e+00> : vector<512xf32>
    %reduce_sum3A_221 = vector.multi_reduction <add>, %exp3A_219, %reduce_sum3A_220 [1] : vector<512x40xf32> to vector<512xf32>
    %broadcast_in_dim3A_222 = vector.shape_cast %reduce_sum3A_221 : vector<512xf32> to vector<512x1xf32>
    %log3A_223 = math.log %broadcast_in_dim3A_222 : vector<512x1xf32>
    %add3A_224 = arith.addf %broadcast_in_dim3A_216, %log3A_223 : vector<512x1xf32>
    %iota3A_225 = tpu.iota {dimensions = array<i32: 1>} : vector<512x40xi32>
    %convert_element_type3A_226 = arith.sitofp %iota3A_225 : vector<512x40xi32> to vector<512x40xf32>
    %eq3A_227 = vector.broadcast %broadcast_in_dim3A_184 : vector<512x1xf32> to vector<512x40xf32>
    %eq3A_228 = arith.cmpf oeq, %convert_element_type3A_226, %eq3A_227 : vector<512x40xf32>
    %jit3A_229 = arith.constant 0.000000e+00 : f32
    %broadcast_in_dim3A_230 = vector.broadcast %jit3A_229 : f32 to vector<512x40xf32>
    %select_n3A_231 = arith.select %eq3A_228, %add3A_213, %broadcast_in_dim3A_230 : vector<512x40xi1>, vector<512x40xf32>
    %reduce_sum3A_232 = arith.constant dense<0.000000e+00> : vector<512xf32>
    %reduce_sum3A_233 = vector.multi_reduction <add>, %select_n3A_231, %reduce_sum3A_232 [1] : vector<512x40xf32> to vector<512xf32>
    %broadcast_in_dim3A_234 = vector.shape_cast %reduce_sum3A_233 : vector<512xf32> to vector<512x1xf32>
    %iota3A_235 = tpu.iota {dimensions = array<i32: 0>} : vector<512x1xi32>
    %mul3A_236 = arith.constant 2 : i32
    %mul3A_237 = vector.broadcast %mul3A_236 : i32 to vector<512x1xi32>
    %mul3A_238 = arith.muli %mul3A_237, %iota3A_235 : vector<512x1xi32>
    %add3A_239 = vector.broadcast %add3A_188 : i32 to vector<512x1xi32>
    %add3A_240 = arith.addi %add3A_239, %mul3A_238 : vector<512x1xi32>
    %lt3A_241 = arith.constant 10000 : i32
    %lt3A_242 = vector.broadcast %lt3A_241 : i32 to vector<512x1xi32>
    %lt3A_243 = arith.cmpi slt, %add3A_240, %lt3A_242 : vector<512x1xi32>
    %sub3A_244 = arith.subf %broadcast_in_dim3A_234, %add3A_224 : vector<512x1xf32>
    %jit3A_245 = arith.constant 0.000000e+00 : f32
    %broadcast_in_dim3A_246 = vector.broadcast %jit3A_245 : f32 to vector<512x1xf32>
    %select_n3A_247 = arith.select %lt3A_243, %sub3A_244, %broadcast_in_dim3A_246 : vector<512x1xi1>, vector<512x1xf32>
    %reduce_sum3A_248 = vector.shape_cast %select_n3A_247 : vector<512x1xf32> to vector<1x512x1xf32>
    %reduce_sum3A_249 = arith.constant dense<0.000000e+00> : vector<1xf32>
    %reduce_sum3A_250 = vector.multi_reduction <add>, %reduce_sum3A_248, %reduce_sum3A_249 [1, 2] : vector<1x512x1xf32> to vector<1xf32>
    %reduce_sum3A_251 = vector.shape_cast %reduce_sum3A_250 : vector<1xf32> to vector<1x1x1xf32>
    %reduce_sum3A_252 = vector.extract %reduce_sum3A_251[0, 0, 0] : f32 from vector<1x1x1xf32>
    %add3A_253 = arith.addf %add3A_138, %reduce_sum3A_252 : f32
    %eq3A_254 = arith.constant 0 : i32
    %eq3A_255 = arith.cmpi eq, %arg0, %eq3A_254 : i32
    %get3A_256 = arith.constant 0 : index
    %get3A_257 = arith.constant 0 : index
    %get3A_258 = memref.load %arg13[%get3A_256, %get3A_257] : memref<1x1xf32, #tpu.memory_space<smem>>
    %jit3A_259 = arith.constant 0.000000e+00 : f32
    %select_n3A_260 = arith.select %eq3A_255, %jit3A_259, %get3A_258 : f32
    %add3A_261 = arith.addf %select_n3A_260, %add3A_253 : f32
    %swap3A = arith.constant 0 : index
    %swap3A_262 = arith.constant 0 : index
    %swap3A_263 = memref.load %arg13[%swap3A, %swap3A_262] : memref<1x1xf32, #tpu.memory_space<smem>>
    memref.store %add3A_261, %arg13[%swap3A, %swap3A_262] : memref<1x1xf32, #tpu.memory_space<smem>>
    %eq3A_264 = arith.constant 9 : i32
    %eq3A_265 = arith.cmpi eq, %arg0, %eq3A_264 : i32
    %convert_element_type3A_266 = arith.extui %eq3A_265 : i1 to i32
    %cond3A = arith.constant 0 : i32
    %cond3A_267 = arith.cmpi ne, %convert_element_type3A_266, %cond3A : i32
    scf.if %cond3A_267 {
      %neg3A = arith.constant 0.000000e+00 : f32
      %neg3A_268 = arith.subf %neg3A, %add3A_261 : f32
      %div3A_269 = arith.constant 1.000000e+04 : f32
      %div3A_270 = arith.divf %neg3A_268, %div3A_269 : f32
      %swap3A_271 = arith.constant 0 : index
      %swap3A_272 = arith.constant 0 : index
      %swap3A_273 = memref.load %arg12[%swap3A_271, %swap3A_272] : memref<1x1xf32, #tpu.memory_space<smem>>
      memref.store %div3A_270, %arg12[%swap3A_271, %swap3A_272] : memref<1x1xf32, #tpu.memory_space<smem>>
    } else {
    }
    return
  }
  func.func @transform_0(%arg0: i32) -> (i32, i32, i32) {
    %c0_i32 = arith.constant 0 : i32
    %c0_i32_0 = arith.constant 0 : i32
    %c0_i32_1 = arith.constant 0 : i32
    return %c0_i32, %arg0, %c0_i32_0 : i32, i32, i32
  }
  func.func @transform_1(%arg0: i32) -> (i32, i32) {
    %c0_i32 = arith.constant 0 : i32
    %c0_i32_0 = arith.constant 0 : i32
    return %arg0, %c0_i32 : i32, i32
  }
  func.func @transform_2(%arg0: i32) -> (i32, i32) {
    %c0_i32 = arith.constant 0 : i32
    %c0_i32_0 = arith.constant 0 : i32
    return %arg0, %c0_i32 : i32, i32
  }
  func.func @transform_3(%arg0: i32) -> (i32, i32) {
    %c0_i32 = arith.constant 0 : i32
    %c0_i32_0 = arith.constant 0 : i32
    %c0_i32_1 = arith.constant 0 : i32
    return %c0_i32, %c0_i32_0 : i32, i32
  }
  func.func @transform_4(%arg0: i32) -> (i32, i32) {
    %c0_i32 = arith.constant 0 : i32
    %c0_i32_0 = arith.constant 0 : i32
    %c0_i32_1 = arith.constant 0 : i32
    return %c0_i32, %c0_i32_0 : i32, i32
  }
  func.func @transform_5(%arg0: i32) -> (i32, i32) {
    %c0_i32 = arith.constant 0 : i32
    %c0_i32_0 = arith.constant 0 : i32
    %c0_i32_1 = arith.constant 0 : i32
    return %c0_i32, %c0_i32_0 : i32, i32
  }
  func.func @transform_6(%arg0: i32) -> (i32, i32) {
    %c0_i32 = arith.constant 0 : i32
    %c0_i32_0 = arith.constant 0 : i32
    %c0_i32_1 = arith.constant 0 : i32
    return %c0_i32, %c0_i32_0 : i32, i32
  }
  func.func @transform_7(%arg0: i32) -> (i32, i32) {
    %c0_i32 = arith.constant 0 : i32
    %c0_i32_0 = arith.constant 0 : i32
    %c0_i32_1 = arith.constant 0 : i32
    return %c0_i32, %c0_i32_0 : i32, i32
  }
  func.func @transform_8(%arg0: i32) -> (i32, i32) {
    %c0_i32 = arith.constant 0 : i32
    %c0_i32_0 = arith.constant 0 : i32
    %c0_i32_1 = arith.constant 0 : i32
    return %c0_i32, %c0_i32_0 : i32, i32
  }
  func.func @transform_9(%arg0: i32) -> (i32, i32) {
    %c0_i32 = arith.constant 0 : i32
    %c0_i32_0 = arith.constant 0 : i32
    %c0_i32_1 = arith.constant 0 : i32
    return %c0_i32, %c0_i32_0 : i32, i32
  }
  func.func @transform_10(%arg0: i32) -> (i32, i32) {
    %c0_i32 = arith.constant 0 : i32
    %c0_i32_0 = arith.constant 0 : i32
    return %arg0, %c0_i32 : i32, i32
  }
  func.func @transform_11(%arg0: i32) -> (i32, i32) {
    %c0_i32 = arith.constant 0 : i32
    %c0_i32_0 = arith.constant 0 : i32
    %c0_i32_1 = arith.constant 0 : i32
    return %c0_i32, %c0_i32_0 : i32, i32
  }
}

</mosaic_0001>

<sc_bundles>
// kernel: kernel.11.cloned.1.call-start
scs
__scs_entry_jumppad:
0x0: {  	(pc) =	sbr.rel $0x88, $3  }
0x1: {  	(tag) =	ssettag $0x0;
	lr =	simm.s32 $0x1  }
0x2: {  	[smem:$0x3F94] =	sst lr;
	_ =	strace $0xD0000000  }
0x3: {  	_ = 	snop  }
0x4: {  	_ = 	snop  }
0x5: {  	_ = 	snop  }
0x6: {  	_ = 	snop  }
0x7: {  	_ = 	snop  }
__scs_overlays_trampoline_lowered:
0x8: {  	[smem:$0x3FA3] =	sst s0  }
0x9: {  	[smem:$0x3FA4] =	sst s1  }
0xa: {  	[smem:$0x3FA5] =	sst s2  }
0xb: {  	[smem:$0x3FA6] =	sst s3  }
0xc: {  	[smem:$0x3FA7] =	sst s4  }
0xd: {  	[smem:$0x3FA8] =	sst s5  }
0xe: {  	[smem:$0x3FA9] =	sst s6  }
0xf: {  	[smem:$0x3FAA] =	sst s7  }
0x10: {  	[smem:$0x3FAB] =	sst s8  }
0x11: {  	[smem:$0x3FAC] =	sst s9;
	s0 =	simm.s32 @!p0 $0x0  }
0x12: {  	s1 =	sld [smem:$0x3F92];
	s0 =	simm.s32 @p0 $0x1  }
0x13: {  	[smem:$0x3FAD] =	sst s0;
	s0 =	simm.s32 @!p1 $0x0  }
0x14: {  	s2 =	sld [smem:$0x3F91];
	s0 =	simm.s32 @p1 $0x1  }
0x15: {  	[smem:$0x3FAE] =	sst s0;
	s0 =	simm.s32 @!p2 $0x0  }
0x16: {  	s3 =	sld [smem:$0x3FDB];
	s0 =	simm.s32 @p2 $0x1  }
0x17: {  	s4 =	simm.s32 $0x1BF5;
	[smem:$0x3FB0] =	sst s0  }
0x18: {  	s0 =	sld [smem:$0x3F93];
	_ =	swait.ge [sflag:s4], $0x0  }
0x19: {  	s7 =	sld [smem:$0x3F94]  }
0x1a: {  	s8 =	sadd.s32 $0xFFFFE003, lr  }
0x1b: {  	s9 =	sadd.s32 $0xFFFFFEF7, lr;
	s5 =	simm.s32 $0xFFFFFFFF;
	p2 =	slt.u32 s8, $0xFFFFF086  }
0x1c: {  	p1 =	slt.u32 s9, $0xF7A;
	s5 =	simm.s32 @!p2 $0x0  }
0x1d: {  	s5 =	simm.s32 @p1 $0x1;
	p0 =	seq.s32 s7, s2  }
0x1e: {  	s7 =	smul.u32 @!p0 $0xF7A, s2;
	p2 =	seq.s32 @!p0 s5, $0x0  }
0x1f: {  	s9 =	smul.u32 $0xF7A, s1;
	s8 =	simm.s32 @!p0 $0x1BF5;
	p2 =	por !p2, p0  }
0x20: {  	[sflag:s8] =	ssyncset.s32 @!p0 $0xFFFFF086;
	s6 =	sadd.s32 @!p0 s3, s7;
	s7 =	simm.s32 @!p0 $0x108  }
0x21: {  	s3 =	sadd.s32 s3, s9;
	s6 =	sadd.s32 @!p0 $0x88, s6;
	s7 =	simm.s32 @p2 $0x1082  }
0x22: {  	[simem:s7], [sflag:s8] =	dma.local @!p0 [hbm:s6], $0xF7A  }
0x23: {  	s9 =	sor.u32 $0xD0000000, s2;
	s6 =	simm.s32 $0x108;
	_ =	swait.ge @!p0 [sflag:s8], $0x0  }
0x24: {  	s3 =	sadd.s32 $0x88, s3;
	s6 =	simm.s32 @!p1 $0x1082;
	[sflag:s4] =	ssyncset.s32 $0xFFFFF086  }
0x25: {  	[simem:s6], [sflag:s4] =	dma.local [hbm:s3], $0xF7A  }
0x26: {  	[smem:$0x3F94] =	sst s1;
	(tag) =	ssettag s2;
	_ =	strace s9  }
0x27: {  	s1 =	sld [smem:$0x3FA4]  }
0x28: {  	s2 =	sld [smem:$0x3FA5]  }
0x29: {  	s4 =	sld [smem:$0x3FA7]  }
0x2a: {  	p0 =	seq.s32 s5, $0x0;
	s5 =	sld [smem:$0x3FA8]  }
0x2b: {  	s6 =	sld [smem:$0x3FA9]  }
0x2c: {  	s7 =	sld [smem:$0x3FAA]  }
0x2d: {  	s3 =	simm.s32 $0x108;
	s8 =	sld [smem:$0x3FAB]  }
0x2e: {  	s3 =	simm.s32 @!p0 $0x1082;
	s9 =	sld [smem:$0x3FAC]  }
0x2f: {  	lr =	sadd.s32 s0, s3;
	s0 =	sld [smem:$0x3FA3]  }
0x30: {  	s3 =	sld [smem:$0x3FA6]  }
0x31: {  	[smem:$0x3FAF] =	sst s10  }
0x32: {  	s10 =	sld [smem:$0x3FAD];
	_ =	sdelay $0x3  }
0x33: {  	p0 =	seq.s32 s10, $0x1;
	s10 =	sld [smem:$0x3FAF];
	_ =	sdelay $0x3  }
0x34: {  	[smem:$0x3FAF] =	sst s10  }
0x35: {  	s10 =	sld [smem:$0x3FAE];
	_ =	sdelay $0x3  }
0x36: {  	p1 =	seq.s32 s10, $0x1;
	s10 =	sld [smem:$0x3FAF];
	_ =	sdelay $0x3  }
0x37: {  	[smem:$0x3FAF] =	sst s10  }
0x38: {  	s10 =	sld [smem:$0x3FB0]  }
0x39: {  	_ = 	snop;
	(pc) =	sbr.ind lr, $3  }
0x3a: {  	_ = 	snop  }
0x3b: {  	_ = 	snop  }
0x3c: {  	p2 =	seq.s32 s10, $0x1;
	s10 =	sld [smem:$0x3FAF]  }
0x3d: {  	_ =	shalt  }
0x3e: {  	_ =	shalt  }
0x3f: {  	_ =	shalt  }
0x40: {  	_ =	shalt  }
0x41: {  	_ =	shalt  }
0x42: {  	_ =	shalt  }
0x43: {  	_ =	shalt  }
0x44: {  	_ =	shalt  }
0x45: {  	_ =	shalt  }
0x46: {  	_ =	shalt  }
0x47: {  	_ =	shalt  }
0x48: {  	_ =	shalt  }
0x49: {  	_ =	shalt  }
0x4a: {  	_ =	shalt  }
0x4b: {  	_ =	shalt  }
0x4c: {  	_ =	shalt  }
0x4d: {  	_ =	shalt  }
0x4e: {  	_ =	shalt  }
0x4f: {  	_ =	shalt  }
0x50: {  	_ =	shalt  }
0x51: {  	_ =	shalt  }
0x52: {  	_ =	shalt  }
0x53: {  	_ =	shalt  }
0x54: {  	_ =	shalt  }
0x55: {  	_ =	shalt  }
0x56: {  	_ =	shalt  }
0x57: {  	_ =	shalt  }
0x58: {  	_ =	shalt  }
0x59: {  	_ =	shalt  }
0x5a: {  	_ =	shalt  }
0x5b: {  	_ =	shalt  }
0x5c: {  	_ =	shalt  }
0x5d: {  	_ =	shalt  }
0x5e: {  	_ =	shalt  }
0x5f: {  	_ =	shalt  }
0x60: {  	_ =	shalt  }
0x61: {  	_ =	shalt  }
0x62: {  	_ =	shalt  }
0x63: {  	_ =	shalt  }
0x64: {  	_ =	shalt  }
0x65: {  	_ =	shalt  }
0x66: {  	_ =	shalt  }
0x67: {  	_ =	shalt  }
0x68: {  	_ =	shalt  }
0x69: {  	_ =	shalt  }
0x6a: {  	_ =	shalt  }
0x6b: {  	_ =	shalt  }
0x6c: {  	_ =	shalt  }
0x6d: {  	_ =	shalt  }
0x6e: {  	_ =	shalt  }
0x6f: {  	_ =	shalt  }
0x70: {  	_ =	shalt  }
0x71: {  	_ =	shalt  }
0x72: {  	_ =	shalt  }
0x73: {  	_ =	shalt  }
0x74: {  	_ =	shalt  }
0x75: {  	_ =	shalt  }
0x76: {  	_ =	shalt  }
0x77: {  	_ =	shalt  }
0x78: {  	_ =	shalt  }
0x79: {  	_ =	shalt  }
0x7a: {  	_ =	shalt  }
0x7b: {  	_ =	shalt  }
0x7c: {  	_ =	shalt  }
0x7d: {  	_ =	shalt  }
0x7e: {  	_ =	shalt  }
0x7f: {  	_ =	shalt  }
0x80: {  	_ =	shalt  }
0x81: {  	_ =	shalt  }
0x82: {  	_ =	shalt  }
0x83: {  	_ =	shalt  }
0x84: {  	_ =	shalt  }
0x85: {  	_ =	shalt  }
0x86: {  	_ =	shalt  }
0x87: {  	_ =	shalt  }
.Lfunc_end0:
.L_simem_size_0:
called_computation.1_lowered:
.L_overlay_start_0:
0x88: {  	s2 =	sld [smem:$0x3FD9]  }
0x89: {  	s3 =	sld [smem:$0x3FFE];
	_ =	sdelay $0x1  }
0x8a: {  	s1 =	srdreg.scid  }
0x8b: {  	s0 =	sand.u32 $0x1, s1  }
0x8c: {  	s16 =	sshll.u32 s0, $0xA;
	s2 =	sadd.s32 s3, s2  }
0x8d: {  	s2 =	sadd.s32 s2, s16  }
0x8e: {  	[smem:$0x3FBB] =	sst s2  }
0x8f: {  	_ = 	snop  }
0x90: {  	(tm) =	ssettm $0x1  }
0x91: {  	s17 =	sld [smem:$0x3FFB];
	_ =	sdelay $0x3  }
0x92: {  	_ =	strace s17  }
0x93: {  	s2 =	sld [smem:$0x3FFC];
	_ =	sdelay $0x3  }
0x94: {  	_ =	strace s2  }
0x95: {  	s2 =	sld [smem:$0x3FFD];
	_ =	sdelay $0x3  }
0x96: {  	_ =	strace s2  }
0x97: {  	_ =	strace $0x8FFFFFFF  }
0x98: {  	s18 =	sld [smem:$0x3FDB];
	_ =	sdelay $0x1  }
0x99: {  	s19 =	simm.s32 $_scs_section_size  }
0x9a: {  	s4 =	simm.s32 $_size__tile_overlayer_lowered;
	s5 =	simm.s32 $_tile_overlayer_lowered  }
0x9b: {  	s22 =	simm.s32 $0x1BFF;
	s21 =	sshll.u32 s5, $0x1;
	s2 =	sadd.s32 s19, s18  }
0x9c: {  	s6 =	simm.s32 $0x0;
	s20 =	sshll.u32 s4, $0x1;
	s4 =	sadd.s32 s21, s2  }
0x9d: {  	[timem:s6], [sflag:s22] =	dma.local [hbm:s4], s20  }
0x9e: {  	_ =	swait.ge [sflag:s22], s20  }
0x9f: {  	s3 =	ssub.s32 $0x0, s20;
	[sflag:s22] =	ssyncset.done $0x0  }
0xa0: {  	[sflag:s22] =	ssyncadd.s32 s3;
	_ =	sdelay $0x1  }
0xa1: {  	s23 =	simm.s32 $0x1B8B  }
0xa2: {  	_ =	swait.ge [sflag:s23], $0x1  }
0xa3: {  	[sflag:s23] =	ssyncset.done $0x0  }
0xa4: {  	s25 =	simm.s32 $0x1B8E;
	s24 =	sld [smem:$0x3FFE];
	[sflag:s23] =	ssyncadd.s32 $0xFFFFFFFF  }
0xa5: {  	s26 =	simm.s32 $execute0_lowered;
	[smem:$0x3FD2] =	sst s25  }
0xa6: {  	s4 =	sshll.u32 s26, $0x1;
	_ =	strace $0x80000049;
	[dreg:$0x1] =	wrdreg $0xFFFFFFFF  }
0xa7: {  	s28 =	simm.s32 $_size_execute0_lowered;
	s2 =	sadd.s32 s2, s4;
	[dreg:$0x0] =	wrdreg $0x0  }
0xa8: {  	s4 =	sshll.u32 s28, $0x1;
	[dreg:$0x2] =	wrdreg s2  }
0xa9: {  	[dreg:$0x3] =	wrdreg s4  }
0xaa: {  	[dreg:$0x4] =	wrdreg $0xC0  }
0xab: {  	_ =	task [dreg:s6], $0x5FFFF  }
0xac: {  	[dreg:$0x1] =	wrdreg $0xFFFFFFFF  }
0xad: {  	[dreg:$0x0] =	wrdreg $0x60  }
0xae: {  	[dreg:$0x2] =	wrdreg s24  }
0xaf: {  	[dreg:$0x3] =	wrdreg $0x77800  }
0xb0: {  	[dreg:$0x4] =	wrdreg $0x0  }
0xb1: {  	[dreg:$0x5] =	wrdreg $0x9  }
0xb2: {  	_ =	task.clear_ibuf [dreg:s6], $0x6FFFF;
	_ =	strace $0x90000049  }
0xb3: {  	s29 =	simm.s32 $0x9;
	_ =	strace $0x8000004B  }
0xb4: {  	_ =	swait.ge [sflag:s29], $0x1  }
0xb5: {  	[sflag:s29] =	ssyncadd.s32 $0xFFFFFFFF  }
0xb6: {  	_ =	strace $0x9000004B  }
0xb7: {  	_ =	sfence  }
0xb8: {  	s30 =	sld [smem:$0x0];
	_ =	sdelay $0x2  }
0xb9: {  	s31 =	sshll.u32 s1, $0xD;
	s1 =	sshrl.u32 s1, $0x2  }
0xba: {  	s3 =	sand.u32 $0x4000, s31;
	s1 =	sadd.s32 s1, s30  }
0xbb: {  	s0 =	sor.u32 s3, s0;
	s1 =	sshll.u32 s1, $0x11  }
0xbc: {  	s0 =	sor.u32 s1, s0  }
0xbd: {  	s0 =	sadd.s32 $0x8F2B, s0  }
0xbe: {  	[sflag:s0] =	ssyncadd.remote.s32 $0x1  }
0xbf: {  	_ =	sfence.sel $0xFFFF  }
0xc0: {  	[dreg:$0x0] =	wrdreg $0xFFFFFFFF;
	(pc) =	sbr.abs _section_cstart, $3  }
0xc1: {  	[dreg:$0x1] =	wrdreg $0xFFFFFFFF  }
0xc2: {  	_ =	task.clear_ibuf [dreg:s6], $0x2FFFF;
	_ =	strace $0x9FFFFFFF  }
0xc3: {  	(tm) =	ssettm $0x7FFFFFFF  }
tec
execute0_lowered:
.L_overlay_start_1:
0x0: {  	(tag) =	ssettag $0x1  }
0x1: {  	s0 =	rddreg [dreg:$0x0]  }
0x2: {  	s2 =	rddreg [dreg:$0x1]  }
0x3: {  	s3 =	rddreg [dreg:$0x2]  }
0x4: {  	s1 =	stileid.u32;
	s5 =	srdreg.scid;
	s4 =	simm.s32 $0x0  }
0x5: {  	s17 =	simm.s32 $0xF780;
	s20 =	simm.s32 $0xC780;
	s21 =	simm.s32 $0x4  }
0x6: {  	s22 =	simm.s32 $0x2;
	s23 =	simm.s32 $0x80;
	s24 =	simm.s32 $0xF800  }
0x7: {  	s25 =	simm.s32 $0xD780;
	s26 =	simm.s32 $0x1;
	s28 =	simm.s32 $0x3  }
0x8: {  	s29 =	simm.s32 $0x0;
	s6 =	smul.u32 $0xA000, s1;
	s5 =	sand.u32 $0x1, s5  }
0x9: {  	[smem:$0x7FF] =	sst s4;
	s7 =	sshll.u32 s1, $0x1;
	s11 =	smul.u32 $0x14000, s1  }
0xa: {  	s8 =	smul.u32 $0xA0000, s5;
	_ =	strace $0x8000004A;
	s7 =	sor.u32 s5, s7  }
0xb: {  	s5 =	ssub.s32 $0x2, s5;
	s9 =	sshrl.u32 s6, $0x4;
	s7 =	smul.u32 $0x4F0, s7  }
0xc: {  	s31 =	sshrl.u32 s5, $0x1;
	s10 =	sshrl.u32 s6, $0x1;
	s11 =	sshrl.u32 s11, $0x2  }
0xd: {  	s8 =	sadd.s32 s6, s8;
	s9 =	sadd.s32 s9, s0;
	s16 =	ssub.s32 s5, s31  }
0xe: {  	s19 =	sadd.s32 s10, s2;
	s10 =	sadd.s32 s10, s3;
	s14 =	sadd.s32 s11, s3  }
0xf: {  	s8 =	sshrl.u32 s8, $0x4;
	s7 =	sadd.s32 s7, s0;
	s11 =	sadd.s32 $0x1000, s14  }
0x10: {  	s12 =	sadd.s32 $0x2000, s14;
	s13 =	sadd.s32 $0x3000, s14;
	s14 =	sadd.s32 $0x4000, s14  }
0x11: {  	s16 =	smax.u32 s16, $0x1;
	s19 =	sshrl.u32 s19, $0x3;
	s0 =	sadd.s32 s8, s0  }
0x12: {  	s5 =	sadd.s32 $0x2C00, s7;
	s6 =	sadd.s32 $0xCA00, s7;
	s8 =	sshll.u32 s1, $0x6  }
0x13: {  	v0 =	vimm.bf16 $0.0e+00;
	s7 =	sadd.s32 $0x16800, s9;
	s9 =	sor.u32 $0x1C02, s8;
	s15 =	sadd.s32 $0x20800, s0  }
.LBB2_1:
0x14: {  	[tilespmem:s17], [sflag:$0x2] =	stream.linear.gather [hbm4b:s5+s4], $0x2780, $0x38;
	[tilespmem:$0x11F00] =	vst v63  }
0x15: {  	s0 =	simm.s32 $0x5000  }
0x16: {  	[tilespmem:s0], [sflag:$0x2] =	stream.linear.gather [hbm4b:s6+s4], $0x2780, $0x38;
	[tilespmem:$0x11F00] =	vst v63  }
0x17: {  	s30 =	simm.s32 $0x0;
	s0 =	simm.s32 $0x80  }
0x18: {  	[spmem:s19], [sflag:s9] =	dma.local [hbm:s7], $0xA00  }
.LBB2_2:
0x19: {  	p0 =	sne.s32 s0, $0x3F80;
	[tilespmem:s30+$0xC780] =	vst v0;
	s31 =	smov.u32 s0;
	s0 =	sadd.s32 $0x80, s0  }
.Ltmp0:
0x1a: {  	[tilespmem:s30+$0xC790] =	vst v0;
	(pc) =	sbr.rel @p0 .LBB2_2-.Ltmp0, $2  }
0x1b: {  	_ =	sdelay $0x2  }
0x1c: {  	s30 =	sshra.s32 s31, $0x2  }
0x1d: {  	[tilespmem:s30+$0xC780] =	vst v0  }
0x1e: {  	[tilespmem:s30+$0xC790] =	vst v0  }
0x1f: {  	[spmem:s10] =	stream.linear.scatter [tilespmem:s20], [sflag:$0x4], $0x1000, $0x38;
	[tilespmem:$0x11F00] =	vst v63  }
0x20: {  	_ =	swait.ge [sflag:s21], $0x1000  }
0x21: {  	[sflag:s21] =	ssyncset.done $0x0  }
0x22: {  	[sflag:s21] =	ssyncadd.s32 $0xFFFFF000  }
0x23: {  	[spmem:s11] =	stream.linear.scatter [tilespmem:s20], [sflag:$0x4], $0x1000, $0x38;
	[tilespmem:$0x11F00] =	vst v63  }
0x24: {  	_ =	swait.ge [sflag:s21], $0x1000  }
0x25: {  	[sflag:s21] =	ssyncset.done $0x0  }
0x26: {  	[sflag:s21] =	ssyncadd.s32 $0xFFFFF000  }
0x27: {  	[spmem:s12] =	stream.linear.scatter [tilespmem:s20], [sflag:$0x4], $0x1000, $0x38;
	[tilespmem:$0x11F00] =	vst v63  }
0x28: {  	_ =	swait.ge [sflag:s21], $0x1000  }
0x29: {  	[sflag:s21] =	ssyncset.done $0x0  }
0x2a: {  	[sflag:s21] =	ssyncadd.s32 $0xFFFFF000  }
0x2b: {  	[spmem:s13] =	stream.linear.scatter [tilespmem:s20], [sflag:$0x4], $0x1000, $0x38;
	[tilespmem:$0x11F00] =	vst v63  }
0x2c: {  	_ =	swait.ge [sflag:s21], $0x1000  }
0x2d: {  	[sflag:s21] =	ssyncset.done $0x0  }
0x2e: {  	[sflag:s21] =	ssyncadd.s32 $0xFFFFF000  }
0x2f: {  	[spmem:s14] =	stream.linear.scatter [tilespmem:s20], [sflag:$0x4], $0x1000, $0x38;
	[tilespmem:$0x11F00] =	vst v63  }
0x30: {  	_ =	swait.ge [sflag:s21], $0x1000  }
0x31: {  	[sflag:s21] =	ssyncset.done $0x0  }
0x32: {  	[sflag:s21] =	ssyncadd.s32 $0xFFFFF000  }
0x33: {  	_ =	swait.ge [sflag:s22], $0x2780  }
0x34: {  	[sflag:s22] =	ssyncset.done $0x0  }
0x35: {  	[sflag:s22] =	ssyncadd.s32 $0xFFFFD880  }
0x36: {  	_ =	swait.ge [sflag:s22], $0x2780  }
0x37: {  	[sflag:s22] =	ssyncset.done $0x0  }
0x38: {  	[sflag:s22] =	ssyncadd.s32 $0xFFFFD880  }
0x39: {  	_ =	swait.ge [sflag:s22], $0xA00  }
0x3a: {  	[sflag:s22] =	ssyncset.done $0x0  }
0x3b: {  	[sflag:s22] =	ssyncadd.s32 $0xFFFFF600  }
0x3c: {  	[bflag:$0x0] =	sbarrier.arrive $0xFFFF  }
0x3d: {  	[tilespmem:s20], [sflag:$0x1] =	stream.indirect.gather [spmem:s2], $0x20, s17, s23, $0xb8;
	[tilespmem:$0x11F00] =	vst v63  }
0x3e: {  	s30 =	simm.s32 $0x0;
	s31 =	simm.s32 $0xF880;
	s0 =	simm.s32 $0x5000  }
0x3f: {  	[tilespmem:s25], [sflag:$0x1] =	stream.indirect.gather [spmem:s2], $0x20, s24, s23, $0xb8;
	[tilespmem:$0x11F00] =	vst v63  }
.LBB2_4:
0x40: {  	s1 =	smul.u32 $0xAB, s30;
	_ =	sdelay $0x1  }
0x41: {  	s1 =	sshrl.u32 s1, $0x9  }
0x42: {  	s1 =	sand.u32 $0x7F, s1  }
0x43: {  	s1 =	smul.u32 $0x3, s1;
	_ =	sdelay $0x1  }
0x44: {  	s1 =	ssub.s32 s30, s1  }
0x45: {  	_ =	swait.ge [sflag:s26], $0x1000;
	s1 =	sand.u32 $0xF3, s1  }
0x46: {  	[sflag:s26] =	ssyncset.done $0x0;
	s1 =	sshll.u32 s1, $0xC  }
0x47: {  	p0 =	seq.s32 s30, $0x0;
	[sflag:s26] =	ssyncadd.s32 $0xFFFFF000;
	s1 =	sor.u32 $0xC780, s1  }
0x48: {  	[spmem:s3] =	stream.indirect.scatter.add.bf16 [tilespmem:s1], [sflag:$0x3], $0x20, s0, s23, $0xb8;
	[tilespmem:$0x11F00] =	vst v63  }
0x49: {  	s1 =	simm.s32 @!p0 $0x3  }
0x4a: {  	p1 =	sgt.u32 @!p0 s30, $0x4C;
	_ =	swait.ge @!p0 [sflag:s1], $0x1000  }
0x4b: {  	p1 =	por p0, !p1;
	[sflag:s1] =	ssyncset.done @!p0 $0x0  }
0x4c: {  	[sflag:s1] =	ssyncadd.s32 @!p0 $0xFFFFF000;
	s1 =	sadd.s32 @p1 $0x2, s30  }
0x4d: {  	s18 =	smul.u32 @p1 $0xAB, s1;
	_ =	sdelay $0x1  }
0x4e: {  	s18 =	sshrl.u32 @p1 s18, $0x9  }
0x4f: {  	s18 =	sand.u32 @p1 $0x7F, s18  }
0x50: {  	s18 =	smul.u32 @p1 $0x3, s18  }
0x51: {  	s30 =	sadd.s32 $0x1, s30  }
0x52: {  	p0 =	sne.s32 s30, $0x4F;
	s1 =	ssub.s32 @p1 s1, s18  }
.Ltmp1:
0x53: {  	s1 =	sand.u32 @p1 $0xF3, s1;
	(pc) =	sbr.rel @p0 .LBB2_4-.Ltmp1, $4  }
0x54: {  	s1 =	sshll.u32 @p1 s1, $0xC  }
0x55: {  	s1 =	sor.u32 @p1 $0xC780, s1  }
0x56: {  	[tilespmem:s1], [sflag:$0x1] =	stream.indirect.gather @p1 [spmem:s2], $0x20, s31, s23, $0xb8;
	[tilespmem:$0x11F00] =	vst v63  }
0x57: {  	s0 =	sadd.s32 $0x80, s0;
	s31 =	sadd.s32 $0x80, s31  }
0x58: {  	_ =	swait.ge [sflag:s28], $0x1000  }
0x59: {  	s29 =	sadd.s32 $0x1, s29;
	[sflag:s28] =	ssyncset.done $0x0  }
0x5a: {  	s0 =	sor.u32 $0x1C04, s8;
	p0 =	sne.s32 s29, s16;
	[sflag:s28] =	ssyncadd.s32 $0xFFFFF000  }
.Ltmp2:
0x5b: {  	s1 =	sshrl.u32 s10, $0x3;
	[bflag:$0x0] =	sbarrier.arrive $0xFFFF;
	(pc) =	sbr.rel @p0 .LBB2_1-.Ltmp2, $4  }
0x5c: {  	[hbm:s15], [sflag:s0] =	dma.local [spmem:s1], $0xA00  }
0x5d: {  	_ =	swait.ge [sflag:s21], $0xA00  }
0x5e: {  	[sflag:s21] =	ssyncset.done $0x0  }
0x5f: {  	[sflag:s21] =	ssyncadd.s32 $0xFFFFF600  }
0x60: {  	_ =	sfence.sel $0x180000  }
0x61: {  	[bflag:$0x0] =	sbarrier.arrive $0xFFFF  }
0x62: {  	_ =	strace $0x9000004A  }
0x63: {  	s0 =	stileid.u32;
	[bflag:$0x2] =	sbarrier.arrive $0xFFFF  }
0x64: {  	p0 =	sne.s32 s0, $0x0;
	s0 =	rddreg [dreg:$0x3]  }
0x65: {  	s0 =	sadd.s32 @!p0 $0x100000, s0  }
0x66: {  	[sflag:s0] =	ssyncadd.tile.s32 @!p0 $0x1;
	_ =	shalt  }
.Lfunc_end2:
_tile_overlayer_lowered:
.L_overlay_start_2:
0x67: {  	(tag) =	ssettag $0x2  }
0x68: {  	s0 =	rddreg [dreg:$0x0];
	s2 =	stileid.u32  }
0x69: {  	s1 =	rddreg [dreg:$0x1];
	p0 =	sne.s32 s2, $0x0  }
0x6a: {  	s3 =	rddreg [dreg:$0x2];
	[bflag:$0x3] =	sbarrier.arrive $0xFFFF;
	s2 =	simm.s32 @!p0 $0x1C04  }
0x6b: {  	[timem:s3], [sflag:s2] =	dma.local @!p0 [hbm:s0], s1  }
0x6c: {  	s0 =	simm.s32 @!p0 $0x4  }
0x6d: {  	_ =	swait.ge @!p0 [sflag:s0], s1  }
0x6e: {  	s1 =	ssub.s32 @!p0 $0x0, s1;
	[sflag:s0] =	ssyncset.done @!p0 $0x0  }
0x6f: {  	[sflag:s0] =	ssyncadd.s32 @!p0 s1  }
0x70: {  	[bflag:$0x3] =	sbarrier.arrive $0xFFFF  }
0x71: {  	_ =	shalt  }

// kernel: kernel.14.cloned.1.call-start
scs
__scs_entry_jumppad:
0x0: {  	(pc) =	sbr.rel $0x88, $3  }
0x1: {  	(tag) =	ssettag $0x0;
	lr =	simm.s32 $0x1  }
0x2: {  	[smem:$0x3F94] =	sst lr;
	_ =	strace $0xD0000000  }
0x3: {  	_ = 	snop  }
0x4: {  	_ = 	snop  }
0x5: {  	_ = 	snop  }
0x6: {  	_ = 	snop  }
0x7: {  	_ = 	snop  }
__scs_overlays_trampoline_lowered:
0x8: {  	[smem:$0x3FA3] =	sst s0  }
0x9: {  	[smem:$0x3FA4] =	sst s1  }
0xa: {  	[smem:$0x3FA5] =	sst s2  }
0xb: {  	[smem:$0x3FA6] =	sst s3  }
0xc: {  	[smem:$0x3FA7] =	sst s4  }
0xd: {  	[smem:$0x3FA8] =	sst s5  }
0xe: {  	[smem:$0x3FA9] =	sst s6  }
0xf: {  	[smem:$0x3FAA] =	sst s7  }
0x10: {  	[smem:$0x3FAB] =	sst s8  }
0x11: {  	[smem:$0x3FAC] =	sst s9;
	s0 =	simm.s32 @!p0 $0x0  }
0x12: {  	s1 =	sld [smem:$0x3F92];
	s0 =	simm.s32 @p0 $0x1  }
0x13: {  	[smem:$0x3FAD] =	sst s0;
	s0 =	simm.s32 @!p1 $0x0  }
0x14: {  	s2 =	sld [smem:$0x3F91];
	s0 =	simm.s32 @p1 $0x1  }
0x15: {  	[smem:$0x3FAE] =	sst s0;
	s0 =	simm.s32 @!p2 $0x0  }
0x16: {  	s3 =	sld [smem:$0x3FDB];
	s0 =	simm.s32 @p2 $0x1  }
0x17: {  	s4 =	simm.s32 $0x1BF5;
	[smem:$0x3FB0] =	sst s0  }
0x18: {  	s0 =	sld [smem:$0x3F93];
	_ =	swait.ge [sflag:s4], $0x0  }
0x19: {  	s7 =	sld [smem:$0x3F94]  }
0x1a: {  	s8 =	sadd.s32 $0xFFFFE003, lr  }
0x1b: {  	s9 =	sadd.s32 $0xFFFFFEF7, lr;
	s5 =	simm.s32 $0xFFFFFFFF;
	p2 =	slt.u32 s8, $0xFFFFF086  }
0x1c: {  	p1 =	slt.u32 s9, $0xF7A;
	s5 =	simm.s32 @!p2 $0x0  }
0x1d: {  	s5 =	simm.s32 @p1 $0x1;
	p0 =	seq.s32 s7, s2  }
0x1e: {  	s7 =	smul.u32 @!p0 $0xF7A, s2;
	p2 =	seq.s32 @!p0 s5, $0x0  }
0x1f: {  	s9 =	smul.u32 $0xF7A, s1;
	s8 =	simm.s32 @!p0 $0x1BF5;
	p2 =	por !p2, p0  }
0x20: {  	[sflag:s8] =	ssyncset.s32 @!p0 $0xFFFFF086;
	s6 =	sadd.s32 @!p0 s3, s7;
	s7 =	simm.s32 @!p0 $0x108  }
0x21: {  	s3 =	sadd.s32 s3, s9;
	s6 =	sadd.s32 @!p0 $0x88, s6;
	s7 =	simm.s32 @p2 $0x1082  }
0x22: {  	[simem:s7], [sflag:s8] =	dma.local @!p0 [hbm:s6], $0xF7A  }
0x23: {  	s9 =	sor.u32 $0xD0000000, s2;
	s6 =	simm.s32 $0x108;
	_ =	swait.ge @!p0 [sflag:s8], $0x0  }
0x24: {  	s3 =	sadd.s32 $0x88, s3;
	s6 =	simm.s32 @!p1 $0x1082;
	[sflag:s4] =	ssyncset.s32 $0xFFFFF086  }
0x25: {  	[simem:s6], [sflag:s4] =	dma.local [hbm:s3], $0xF7A  }
0x26: {  	[smem:$0x3F94] =	sst s1;
	(tag) =	ssettag s2;
	_ =	strace s9  }
0x27: {  	s1 =	sld [smem:$0x3FA4]  }
0x28: {  	s2 =	sld [smem:$0x3FA5]  }
0x29: {  	s4 =	sld [smem:$0x3FA7]  }
0x2a: {  	p0 =	seq.s32 s5, $0x0;
	s5 =	sld [smem:$0x3FA8]  }
0x2b: {  	s6 =	sld [smem:$0x3FA9]  }
0x2c: {  	s7 =	sld [smem:$0x3FAA]  }
0x2d: {  	s3 =	simm.s32 $0x108;
	s8 =	sld [smem:$0x3FAB]  }
0x2e: {  	s3 =	simm.s32 @!p0 $0x1082;
	s9 =	sld [smem:$0x3FAC]  }
0x2f: {  	lr =	sadd.s32 s0, s3;
	s0 =	sld [smem:$0x3FA3]  }
0x30: {  	s3 =	sld [smem:$0x3FA6]  }
0x31: {  	[smem:$0x3FAF] =	sst s10  }
0x32: {  	s10 =	sld [smem:$0x3FAD];
	_ =	sdelay $0x3  }
0x33: {  	p0 =	seq.s32 s10, $0x1;
	s10 =	sld [smem:$0x3FAF];
	_ =	sdelay $0x3  }
0x34: {  	[smem:$0x3FAF] =	sst s10  }
0x35: {  	s10 =	sld [smem:$0x3FAE];
	_ =	sdelay $0x3  }
0x36: {  	p1 =	seq.s32 s10, $0x1;
	s10 =	sld [smem:$0x3FAF];
	_ =	sdelay $0x3  }
0x37: {  	[smem:$0x3FAF] =	sst s10  }
0x38: {  	s10 =	sld [smem:$0x3FB0]  }
0x39: {  	_ = 	snop;
	(pc) =	sbr.ind lr, $3  }
0x3a: {  	_ = 	snop  }
0x3b: {  	_ = 	snop  }
0x3c: {  	p2 =	seq.s32 s10, $0x1;
	s10 =	sld [smem:$0x3FAF]  }
0x3d: {  	_ =	shalt  }
0x3e: {  	_ =	shalt  }
0x3f: {  	_ =	shalt  }
0x40: {  	_ =	shalt  }
0x41: {  	_ =	shalt  }
0x42: {  	_ =	shalt  }
0x43: {  	_ =	shalt  }
0x44: {  	_ =	shalt  }
0x45: {  	_ =	shalt  }
0x46: {  	_ =	shalt  }
0x47: {  	_ =	shalt  }
0x48: {  	_ =	shalt  }
0x49: {  	_ =	shalt  }
0x4a: {  	_ =	shalt  }
0x4b: {  	_ =	shalt  }
0x4c: {  	_ =	shalt  }
0x4d: {  	_ =	shalt  }
0x4e: {  	_ =	shalt  }
0x4f: {  	_ =	shalt  }
0x50: {  	_ =	shalt  }
0x51: {  	_ =	shalt  }
0x52: {  	_ =	shalt  }
0x53: {  	_ =	shalt  }
0x54: {  	_ =	shalt  }
0x55: {  	_ =	shalt  }
0x56: {  	_ =	shalt  }
0x57: {  	_ =	shalt  }
0x58: {  	_ =	shalt  }
0x59: {  	_ =	shalt  }
0x5a: {  	_ =	shalt  }
0x5b: {  	_ =	shalt  }
0x5c: {  	_ =	shalt  }
0x5d: {  	_ =	shalt  }
0x5e: {  	_ =	shalt  }
0x5f: {  	_ =	shalt  }
0x60: {  	_ =	shalt  }
0x61: {  	_ =	shalt  }
0x62: {  	_ =	shalt  }
0x63: {  	_ =	shalt  }
0x64: {  	_ =	shalt  }
0x65: {  	_ =	shalt  }
0x66: {  	_ =	shalt  }
0x67: {  	_ =	shalt  }
0x68: {  	_ =	shalt  }
0x69: {  	_ =	shalt  }
0x6a: {  	_ =	shalt  }
0x6b: {  	_ =	shalt  }
0x6c: {  	_ =	shalt  }
0x6d: {  	_ =	shalt  }
0x6e: {  	_ =	shalt  }
0x6f: {  	_ =	shalt  }
0x70: {  	_ =	shalt  }
0x71: {  	_ =	shalt  }
0x72: {  	_ =	shalt  }
0x73: {  	_ =	shalt  }
0x74: {  	_ =	shalt  }
0x75: {  	_ =	shalt  }
0x76: {  	_ =	shalt  }
0x77: {  	_ =	shalt  }
0x78: {  	_ =	shalt  }
0x79: {  	_ =	shalt  }
0x7a: {  	_ =	shalt  }
0x7b: {  	_ =	shalt  }
0x7c: {  	_ =	shalt  }
0x7d: {  	_ =	shalt  }
0x7e: {  	_ =	shalt  }
0x7f: {  	_ =	shalt  }
0x80: {  	_ =	shalt  }
0x81: {  	_ =	shalt  }
0x82: {  	_ =	shalt  }
0x83: {  	_ =	shalt  }
0x84: {  	_ =	shalt  }
0x85: {  	_ =	shalt  }
0x86: {  	_ =	shalt  }
0x87: {  	_ =	shalt  }
.Lfunc_end0:
.L_simem_size_0:
called_computation.2_lowered:
.L_overlay_start_0:
0x88: {  	s2 =	sld [smem:$0x3FD9]  }
0x89: {  	s3 =	sld [smem:$0x3FFE];
	_ =	sdelay $0x1  }
0x8a: {  	s1 =	srdreg.scid  }
0x8b: {  	s0 =	sand.u32 $0x1, s1  }
0x8c: {  	s16 =	sshll.u32 s0, $0xA;
	s2 =	sadd.s32 s3, s2  }
0x8d: {  	s2 =	sadd.s32 s2, s16  }
0x8e: {  	[smem:$0x3FBB] =	sst s2  }
0x8f: {  	_ = 	snop  }
0x90: {  	(tm) =	ssettm $0x1  }
0x91: {  	s17 =	sld [smem:$0x3FFB];
	_ =	sdelay $0x3  }
0x92: {  	_ =	strace s17  }
0x93: {  	s2 =	sld [smem:$0x3FFC];
	_ =	sdelay $0x3  }
0x94: {  	_ =	strace s2  }
0x95: {  	s2 =	sld [smem:$0x3FFD];
	_ =	sdelay $0x3  }
0x96: {  	_ =	strace s2  }
0x97: {  	_ =	strace $0x8FFFFFFF  }
0x98: {  	s18 =	sld [smem:$0x3FDB];
	_ =	sdelay $0x1  }
0x99: {  	s19 =	simm.s32 $_scs_section_size  }
0x9a: {  	s4 =	simm.s32 $_size__tile_overlayer_lowered;
	s5 =	simm.s32 $_tile_overlayer_lowered  }
0x9b: {  	s22 =	simm.s32 $0x1BFF;
	s21 =	sshll.u32 s5, $0x1;
	s2 =	sadd.s32 s19, s18  }
0x9c: {  	s6 =	simm.s32 $0x0;
	s20 =	sshll.u32 s4, $0x1;
	s4 =	sadd.s32 s21, s2  }
0x9d: {  	[timem:s6], [sflag:s22] =	dma.local [hbm:s4], s20  }
0x9e: {  	_ =	swait.ge [sflag:s22], s20  }
0x9f: {  	s3 =	ssub.s32 $0x0, s20;
	[sflag:s22] =	ssyncset.done $0x0  }
0xa0: {  	[sflag:s22] =	ssyncadd.s32 s3;
	_ =	sdelay $0x1  }
0xa1: {  	s23 =	simm.s32 $0x1B8B  }
0xa2: {  	_ =	swait.ge [sflag:s23], $0x1  }
0xa3: {  	[sflag:s23] =	ssyncset.done $0x0  }
0xa4: {  	s25 =	simm.s32 $0x1B8E;
	s24 =	sld [smem:$0x3FFE];
	[sflag:s23] =	ssyncadd.s32 $0xFFFFFFFF  }
0xa5: {  	s26 =	simm.s32 $execute0_lowered;
	[smem:$0x3FD2] =	sst s25  }
0xa6: {  	s4 =	sshll.u32 s26, $0x1;
	_ =	strace $0x8000004C;
	[dreg:$0x1] =	wrdreg $0xFFFFFFFF  }
0xa7: {  	s28 =	simm.s32 $_size_execute0_lowered;
	s2 =	sadd.s32 s2, s4;
	[dreg:$0x0] =	wrdreg $0x0  }
0xa8: {  	s4 =	sshll.u32 s28, $0x1;
	[dreg:$0x2] =	wrdreg s2  }
0xa9: {  	[dreg:$0x3] =	wrdreg s4  }
0xaa: {  	[dreg:$0x4] =	wrdreg $0xC0  }
0xab: {  	_ =	task [dreg:s6], $0x5FFFF  }
0xac: {  	[dreg:$0x1] =	wrdreg $0xFFFFFFFF  }
0xad: {  	[dreg:$0x0] =	wrdreg $0x60  }
0xae: {  	[dreg:$0x2] =	wrdreg s24  }
0xaf: {  	[dreg:$0x3] =	wrdreg $0x77800  }
0xb0: {  	[dreg:$0x4] =	wrdreg $0x0  }
0xb1: {  	[dreg:$0x5] =	wrdreg $0x9  }
0xb2: {  	_ =	task.clear_ibuf [dreg:s6], $0x6FFFF;
	_ =	strace $0x9000004C  }
0xb3: {  	s29 =	simm.s32 $0x9;
	_ =	strace $0x8000004E  }
0xb4: {  	_ =	swait.ge [sflag:s29], $0x1  }
0xb5: {  	[sflag:s29] =	ssyncadd.s32 $0xFFFFFFFF  }
0xb6: {  	_ =	strace $0x9000004E  }
0xb7: {  	_ =	sfence  }
0xb8: {  	s30 =	sld [smem:$0x0];
	_ =	sdelay $0x2  }
0xb9: {  	s31 =	sshll.u32 s1, $0xD;
	s1 =	sshrl.u32 s1, $0x2  }
0xba: {  	s3 =	sand.u32 $0x4000, s31;
	s1 =	sadd.s32 s1, s30  }
0xbb: {  	s0 =	sor.u32 s3, s0;
	s1 =	sshll.u32 s1, $0x11  }
0xbc: {  	s0 =	sor.u32 s1, s0  }
0xbd: {  	s0 =	sadd.s32 $0x8F2B, s0  }
0xbe: {  	[sflag:s0] =	ssyncadd.remote.s32 $0x1  }
0xbf: {  	_ =	sfence.sel $0xFFFF  }
0xc0: {  	[dreg:$0x0] =	wrdreg $0xFFFFFFFF;
	(pc) =	sbr.abs _section_cstart, $3  }
0xc1: {  	[dreg:$0x1] =	wrdreg $0xFFFFFFFF  }
0xc2: {  	_ =	task.clear_ibuf [dreg:s6], $0x2FFFF;
	_ =	strace $0x9FFFFFFF  }
0xc3: {  	(tm) =	ssettm $0x7FFFFFFF  }
tec
execute0_lowered:
.L_overlay_start_1:
0x0: {  	(tag) =	ssettag $0x1  }
0x1: {  	s0 =	rddreg [dreg:$0x0]  }
0x2: {  	s2 =	rddreg [dreg:$0x1]  }
0x3: {  	s3 =	rddreg [dreg:$0x2]  }
0x4: {  	s1 =	stileid.u32;
	s5 =	srdreg.scid;
	s4 =	simm.s32 $0x0  }
0x5: {  	s17 =	simm.s32 $0xF780;
	s20 =	simm.s32 $0xC780;
	s21 =	simm.s32 $0x4  }
0x6: {  	s22 =	simm.s32 $0x2;
	s23 =	simm.s32 $0x80;
	s24 =	simm.s32 $0xF800  }
0x7: {  	s25 =	simm.s32 $0xD780;
	s26 =	simm.s32 $0x1;
	s28 =	simm.s32 $0x3  }
0x8: {  	s29 =	simm.s32 $0x0;
	s6 =	smul.u32 $0xA000, s1;
	s5 =	sand.u32 $0x1, s5  }
0x9: {  	[smem:$0x7FF] =	sst s4;
	s7 =	sshll.u32 s1, $0x1;
	s11 =	smul.u32 $0x14000, s1  }
0xa: {  	s8 =	smul.u32 $0xA0000, s5;
	_ =	strace $0x8000004D;
	s7 =	sor.u32 s5, s7  }
0xb: {  	s5 =	ssub.s32 $0x2, s5;
	s9 =	sshrl.u32 s6, $0x4;
	s7 =	smul.u32 $0x4F0, s7  }
0xc: {  	s31 =	sshrl.u32 s5, $0x1;
	s10 =	sshrl.u32 s6, $0x1;
	s11 =	sshrl.u32 s11, $0x2  }
0xd: {  	s8 =	sadd.s32 s6, s8;
	s9 =	sadd.s32 s9, s0;
	s16 =	ssub.s32 s5, s31  }
0xe: {  	s19 =	sadd.s32 s10, s2;
	s10 =	sadd.s32 s10, s3;
	s14 =	sadd.s32 s11, s3  }
0xf: {  	s8 =	sshrl.u32 s8, $0x4;
	s7 =	sadd.s32 s7, s0;
	s11 =	sadd.s32 $0x1000, s14  }
0x10: {  	s12 =	sadd.s32 $0x2000, s14;
	s13 =	sadd.s32 $0x3000, s14;
	s14 =	sadd.s32 $0x4000, s14  }
0x11: {  	s16 =	smax.u32 s16, $0x1;
	s19 =	sshrl.u32 s19, $0x3;
	s0 =	sadd.s32 s8, s0  }
0x12: {  	s5 =	sadd.s32 $0x2C00, s7;
	s6 =	sadd.s32 $0xCA00, s7;
	s8 =	sshll.u32 s1, $0x6  }
0x13: {  	v0 =	vimm.bf16 $0.0e+00;
	s7 =	sadd.s32 $0x16800, s9;
	s9 =	sor.u32 $0x1C02, s8;
	s15 =	sadd.s32 $0x20800, s0  }
.LBB2_1:
0x14: {  	[tilespmem:s17], [sflag:$0x2] =	stream.linear.gather [hbm4b:s5+s4], $0x2780, $0x38;
	[tilespmem:$0x11F00] =	vst v63  }
0x15: {  	s0 =	simm.s32 $0x5000  }
0x16: {  	[tilespmem:s0], [sflag:$0x2] =	stream.linear.gather [hbm4b:s6+s4], $0x2780, $0x38;
	[tilespmem:$0x11F00] =	vst v63  }
0x17: {  	s30 =	simm.s32 $0x0;
	s0 =	simm.s32 $0x80  }
0x18: {  	[spmem:s19], [sflag:s9] =	dma.local [hbm:s7], $0xA00  }
.LBB2_2:
0x19: {  	p0 =	sne.s32 s0, $0x3F80;
	[tilespmem:s30+$0xC780] =	vst v0;
	s31 =	smov.u32 s0;
	s0 =	sadd.s32 $0x80, s0  }
.Ltmp0:
0x1a: {  	[tilespmem:s30+$0xC790] =	vst v0;
	(pc) =	sbr.rel @p0 .LBB2_2-.Ltmp0, $2  }
0x1b: {  	_ =	sdelay $0x2  }
0x1c: {  	s30 =	sshra.s32 s31, $0x2  }
0x1d: {  	[tilespmem:s30+$0xC780] =	vst v0  }
0x1e: {  	[tilespmem:s30+$0xC790] =	vst v0  }
0x1f: {  	[spmem:s10] =	stream.linear.scatter [tilespmem:s20], [sflag:$0x4], $0x1000, $0x38;
	[tilespmem:$0x11F00] =	vst v63  }
0x20: {  	_ =	swait.ge [sflag:s21], $0x1000  }
0x21: {  	[sflag:s21] =	ssyncset.done $0x0  }
0x22: {  	[sflag:s21] =	ssyncadd.s32 $0xFFFFF000  }
0x23: {  	[spmem:s11] =	stream.linear.scatter [tilespmem:s20], [sflag:$0x4], $0x1000, $0x38;
	[tilespmem:$0x11F00] =	vst v63  }
0x24: {  	_ =	swait.ge [sflag:s21], $0x1000  }
0x25: {  	[sflag:s21] =	ssyncset.done $0x0  }
0x26: {  	[sflag:s21] =	ssyncadd.s32 $0xFFFFF000  }
0x27: {  	[spmem:s12] =	stream.linear.scatter [tilespmem:s20], [sflag:$0x4], $0x1000, $0x38;
	[tilespmem:$0x11F00] =	vst v63  }
0x28: {  	_ =	swait.ge [sflag:s21], $0x1000  }
0x29: {  	[sflag:s21] =	ssyncset.done $0x0  }
0x2a: {  	[sflag:s21] =	ssyncadd.s32 $0xFFFFF000  }
0x2b: {  	[spmem:s13] =	stream.linear.scatter [tilespmem:s20], [sflag:$0x4], $0x1000, $0x38;
	[tilespmem:$0x11F00] =	vst v63  }
0x2c: {  	_ =	swait.ge [sflag:s21], $0x1000  }
0x2d: {  	[sflag:s21] =	ssyncset.done $0x0  }
0x2e: {  	[sflag:s21] =	ssyncadd.s32 $0xFFFFF000  }
0x2f: {  	[spmem:s14] =	stream.linear.scatter [tilespmem:s20], [sflag:$0x4], $0x1000, $0x38;
	[tilespmem:$0x11F00] =	vst v63  }
0x30: {  	_ =	swait.ge [sflag:s21], $0x1000  }
0x31: {  	[sflag:s21] =	ssyncset.done $0x0  }
0x32: {  	[sflag:s21] =	ssyncadd.s32 $0xFFFFF000  }
0x33: {  	_ =	swait.ge [sflag:s22], $0x2780  }
0x34: {  	[sflag:s22] =	ssyncset.done $0x0  }
0x35: {  	[sflag:s22] =	ssyncadd.s32 $0xFFFFD880  }
0x36: {  	_ =	swait.ge [sflag:s22], $0x2780  }
0x37: {  	[sflag:s22] =	ssyncset.done $0x0  }
0x38: {  	[sflag:s22] =	ssyncadd.s32 $0xFFFFD880  }
0x39: {  	_ =	swait.ge [sflag:s22], $0xA00  }
0x3a: {  	[sflag:s22] =	ssyncset.done $0x0  }
0x3b: {  	[sflag:s22] =	ssyncadd.s32 $0xFFFFF600  }
0x3c: {  	[bflag:$0x0] =	sbarrier.arrive $0xFFFF  }
0x3d: {  	[tilespmem:s20], [sflag:$0x1] =	stream.indirect.gather [spmem:s2], $0x20, s17, s23, $0xb8;
	[tilespmem:$0x11F00] =	vst v63  }
0x3e: {  	s30 =	simm.s32 $0x0;
	s31 =	simm.s32 $0xF880;
	s0 =	simm.s32 $0x5000  }
0x3f: {  	[tilespmem:s25], [sflag:$0x1] =	stream.indirect.gather [spmem:s2], $0x20, s24, s23, $0xb8;
	[tilespmem:$0x11F00] =	vst v63  }
.LBB2_4:
0x40: {  	s1 =	smul.u32 $0xAB, s30;
	_ =	sdelay $0x1  }
0x41: {  	s1 =	sshrl.u32 s1, $0x9  }
0x42: {  	s1 =	sand.u32 $0x7F, s1  }
0x43: {  	s1 =	smul.u32 $0x3, s1;
	_ =	sdelay $0x1  }
0x44: {  	s1 =	ssub.s32 s30, s1  }
0x45: {  	_ =	swait.ge [sflag:s26], $0x1000;
	s1 =	sand.u32 $0xF3, s1  }
0x46: {  	[sflag:s26] =	ssyncset.done $0x0;
	s1 =	sshll.u32 s1, $0xC  }
0x47: {  	p0 =	seq.s32 s30, $0x0;
	[sflag:s26] =	ssyncadd.s32 $0xFFFFF000;
	s1 =	sor.u32 $0xC780, s1  }
0x48: {  	[spmem:s3] =	stream.indirect.scatter.add.bf16 [tilespmem:s1], [sflag:$0x3], $0x20, s0, s23, $0xb8;
	[tilespmem:$0x11F00] =	vst v63  }
0x49: {  	s1 =	simm.s32 @!p0 $0x3  }
0x4a: {  	p1 =	sgt.u32 @!p0 s30, $0x4C;
	_ =	swait.ge @!p0 [sflag:s1], $0x1000  }
0x4b: {  	p1 =	por p0, !p1;
	[sflag:s1] =	ssyncset.done @!p0 $0x0  }
0x4c: {  	[sflag:s1] =	ssyncadd.s32 @!p0 $0xFFFFF000;
	s1 =	sadd.s32 @p1 $0x2, s30  }
0x4d: {  	s18 =	smul.u32 @p1 $0xAB, s1;
	_ =	sdelay $0x1  }
0x4e: {  	s18 =	sshrl.u32 @p1 s18, $0x9  }
0x4f: {  	s18 =	sand.u32 @p1 $0x7F, s18  }
0x50: {  	s18 =	smul.u32 @p1 $0x3, s18  }
0x51: {  	s30 =	sadd.s32 $0x1, s30  }
0x52: {  	p0 =	sne.s32 s30, $0x4F;
	s1 =	ssub.s32 @p1 s1, s18  }
.Ltmp1:
0x53: {  	s1 =	sand.u32 @p1 $0xF3, s1;
	(pc) =	sbr.rel @p0 .LBB2_4-.Ltmp1, $4  }
0x54: {  	s1 =	sshll.u32 @p1 s1, $0xC  }
0x55: {  	s1 =	sor.u32 @p1 $0xC780, s1  }
0x56: {  	[tilespmem:s1], [sflag:$0x1] =	stream.indirect.gather @p1 [spmem:s2], $0x20, s31, s23, $0xb8;
	[tilespmem:$0x11F00] =	vst v63  }
0x57: {  	s0 =	sadd.s32 $0x80, s0;
	s31 =	sadd.s32 $0x80, s31  }
0x58: {  	_ =	swait.ge [sflag:s28], $0x1000  }
0x59: {  	s29 =	sadd.s32 $0x1, s29;
	[sflag:s28] =	ssyncset.done $0x0  }
0x5a: {  	s0 =	sor.u32 $0x1C04, s8;
	p0 =	sne.s32 s29, s16;
	[sflag:s28] =	ssyncadd.s32 $0xFFFFF000  }
.Ltmp2:
0x5b: {  	s1 =	sshrl.u32 s10, $0x3;
	[bflag:$0x0] =	sbarrier.arrive $0xFFFF;
	(pc) =	sbr.rel @p0 .LBB2_1-.Ltmp2, $4  }
0x5c: {  	[hbm:s15], [sflag:s0] =	dma.local [spmem:s1], $0xA00  }
0x5d: {  	_ =	swait.ge [sflag:s21], $0xA00  }
0x5e: {  	[sflag:s21] =	ssyncset.done $0x0  }
0x5f: {  	[sflag:s21] =	ssyncadd.s32 $0xFFFFF600  }
0x60: {  	_ =	sfence.sel $0x180000  }
0x61: {  	[bflag:$0x0] =	sbarrier.arrive $0xFFFF  }
0x62: {  	_ =	strace $0x9000004D  }
0x63: {  	s0 =	stileid.u32;
	[bflag:$0x2] =	sbarrier.arrive $0xFFFF  }
0x64: {  	p0 =	sne.s32 s0, $0x0;
	s0 =	rddreg [dreg:$0x3]  }
0x65: {  	s0 =	sadd.s32 @!p0 $0x100000, s0  }
0x66: {  	[sflag:s0] =	ssyncadd.tile.s32 @!p0 $0x1;
	_ =	shalt  }
.Lfunc_end2:
_tile_overlayer_lowered:
.L_overlay_start_2:
0x67: {  	(tag) =	ssettag $0x2  }
0x68: {  	s0 =	rddreg [dreg:$0x0];
	s2 =	stileid.u32  }
0x69: {  	s1 =	rddreg [dreg:$0x1];
	p0 =	sne.s32 s2, $0x0  }
0x6a: {  	s3 =	rddreg [dreg:$0x2];
	[bflag:$0x3] =	sbarrier.arrive $0xFFFF;
	s2 =	simm.s32 @!p0 $0x1C04  }
0x6b: {  	[timem:s3], [sflag:s2] =	dma.local @!p0 [hbm:s0], s1  }
0x6c: {  	s0 =	simm.s32 @!p0 $0x4  }
0x6d: {  	_ =	swait.ge @!p0 [sflag:s0], s1  }
0x6e: {  	s1 =	ssub.s32 @!p0 $0x0, s1;
	[sflag:s0] =	ssyncset.done @!p0 $0x0  }
0x6f: {  	[sflag:s0] =	ssyncadd.s32 @!p0 s1  }
0x70: {  	[bflag:$0x3] =	sbarrier.arrive $0xFFFF  }
0x71: {  	_ =	shalt  }

// kernel: kernel.8.cloned.1.call-start
scs
__scs_entry_jumppad:
0x0: {  	(pc) =	sbr.rel $0x88, $3  }
0x1: {  	(tag) =	ssettag $0x0;
	lr =	simm.s32 $0x1  }
0x2: {  	[smem:$0x3F94] =	sst lr;
	_ =	strace $0xD0000000  }
0x3: {  	_ = 	snop  }
0x4: {  	_ = 	snop  }
0x5: {  	_ = 	snop  }
0x6: {  	_ = 	snop  }
0x7: {  	_ = 	snop  }
__scs_overlays_trampoline_lowered:
0x8: {  	[smem:$0x3FA3] =	sst s0  }
0x9: {  	[smem:$0x3FA4] =	sst s1  }
0xa: {  	[smem:$0x3FA5] =	sst s2  }
0xb: {  	[smem:$0x3FA6] =	sst s3  }
0xc: {  	[smem:$0x3FA7] =	sst s4  }
0xd: {  	[smem:$0x3FA8] =	sst s5  }
0xe: {  	[smem:$0x3FA9] =	sst s6  }
0xf: {  	[smem:$0x3FAA] =	sst s7  }
0x10: {  	[smem:$0x3FAB] =	sst s8  }
0x11: {  	[smem:$0x3FAC] =	sst s9;
	s0 =	simm.s32 @!p0 $0x0  }
0x12: {  	s1 =	sld [smem:$0x3F92];
	s0 =	simm.s32 @p0 $0x1  }
0x13: {  	[smem:$0x3FAD] =	sst s0;
	s0 =	simm.s32 @!p1 $0x0  }
0x14: {  	s2 =	sld [smem:$0x3F91];
	s0 =	simm.s32 @p1 $0x1  }
0x15: {  	[smem:$0x3FAE] =	sst s0;
	s0 =	simm.s32 @!p2 $0x0  }
0x16: {  	s3 =	sld [smem:$0x3FDB];
	s0 =	simm.s32 @p2 $0x1  }
0x17: {  	s4 =	simm.s32 $0x1BF5;
	[smem:$0x3FB0] =	sst s0  }
0x18: {  	s0 =	sld [smem:$0x3F93];
	_ =	swait.ge [sflag:s4], $0x0  }
0x19: {  	s7 =	sld [smem:$0x3F94]  }
0x1a: {  	s8 =	sadd.s32 $0xFFFFE003, lr  }
0x1b: {  	s9 =	sadd.s32 $0xFFFFFEF7, lr;
	s5 =	simm.s32 $0xFFFFFFFF;
	p2 =	slt.u32 s8, $0xFFFFF086  }
0x1c: {  	p1 =	slt.u32 s9, $0xF7A;
	s5 =	simm.s32 @!p2 $0x0  }
0x1d: {  	s5 =	simm.s32 @p1 $0x1;
	p0 =	seq.s32 s7, s2  }
0x1e: {  	s7 =	smul.u32 @!p0 $0xF7A, s2;
	p2 =	seq.s32 @!p0 s5, $0x0  }
0x1f: {  	s9 =	smul.u32 $0xF7A, s1;
	s8 =	simm.s32 @!p0 $0x1BF5;
	p2 =	por !p2, p0  }
0x20: {  	[sflag:s8] =	ssyncset.s32 @!p0 $0xFFFFF086;
	s6 =	sadd.s32 @!p0 s3, s7;
	s7 =	simm.s32 @!p0 $0x108  }
0x21: {  	s3 =	sadd.s32 s3, s9;
	s6 =	sadd.s32 @!p0 $0x88, s6;
	s7 =	simm.s32 @p2 $0x1082  }
0x22: {  	[simem:s7], [sflag:s8] =	dma.local @!p0 [hbm:s6], $0xF7A  }
0x23: {  	s9 =	sor.u32 $0xD0000000, s2;
	s6 =	simm.s32 $0x108;
	_ =	swait.ge @!p0 [sflag:s8], $0x0  }
0x24: {  	s3 =	sadd.s32 $0x88, s3;
	s6 =	simm.s32 @!p1 $0x1082;
	[sflag:s4] =	ssyncset.s32 $0xFFFFF086  }
0x25: {  	[simem:s6], [sflag:s4] =	dma.local [hbm:s3], $0xF7A  }
0x26: {  	[smem:$0x3F94] =	sst s1;
	(tag) =	ssettag s2;
	_ =	strace s9  }
0x27: {  	s1 =	sld [smem:$0x3FA4]  }
0x28: {  	s2 =	sld [smem:$0x3FA5]  }
0x29: {  	s4 =	sld [smem:$0x3FA7]  }
0x2a: {  	p0 =	seq.s32 s5, $0x0;
	s5 =	sld [smem:$0x3FA8]  }
0x2b: {  	s6 =	sld [smem:$0x3FA9]  }
0x2c: {  	s7 =	sld [smem:$0x3FAA]  }
0x2d: {  	s3 =	simm.s32 $0x108;
	s8 =	sld [smem:$0x3FAB]  }
0x2e: {  	s3 =	simm.s32 @!p0 $0x1082;
	s9 =	sld [smem:$0x3FAC]  }
0x2f: {  	lr =	sadd.s32 s0, s3;
	s0 =	sld [smem:$0x3FA3]  }
0x30: {  	s3 =	sld [smem:$0x3FA6]  }
0x31: {  	[smem:$0x3FAF] =	sst s10  }
0x32: {  	s10 =	sld [smem:$0x3FAD];
	_ =	sdelay $0x3  }
0x33: {  	p0 =	seq.s32 s10, $0x1;
	s10 =	sld [smem:$0x3FAF];
	_ =	sdelay $0x3  }
0x34: {  	[smem:$0x3FAF] =	sst s10  }
0x35: {  	s10 =	sld [smem:$0x3FAE];
	_ =	sdelay $0x3  }
0x36: {  	p1 =	seq.s32 s10, $0x1;
	s10 =	sld [smem:$0x3FAF];
	_ =	sdelay $0x3  }
0x37: {  	[smem:$0x3FAF] =	sst s10  }
0x38: {  	s10 =	sld [smem:$0x3FB0]  }
0x39: {  	_ = 	snop;
	(pc) =	sbr.ind lr, $3  }
0x3a: {  	_ = 	snop  }
0x3b: {  	_ = 	snop  }
0x3c: {  	p2 =	seq.s32 s10, $0x1;
	s10 =	sld [smem:$0x3FAF]  }
0x3d: {  	_ =	shalt  }
0x3e: {  	_ =	shalt  }
0x3f: {  	_ =	shalt  }
0x40: {  	_ =	shalt  }
0x41: {  	_ =	shalt  }
0x42: {  	_ =	shalt  }
0x43: {  	_ =	shalt  }
0x44: {  	_ =	shalt  }
0x45: {  	_ =	shalt  }
0x46: {  	_ =	shalt  }
0x47: {  	_ =	shalt  }
0x48: {  	_ =	shalt  }
0x49: {  	_ =	shalt  }
0x4a: {  	_ =	shalt  }
0x4b: {  	_ =	shalt  }
0x4c: {  	_ =	shalt  }
0x4d: {  	_ =	shalt  }
0x4e: {  	_ =	shalt  }
0x4f: {  	_ =	shalt  }
0x50: {  	_ =	shalt  }
0x51: {  	_ =	shalt  }
0x52: {  	_ =	shalt  }
0x53: {  	_ =	shalt  }
0x54: {  	_ =	shalt  }
0x55: {  	_ =	shalt  }
0x56: {  	_ =	shalt  }
0x57: {  	_ =	shalt  }
0x58: {  	_ =	shalt  }
0x59: {  	_ =	shalt  }
0x5a: {  	_ =	shalt  }
0x5b: {  	_ =	shalt  }
0x5c: {  	_ =	shalt  }
0x5d: {  	_ =	shalt  }
0x5e: {  	_ =	shalt  }
0x5f: {  	_ =	shalt  }
0x60: {  	_ =	shalt  }
0x61: {  	_ =	shalt  }
0x62: {  	_ =	shalt  }
0x63: {  	_ =	shalt  }
0x64: {  	_ =	shalt  }
0x65: {  	_ =	shalt  }
0x66: {  	_ =	shalt  }
0x67: {  	_ =	shalt  }
0x68: {  	_ =	shalt  }
0x69: {  	_ =	shalt  }
0x6a: {  	_ =	shalt  }
0x6b: {  	_ =	shalt  }
0x6c: {  	_ =	shalt  }
0x6d: {  	_ =	shalt  }
0x6e: {  	_ =	shalt  }
0x6f: {  	_ =	shalt  }
0x70: {  	_ =	shalt  }
0x71: {  	_ =	shalt  }
0x72: {  	_ =	shalt  }
0x73: {  	_ =	shalt  }
0x74: {  	_ =	shalt  }
0x75: {  	_ =	shalt  }
0x76: {  	_ =	shalt  }
0x77: {  	_ =	shalt  }
0x78: {  	_ =	shalt  }
0x79: {  	_ =	shalt  }
0x7a: {  	_ =	shalt  }
0x7b: {  	_ =	shalt  }
0x7c: {  	_ =	shalt  }
0x7d: {  	_ =	shalt  }
0x7e: {  	_ =	shalt  }
0x7f: {  	_ =	shalt  }
0x80: {  	_ =	shalt  }
0x81: {  	_ =	shalt  }
0x82: {  	_ =	shalt  }
0x83: {  	_ =	shalt  }
0x84: {  	_ =	shalt  }
0x85: {  	_ =	shalt  }
0x86: {  	_ =	shalt  }
0x87: {  	_ =	shalt  }
.Lfunc_end0:
.L_simem_size_0:
called_computation_lowered:
.L_overlay_start_0:
0x88: {  	s2 =	sld [smem:$0x3FD9]  }
0x89: {  	s3 =	sld [smem:$0x3FFE];
	_ =	sdelay $0x1  }
0x8a: {  	s1 =	srdreg.scid  }
0x8b: {  	s0 =	sand.u32 $0x1, s1  }
0x8c: {  	s16 =	sshll.u32 s0, $0xA;
	s2 =	sadd.s32 s3, s2  }
0x8d: {  	s2 =	sadd.s32 s2, s16  }
0x8e: {  	[smem:$0x3FBB] =	sst s2  }
0x8f: {  	_ = 	snop  }
0x90: {  	(tm) =	ssettm $0x1  }
0x91: {  	s17 =	sld [smem:$0x3FFB];
	_ =	sdelay $0x3  }
0x92: {  	_ =	strace s17  }
0x93: {  	s2 =	sld [smem:$0x3FFC];
	_ =	sdelay $0x3  }
0x94: {  	_ =	strace s2  }
0x95: {  	s2 =	sld [smem:$0x3FFD];
	_ =	sdelay $0x3  }
0x96: {  	_ =	strace s2  }
0x97: {  	_ =	strace $0x8FFFFFFF  }
0x98: {  	s18 =	sld [smem:$0x3FDB];
	_ =	sdelay $0x1  }
0x99: {  	s19 =	simm.s32 $_scs_section_size  }
0x9a: {  	s4 =	simm.s32 $_size__tile_overlayer_lowered;
	s5 =	simm.s32 $_tile_overlayer_lowered  }
0x9b: {  	s22 =	simm.s32 $0x1BFF;
	s21 =	sshll.u32 s5, $0x1;
	s2 =	sadd.s32 s19, s18  }
0x9c: {  	s6 =	simm.s32 $0x0;
	s20 =	sshll.u32 s4, $0x1;
	s4 =	sadd.s32 s21, s2  }
0x9d: {  	[timem:s6], [sflag:s22] =	dma.local [hbm:s4], s20  }
0x9e: {  	_ =	swait.ge [sflag:s22], s20  }
0x9f: {  	s3 =	ssub.s32 $0x0, s20;
	[sflag:s22] =	ssyncset.done $0x0  }
0xa0: {  	[sflag:s22] =	ssyncadd.s32 s3;
	_ =	sdelay $0x1  }
0xa1: {  	s23 =	simm.s32 $0x1B8B  }
0xa2: {  	_ =	swait.ge [sflag:s23], $0x1  }
0xa3: {  	[sflag:s23] =	ssyncset.done $0x0  }
0xa4: {  	s25 =	simm.s32 $0x1B8E;
	s24 =	sld [smem:$0x3FFE];
	[sflag:s23] =	ssyncadd.s32 $0xFFFFFFFF  }
0xa5: {  	s26 =	simm.s32 $execute0_lowered;
	[smem:$0x3FD2] =	sst s25  }
0xa6: {  	s4 =	sshll.u32 s26, $0x1;
	_ =	strace $0x80000046;
	[dreg:$0x1] =	wrdreg $0xFFFFFFFF  }
0xa7: {  	s28 =	simm.s32 $_size_execute0_lowered;
	s2 =	sadd.s32 s2, s4;
	[dreg:$0x0] =	wrdreg $0x0  }
0xa8: {  	s4 =	sshll.u32 s28, $0x1;
	[dreg:$0x2] =	wrdreg s2  }
0xa9: {  	[dreg:$0x3] =	wrdreg s4  }
0xaa: {  	[dreg:$0x4] =	wrdreg $0xC0  }
0xab: {  	_ =	task [dreg:s6], $0x5FFFF  }
0xac: {  	[dreg:$0x1] =	wrdreg $0xFFFFFFFF  }
0xad: {  	[dreg:$0x0] =	wrdreg $0x60  }
0xae: {  	[dreg:$0x2] =	wrdreg s24  }
0xaf: {  	[dreg:$0x3] =	wrdreg $0x0  }
0xb0: {  	[dreg:$0x4] =	wrdreg $0x9  }
0xb1: {  	_ =	task.clear_ibuf [dreg:s6], $0x5FFFF;
	_ =	strace $0x90000046  }
0xb2: {  	s29 =	simm.s32 $0x9;
	_ =	strace $0x80000048  }
0xb3: {  	_ =	swait.ge [sflag:s29], $0x1  }
0xb4: {  	[sflag:s29] =	ssyncadd.s32 $0xFFFFFFFF  }
0xb5: {  	_ =	strace $0x90000048  }
0xb6: {  	_ =	sfence  }
0xb7: {  	s30 =	sld [smem:$0x0];
	_ =	sdelay $0x2  }
0xb8: {  	s31 =	sshll.u32 s1, $0xD;
	s1 =	sshrl.u32 s1, $0x2  }
0xb9: {  	s3 =	sand.u32 $0x4000, s31;
	s1 =	sadd.s32 s1, s30  }
0xba: {  	s0 =	sor.u32 s3, s0;
	s1 =	sshll.u32 s1, $0x11  }
0xbb: {  	s0 =	sor.u32 s1, s0  }
0xbc: {  	s0 =	sadd.s32 $0x8F2B, s0  }
0xbd: {  	[sflag:s0] =	ssyncadd.remote.s32 $0x1  }
0xbe: {  	_ =	sfence.sel $0xFFFF  }
0xbf: {  	[dreg:$0x0] =	wrdreg $0xFFFFFFFF;
	(pc) =	sbr.abs _section_cstart, $3  }
0xc0: {  	[dreg:$0x1] =	wrdreg $0xFFFFFFFF  }
0xc1: {  	_ =	task.clear_ibuf [dreg:s6], $0x2FFFF;
	_ =	strace $0x9FFFFFFF  }
0xc2: {  	(tm) =	ssettm $0x7FFFFFFF  }
0xc3: {  	_ =	shalt  }
tec
execute0_lowered:
.L_overlay_start_1:
0x0: {  	(tag) =	ssettag $0x1  }
0x1: {  	s1 =	srdreg.scid;
	s4 =	rddreg [dreg:$0x0]  }
0x2: {  	s0 =	stileid.u32;
	s2 =	rddreg [dreg:$0x1];
	s3 =	simm.s32 $0x0  }
0x3: {  	s10 =	simm.s32 $0x2;
	s11 =	simm.s32 $0x1;
	s12 =	simm.s32 $0x80  }
0x4: {  	s13 =	simm.s32 $0x2A00;
	s16 =	simm.s32 $0x0;
	s5 =	sand.u32 $0x1, s1  }
0x5: {  	s6 =	smul.u32 $0x280, s0;
	s7 =	sshll.u32 s0, $0x1;
	s1 =	rddreg [dreg:$0x2]  }
0x6: {  	[smem:$0x7FF] =	sst s3;
	s14 =	sshll.u32 s0, $0x6;
	s8 =	smul.u32 $0x2800, s5  }
0x7: {  	s7 =	sor.u32 s5, s7;
	_ =	strace $0x80000047;
	s5 =	ssub.s32 $0x2, s5  }
0x8: {  	s14 =	sor.u32 $0x1C02, s14;
	s7 =	smul.u32 $0x4F0, s7;
	s31 =	sshrl.u32 s5, $0x1  }
0x9: {  	s8 =	sadd.s32 s6, s8;
	s9 =	ssub.s32 s5, s31;
	s5 =	sadd.s32 s6, s2  }
0xa: {  	s8 =	sshrl.u32 s8, $0x3;
	s7 =	sadd.s32 s7, s4;
	s15 =	sshrl.u32 s5, $0x3  }
0xb: {  	s8 =	sadd.s32 s8, s4;
	s4 =	sadd.s32 $0xCA00, s7;
	s7 =	smax.u32 s9, $0x1  }
0xc: {  	v0 =	vimm.f32 $1.000000000e+00;
	v1 =	vimm.f32 $0.0e+00;
	s9 =	simm.s32 $0x2A80;
	s6 =	sadd.s32 $0x16800, s8;
	s8 =	simm.s32 $0x280  }
.LBB2_1:
0xd: {  	[tilespmem:$0x2A00] =	vst v0  }
0xe: {  	[tilespmem:$0x2A80] =	vst v1  }
0xf: {  	[tilespmem:$0x2A10] =	vst v0  }
0x10: {  	[tilespmem:$0x2A90] =	vst v1  }
0x11: {  	[tilespmem:$0x2A20] =	vst v0  }
0x12: {  	[tilespmem:$0x2AA0] =	vst v1  }
0x13: {  	[tilespmem:$0x2A30] =	vst v0  }
0x14: {  	[tilespmem:$0x2AB0] =	vst v1  }
0x15: {  	[tilespmem:$0x2A40] =	vst v0  }
0x16: {  	[tilespmem:$0x2AC0] =	vst v1  }
0x17: {  	[tilespmem:$0x2A50] =	vst v0  }
0x18: {  	[tilespmem:$0x2AD0] =	vst v1  }
0x19: {  	[tilespmem:$0x2A60] =	vst v0  }
0x1a: {  	[tilespmem:$0x2AE0] =	vst v1  }
0x1b: {  	[tilespmem:$0x2A70] =	vst v0  }
0x1c: {  	[tilespmem:$0x2AF0] =	vst v1  }
0x1d: {  	[tilespmem:$0x2B00] =	vst v1  }
0x1e: {  	[tilespmem:$0x2B10] =	vst v1  }
0x1f: {  	[tilespmem:$0x2B20] =	vst v1  }
0x20: {  	[tilespmem:$0x2B30] =	vst v1  }
0x21: {  	[tilespmem:$0x2B40] =	vst v1  }
0x22: {  	[tilespmem:$0x2B50] =	vst v1  }
0x23: {  	[tilespmem:$0x2B60] =	vst v1  }
0x24: {  	[tilespmem:$0x2B70] =	vst v1  }
0x25: {  	[tilespmem:$0x2B80] =	vst v1  }
0x26: {  	[tilespmem:$0x2B90] =	vst v1  }
0x27: {  	[tilespmem:$0x2BA0] =	vst v1  }
0x28: {  	[tilespmem:$0x2BB0] =	vst v1  }
0x29: {  	[tilespmem:$0x2BC0] =	vst v1  }
0x2a: {  	[tilespmem:$0x2BD0] =	vst v1  }
0x2b: {  	[tilespmem:$0x2BE0] =	vst v1  }
0x2c: {  	[tilespmem:$0x2BF0] =	vst v1  }
0x2d: {  	[tilespmem:$0x2C00] =	vst v1  }
0x2e: {  	[tilespmem:$0x2C10] =	vst v1  }
0x2f: {  	[tilespmem:$0x2C20] =	vst v1  }
0x30: {  	[tilespmem:$0x2C30] =	vst v1  }
0x31: {  	[tilespmem:$0x2C40] =	vst v1  }
0x32: {  	[tilespmem:$0x2C50] =	vst v1  }
0x33: {  	[tilespmem:$0x2C60] =	vst v1  }
0x34: {  	[tilespmem:$0x2C70] =	vst v1  }
0x35: {  	[tilespmem:$0x2C80] =	vst v1  }
0x36: {  	[tilespmem:$0x2C90] =	vst v1  }
0x37: {  	[tilespmem:$0x2CA0] =	vst v1  }
0x38: {  	[tilespmem:$0x2CB0] =	vst v1  }
0x39: {  	[tilespmem:$0x2CC0] =	vst v1  }
0x3a: {  	[tilespmem:$0x2CD0] =	vst v1  }
0x3b: {  	[tilespmem:$0x2CE0] =	vst v1  }
0x3c: {  	[tilespmem:$0x2CF0] =	vst v1  }
0x3d: {  	[tilespmem:s8], [sflag:$0x1] =	stream.linear.gather [hbm4b:s4+s3], $0x2780, $0x38;
	[tilespmem:$0x2D00] =	vst v63  }
0x3e: {  	_ = 	snop  }
0x3f: {  	[spmem:s5] =	stream.linear.scatter [tilespmem:s9], [sflag:$0x2], $0x280, $0x38;
	[tilespmem:$0x2D00] =	vst v63  }
0x40: {  	_ =	swait.ge [sflag:s10], $0x280  }
0x41: {  	[sflag:s10] =	ssyncset.done $0x0  }
0x42: {  	[sflag:s10] =	ssyncadd.s32 $0xFFFFFD80  }
0x43: {  	_ =	swait.ge [sflag:s11], $0x2780  }
0x44: {  	[sflag:s11] =	ssyncset.done $0x0  }
0x45: {  	[sflag:s11] =	ssyncadd.s32 $0xFFFFD880  }
0x46: {  	s17 =	simm.s32 $0x280;
	[bflag:$0x0] =	sbarrier.arrive $0xFFFF  }
0x47: {  	[spmem:s2] =	stream.indirect.scatter.add.f32 [tilespmem:s13], [sflag:$0x2], $0x1, s17, s12, $0xb8;
	[tilespmem:$0x2D00] =	vst v63  }
0x48: {  	s17 =	simm.s32 $0x200;
	_ =	swait.ge [sflag:s10], $0x80  }
.LBB2_2:
0x49: {  	s18 =	sshra.s32 s17, $0x2;
	[sflag:s10] =	ssyncset.done $0x0;
	p0 =	sne.s32 s17, $0x9C00  }
.Ltmp0:
0x4a: {  	s18 =	sadd.s32 $0x280, s18;
	[sflag:s10] =	ssyncadd.s32 $0xFFFFFF80;
	(pc) =	sbr.rel @p0 .LBB2_2-.Ltmp0, $3  }
0x4b: {  	[spmem:s2] =	stream.indirect.scatter.add.f32 [tilespmem:s13], [sflag:$0x2], $0x1, s18, s12, $0xb8;
	[tilespmem:$0x2D00] =	vst v63  }
0x4c: {  	s17 =	sadd.s32 $0x200, s17;
	_ =	sdelay $0x1  }
0x4d: {  	_ =	swait.ge [sflag:s10], $0x80  }
0x4e: {  	[sflag:s10] =	ssyncset.done $0x0;
	s16 =	sadd.s32 $0x1, s16  }
0x4f: {  	[sflag:s10] =	ssyncadd.s32 $0xFFFFFF80;
	p0 =	sne.s32 s16, s7  }
.Ltmp1:
0x50: {  	[bflag:$0x0] =	sbarrier.arrive $0xFFFF;
	(pc) =	sbr.rel @p0 .LBB2_1-.Ltmp1, $4  }
0x51: {  	[hbm:s6], [sflag:s14] =	dma.local [spmem:s15], $0x50  }
0x52: {  	_ =	swait.ge [sflag:s10], $0x50  }
0x53: {  	[sflag:s10] =	ssyncset.done $0x0  }
0x54: {  	[sflag:s10] =	ssyncadd.s32 $0xFFFFFFB0  }
0x55: {  	_ =	sfence.sel $0x180000  }
0x56: {  	[bflag:$0x0] =	sbarrier.arrive $0xFFFF  }
0x57: {  	p0 =	sne.s32 s0, $0x0;
	_ =	strace $0x90000047  }
0x58: {  	s0 =	sadd.s32 @!p0 $0x100000, s1;
	[bflag:$0x2] =	sbarrier.arrive $0xFFFF  }
0x59: {  	[sflag:s0] =	ssyncadd.tile.s32 @!p0 $0x1;
	_ =	shalt  }
.Lfunc_end2:
_tile_overlayer_lowered:
.L_overlay_start_2:
0x5a: {  	(tag) =	ssettag $0x2  }
0x5b: {  	s0 =	rddreg [dreg:$0x0];
	s2 =	stileid.u32  }
0x5c: {  	s1 =	rddreg [dreg:$0x1];
	p0 =	sne.s32 s2, $0x0  }
0x5d: {  	s3 =	rddreg [dreg:$0x2];
	[bflag:$0x3] =	sbarrier.arrive $0xFFFF;
	s2 =	simm.s32 @!p0 $0x1C02  }
0x5e: {  	[timem:s3], [sflag:s2] =	dma.local @!p0 [hbm:s0], s1  }
0x5f: {  	s0 =	simm.s32 @!p0 $0x2  }
0x60: {  	_ =	swait.ge @!p0 [sflag:s0], s1  }
0x61: {  	s1 =	ssub.s32 @!p0 $0x0, s1;
	[sflag:s0] =	ssyncset.done @!p0 $0x0  }
0x62: {  	[sflag:s0] =	ssyncadd.s32 @!p0 s1  }
0x63: {  	[bflag:$0x3] =	sbarrier.arrive $0xFFFF  }
0x64: {  	_ =	shalt  }

</sc_bundles>
